<compile_context>
chip_gen: v7x
topology: tpu7x:2x2x1
jax: 0.10.2.dev20260603
libtpu: 0.0.44.dev20260713+nightly
codegen_flags: <defaults>
</compile_context>

<pallas_src>
import functools

import jax
import jax.numpy as jnp
from jax import lax
from jax.experimental import pallas as pl
from jax.experimental.pallas import tpu as pltpu
from jax.experimental.pallas import tpu_sc as plsc

_VOX = 96 * 96 * 96
_ROW = 96
_NROW = _VOX // _ROW
_NC, _NS, _L = 2, 16, 16
_NW = _NC * _NS
_CROW = 64
_LB = _ROW // _L

_SC_START = 7168
_SC_ROWS = _NROW - _SC_START
_SC_W = _SC_ROWS // _NS
_NCHUNK = _SC_W // _CROW
_NRING = min(2, _NCHUNK)

_TC_R = 256
_TC_STEPS = _SC_START // _TC_R


def _sc_partials_body(pred_hbm, tgt_hbm, out_hbm, *refs):
    bufs = refs[:7 * _NRING]
    obuf = refs[7 * _NRING]
    sems = refs[7 * _NRING + 1:]
    wid = lax.axis_index("s") * _NC + lax.axis_index("c")
    b = wid // _NS
    wbase = _SC_START + (wid % _NS) * _SC_W

    def copies(k, ring):
        base = wbase + k * _CROW
        bs = bufs[7 * ring:7 * ring + 7]
        descs = []
        for c in range(4):
            descs.append(pltpu.make_async_copy(
                pred_hbm.at[b * 4 + c, pl.ds(base, _CROW), :],
                bs[c], sems[ring]))
        for c in range(3):
            descs.append(pltpu.make_async_copy(
                tgt_hbm.at[b * 4 + 1 + c, pl.ds(base, _CROW), :],
                bs[4 + c], sems[ring]))
        return descs

    def compute(ring, accs):
        pb0, pb1, pb2, pb3, tb1, tb2, tb3 = bufs[7 * ring:7 * ring + 7]

        def body(r, accs):
            for l in range(_LB):
                (ai1, ai2, ai3, ap1, ap2, ap3, at1, at2, at3) = accs
                s = pl.ds(l * _L, _L)
                p0 = pb0[r, s]
                p1 = pb1[r, s]
                p2 = pb2[r, s]
                p3 = pb3[r, s]
                t1 = tb1[r, s]
                t2 = tb2[r, s]
                t3 = tb3[r, s]
                is1 = (p1 > p0) & (p1 >= p2) & (p1 >= p3)
                is2 = (p2 > p0) & (p2 > p1) & (p2 >= p3)
                is3 = (p3 > p0) & (p3 > p1) & (p3 > p2)
                zero = jnp.zeros((_L,), jnp.float32)
                one = jnp.ones((_L,), jnp.float32)
                accs = (
                    ai1 + jnp.where(is1, t1, zero),
                    ai2 + jnp.where(is2, t2, zero),
                    ai3 + jnp.where(is3, t3, zero),
                    ap1 + jnp.where(is1, one, zero),
                    ap2 + jnp.where(is2, one, zero),
                    ap3 + jnp.where(is3, one, zero),
                    at1 + t1,
                    at2 + t2,
                    at3 + t3,
                )
            return accs

        return plsc.parallel_loop(0, _CROW, carry=accs, unroll=2)(body)

    accs = tuple(jnp.zeros((_L,), jnp.float32) for _ in range(9))
    for d in copies(0, 0):
        d.start()
    for k in range(_NCHUNK):
        ring = k % _NRING
        if k + 1 < _NCHUNK:
            for d in copies(k + 1, (k + 1) % _NRING):
                d.start()
        for d in copies(k, ring):
            d.wait()
        accs = compute(ring, accs)
    for k in range(9):
        obuf[k, :] = accs[k]
    pltpu.sync_copy(obuf, out_hbm.at[wid])


@functools.cache
def _sc_partials():
    return pl.kernel(
        _sc_partials_body,
        mesh=plsc.VectorSubcoreMesh(core_axis_name="c", subcore_axis_name="s"),
        out_type=jax.ShapeDtypeStruct((_NW, 9, _L), jnp.float32),
        scratch_types=[pltpu.VMEM((_CROW, _ROW), jnp.float32)] * (7 * _NRING)
        + [pltpu.VMEM((9, _L), jnp.float32)]
        + [pltpu.SemaphoreType.DMA] * _NRING,
    )


def _tc_partials_body(pred_ref, tgta_ref, tgtb_ref, out_ref):
    i = pl.program_id(0)

    @pl.when(i == 0)
    def _():
        out_ref[...] = jnp.zeros_like(out_ref)

    parts = []
    for b in range(2):
        tgt_ref = (tgta_ref, tgtb_ref)[b]
        p0 = pred_ref[4 * b + 0]
        p1 = pred_ref[4 * b + 1]
        p2 = pred_ref[4 * b + 2]
        p3 = pred_ref[4 * b + 3]
        t1 = tgt_ref[0]
        t2 = tgt_ref[1]
        t3 = tgt_ref[2]
        is1 = (p1 > p0) & (p1 >= p2) & (p1 >= p3)
        is2 = (p2 > p0) & (p2 > p1) & (p2 >= p3)
        is3 = (p3 > p0) & (p3 > p1) & (p3 > p2)
        zero = jnp.zeros_like(t1)
        parts.append((
            jnp.where(is1, t1, zero),
            jnp.where(is2, t2, zero),
            jnp.where(is3, t3, zero),
            is1.astype(jnp.float32),
            is2.astype(jnp.float32),
            is3.astype(jnp.float32),
            t1, t2, t3,
        ))
    for k in range(9):
        col = jnp.sum(parts[0][k] + parts[1][k], axis=0, keepdims=True)
        out_ref[k:k + 1, :] = out_ref[k:k + 1, :] + col


@functools.cache
def _tc_partials():
    return pl.pallas_call(
        _tc_partials_body,
        grid=(_TC_STEPS,),
        in_specs=[
            pl.BlockSpec((8, _TC_R, _ROW), lambda i: (0, i, 0)),
            pl.BlockSpec((pl.Element(3), pl.Element(_TC_R), pl.Element(_ROW)),
                         lambda i: (1, i * _TC_R, 0)),
            pl.BlockSpec((pl.Element(3), pl.Element(_TC_R), pl.Element(_ROW)),
                         lambda i: (5, i * _TC_R, 0)),
        ],
        out_specs=pl.BlockSpec((16, _ROW), lambda i: (0, 0)),
        out_shape=jax.ShapeDtypeStruct((16, _ROW), jnp.float32),
    )


def _finalize_body(scp_ref, tcp_ref, pct_ref, tcl_ref, out_ref):
    scp = scp_ref[...]
    tcp = tcp_ref[...]
    s = [jnp.sum(scp[:, k, :]) + jnp.sum(tcp[k, :]) for k in range(9)]

    mdsc = jnp.float32(0.0)
    mppv = jnp.float32(0.0)
    msen = jnp.float32(0.0)
    cnt_t = jnp.float32(0.0)
    cnt_p = jnp.float32(0.0)
    for c in range(3):
        inter, psum, tsum = s[c], s[3 + c], s[6 + c]
        valid_t = (tsum > 0).astype(jnp.float32)
        valid_p = (psum > 0).astype(jnp.float32)
        cnt_t = cnt_t + valid_t
        cnt_p = cnt_p + valid_p
        mdsc = mdsc + valid_t * (2.0 * inter + 1e-5) / (psum + tsum + 1e-5)
        mppv = mppv + valid_p * (inter + 1.0) / (psum + 1.0)
        msen = msen + valid_t * (inter + 1.0) / (tsum + 1.0)
    dsc = jnp.where(cnt_t > 0, mdsc / jnp.maximum(cnt_t, 1.0), mdsc)
    ppv = jnp.where(cnt_p > 0, mppv / jnp.maximum(cnt_p, 1.0), mppv)
    sen = jnp.where(cnt_t > 0, msen / jnp.maximum(cnt_t, 1.0), msen)

    pct = pct_ref[...]
    best = pct[0:1, :]
    idx = jnp.zeros((1, 32), jnp.int32)
    for k in range(1, 4):
        row = pct[k:k + 1, :]
        take = row > best
        idx = jnp.where(take, jnp.int32(k), idx)
        best = jnp.where(take, row, best)
    eq = (idx == tcl_ref[...]).astype(jnp.float32)
    ii = lax.broadcasted_iota(jnp.int32, (1, 32), 1)
    pred_actual = jnp.sum(jnp.where(ii < 2, eq, 0.0)) / 2.0
    pred_stat = jnp.sum(jnp.where(ii >= 2, eq, 0.0)) / 30.0

    oi = lax.broadcasted_iota(jnp.int32, (1, 8), 1)
    out = (jnp.where(oi == 0, dsc, 0.0)
           + jnp.where(oi == 1, ppv, 0.0)
           + jnp.where(oi == 2, sen, 0.0)
           + jnp.where(oi == 3, pred_actual, 0.0)
           + jnp.where(oi == 4, pred_stat, 0.0))
    out_ref[...] = out


def kernel(pred_mask, pred_classes, target_mask, target_class):
    pred96 = pred_mask.reshape(8, _NROW, _ROW)
    tgt96 = target_mask.reshape(8, _NROW, _ROW)
    sc_part = _sc_partials()(pred96, tgt96)
    tc_part = _tc_partials()(pred96, tgt96, tgt96)
    pct = pred_classes.T
    tcl = target_class.astype(jnp.int32).reshape(1, 32)
    out = pl.pallas_call(
        _finalize_body,
        out_shape=jax.ShapeDtypeStruct((1, 8), jnp.float32),
    )(sc_part, tc_part, pct, tcl)
    return out[0, :5]

# --- scband reference (transcript-rebuilt; emitter-appended) ---
"""Pipeline reference for scband-segment-classification-metric-84293028151471 (READ-ONLY COPY).

The authoritative reference and input builder live on the scoring server;
editing this copy changes nothing except your own understanding.
"""

import jax, jax.numpy as jnp
import numpy as np


def _one_hot_argmax(y_pred):
    idx = jnp.argmax(y_pred, axis=1)
    C = y_pred.shape[1]
    oh = jax.nn.one_hot(idx, C, dtype=y_pred.dtype)
    return jnp.moveaxis(oh, -1, 1)


def _dsc(y_pred, y_true):
    C = y_pred.shape[1]
    smooth = 1e-05
    oh = _one_hot_argmax(y_pred)
    mdsc = jnp.asarray(0.0, jnp.float32)
    counts = jnp.asarray(0.0, jnp.float32)
    for c in range(1, C):
        pf = oh[:, c].reshape(-1)
        tf = y_true[:, c].reshape(-1)
        inter = (pf * tf).sum()
        valid = (tf.sum() > 0).astype(jnp.float32)
        counts = counts + valid
        mdsc = mdsc + valid * (2.0 * inter + smooth) / (pf.sum() + tf.sum() + smooth)
    return jnp.where(counts > 0, mdsc / jnp.maximum(counts, 1.0), mdsc)


def _ppv(y_pred, y_true):
    C = y_pred.shape[1]
    smooth = 1.0
    oh = _one_hot_argmax(y_pred)
    mppv = jnp.asarray(0.0, jnp.float32)
    counts = jnp.asarray(0.0, jnp.float32)
    for c in range(1, C):
        pf = oh[:, c].reshape(-1)
        tf = y_true[:, c].reshape(-1)
        inter = (pf * tf).sum()
        valid = (pf.sum() > 0).astype(jnp.float32)
        counts = counts + valid
        mppv = mppv + valid * (inter + smooth) / (pf.sum() + smooth)
    return jnp.where(counts > 0, mppv / jnp.maximum(counts, 1.0), mppv)


def _sen(y_pred, y_true):
    C = y_pred.shape[1]
    smooth = 1.0
    oh = _one_hot_argmax(y_pred)
    msen = jnp.asarray(0.0, jnp.float32)
    counts = jnp.asarray(0.0, jnp.float32)
    for c in range(1, C):
        pf = oh[:, c].reshape(-1)
        tf = y_true[:, c].reshape(-1)
        inter = (pf * tf).sum()
        valid = (tf.sum() > 0).astype(jnp.float32)
        counts = counts + valid
        msen = msen + valid * (inter + smooth) / (tf.sum() + smooth)
    return jnp.where(counts > 0, msen / jnp.maximum(counts, 1.0), msen)


def setup_inputs(seed: int = 0) -> dict:
    key = jax.random.key(seed)
    k1, k2, k3, k4 = jax.random.split(key, 4)
    pred_mask = jax.random.uniform(k1, (2, 4, 96, 96, 96), dtype=jnp.float32)
    pred_classes = jax.random.normal(k2, (32, 4), dtype=jnp.float32)
    target_mask = jax.random.uniform(k3, (2, 4, 96, 96, 96), dtype=jnp.float32)
    target_class = jax.random.randint(k4, (32,), 0, 4, dtype=jnp.int64 if jax.config.jax_enable_x64 else jnp.int32)
    return {"pred_mask": pred_mask, "pred_classes": pred_classes, "target_mask": target_mask, "target_class": target_class}


def reference(pred_mask, pred_classes, target_mask, target_class):
    dsc = _dsc(pred_mask, target_mask)
    ppv = _ppv(pred_mask, target_mask)
    sen = _sen(pred_mask, target_mask)
    pred_label = jnp.argmax(pred_classes, axis=1)
    size = min(pred_label.shape[0], pred_classes.shape[0])
    equal = (pred_label[:size] == target_class[:size])
    num_actual = pred_mask.shape[0]
    num_stat = max(pred_label.shape[0] - num_actual, 1)
    pred_actual = equal[:num_actual].sum().astype(jnp.float32) / num_actual
    pred_stat = equal[num_actual:].sum().astype(jnp.float32) / num_stat
    return jnp.stack([dsc, ppv, sen, pred_actual, pred_stat])

if __name__ == "__main__":
    import jax
    _d = setup_inputs()
    print(jax.jit(kernel)(*tuple(_d.values())))

</pallas_src>

<mosaic_0001>
#map = affine_map<(d0, d1) -> (0, 0, 0)>
module attributes {stable_mosaic.version = 14 : i64} {
  func.func @_sc_partials_body(%arg0: i32, %arg1: i32, %arg2: memref<8x9216x96xf32, #tpu.memory_space<hbm>>, %arg3: memref<8x9216x96xf32, #tpu.memory_space<hbm>>, %arg4: memref<32x9x16xf32, #tpu.memory_space<hbm>>, %arg5: memref<64x96xf32, #tpu.memory_space<vmem>>, %arg6: memref<64x96xf32, #tpu.memory_space<vmem>>, %arg7: memref<64x96xf32, #tpu.memory_space<vmem>>, %arg8: memref<64x96xf32, #tpu.memory_space<vmem>>, %arg9: memref<64x96xf32, #tpu.memory_space<vmem>>, %arg10: memref<64x96xf32, #tpu.memory_space<vmem>>, %arg11: memref<64x96xf32, #tpu.memory_space<vmem>>, %arg12: memref<64x96xf32, #tpu.memory_space<vmem>>, %arg13: memref<64x96xf32, #tpu.memory_space<vmem>>, %arg14: memref<64x96xf32, #tpu.memory_space<vmem>>, %arg15: memref<64x96xf32, #tpu.memory_space<vmem>>, %arg16: memref<64x96xf32, #tpu.memory_space<vmem>>, %arg17: memref<64x96xf32, #tpu.memory_space<vmem>>, %arg18: memref<64x96xf32, #tpu.memory_space<vmem>>, %arg19: memref<9x16xf32, #tpu.memory_space<vmem>>, %arg20: memref<!tpu.dma_semaphore, #tpu.memory_space<semaphore_mem>>, %arg21: memref<!tpu.dma_semaphore, #tpu.memory_space<semaphore_mem>>) attributes {dimension_semantics = [#tpu.dimension_semantics<core_parallel>, #tpu.dimension_semantics<subcore_parallel>], iteration_bounds = array<i64: 2, 16>, scalar_prefetch = 0 : i64, scratch_operands = 17 : i64, tpu.core_type = #tpu.core_type<sc_vector_subcore>, window_params = [{transform_indices = #map}, {transform_indices = #map}, {transform_indices = #map}]} {
    %mul3A = arith.constant 2 : i32
    %mul3A_0 = arith.muli %arg1, %mul3A : i32
    %add3A = arith.addi %mul3A_0, %arg0 : i32
    %jit3A = arith.constant 16 : i32
    %div3A = arith.divsi %add3A, %jit3A : i32
    %sign3A = arith.constant 0 : i32
    %sign3A_1 = arith.cmpi sgt, %add3A, %sign3A : i32
    %sign3A_2 = arith.extui %sign3A_1 : i1 to i32
    %sign3A_3 = arith.constant 0 : i32
    %sign3A_4 = arith.cmpi slt, %add3A, %sign3A_3 : i32
    %sign3A_5 = arith.extui %sign3A_4 : i1 to i32
    %sign3A_6 = arith.subi %sign3A_2, %sign3A_5 : i32
    %sign3A_7 = arith.constant 0 : i32
    %sign3A_8 = arith.cmpi sgt, %jit3A, %sign3A_7 : i32
    %sign3A_9 = arith.extui %sign3A_8 : i1 to i32
    %sign3A_10 = arith.constant 0 : i32
    %sign3A_11 = arith.cmpi slt, %jit3A, %sign3A_10 : i32
    %sign3A_12 = arith.extui %sign3A_11 : i1 to i32
    %sign3A_13 = arith.subi %sign3A_9, %sign3A_12 : i32
    %ne3A = arith.cmpi ne, %sign3A_6, %sign3A_13 : i32
    %rem3A = arith.remsi %add3A, %jit3A : i32
    %ne3A_14 = arith.constant 0 : i32
    %ne3A_15 = arith.cmpi ne, %rem3A, %ne3A_14 : i32
    %and3A = arith.andi %ne3A, %ne3A_15 : i1
    %sub3A = arith.constant 1 : i32
    %sub3A_16 = arith.subi %div3A, %sub3A : i32
    %select_n3A = arith.select %and3A, %sub3A_16, %div3A : i32
    %jit3A_17 = arith.constant 16 : i32
    %eq3A = arith.constant 0 : i32
    %eq3A_18 = arith.cmpi eq, %jit3A_17, %eq3A : i32
    %jit3A_19 = arith.constant 1 : i32
    %select_n3A_20 = arith.select %eq3A_18, %jit3A_19, %jit3A_17 : i32
    %rem3A_21 = arith.remsi %add3A, %select_n3A_20 : i32
    %ne3A_22 = arith.constant 0 : i32
    %ne3A_23 = arith.cmpi ne, %rem3A_21, %ne3A_22 : i32
    %lt3A = arith.constant 0 : i32
    %lt3A_24 = arith.cmpi slt, %rem3A_21, %lt3A : i32
    %lt3A_25 = arith.constant 0 : i32
    %lt3A_26 = arith.cmpi slt, %select_n3A_20, %lt3A_25 : i32
    %ne3A_27 = arith.xori %lt3A_24, %lt3A_26 : i1
    %and3A_28 = arith.andi %ne3A_27, %ne3A_23 : i1
    %add3A_29 = arith.addi %rem3A_21, %select_n3A_20 : i32
    %select_n3A_30 = arith.select %and3A_28, %add3A_29, %rem3A_21 : i32
    %mul3A_31 = arith.constant 128 : i32
    %mul3A_32 = arith.muli %select_n3A_30, %mul3A_31 : i32
    %add3A_33 = arith.constant 7168 : i32
    %add3A_34 = arith.addi %add3A_33, %mul3A_32 : i32
    %broadcast_in_dim3A = arith.constant 0.000000e+00 : f32
    %broadcast_in_dim3A_35 = vector.broadcast %broadcast_in_dim3A : f32 to vector<16xf32>
    %broadcast_in_dim3A_36 = arith.constant 0.000000e+00 : f32
    %broadcast_in_dim3A_37 = vector.broadcast %broadcast_in_dim3A_36 : f32 to vector<16xf32>
    %broadcast_in_dim3A_38 = arith.constant 0.000000e+00 : f32
    %broadcast_in_dim3A_39 = vector.broadcast %broadcast_in_dim3A_38 : f32 to vector<16xf32>
    %broadcast_in_dim3A_40 = arith.constant 0.000000e+00 : f32
    %broadcast_in_dim3A_41 = vector.broadcast %broadcast_in_dim3A_40 : f32 to vector<16xf32>
    %broadcast_in_dim3A_42 = arith.constant 0.000000e+00 : f32
    %broadcast_in_dim3A_43 = vector.broadcast %broadcast_in_dim3A_42 : f32 to vector<16xf32>
    %broadcast_in_dim3A_44 = arith.constant 0.000000e+00 : f32
    %broadcast_in_dim3A_45 = vector.broadcast %broadcast_in_dim3A_44 : f32 to vector<16xf32>
    %broadcast_in_dim3A_46 = arith.constant 0.000000e+00 : f32
    %broadcast_in_dim3A_47 = vector.broadcast %broadcast_in_dim3A_46 : f32 to vector<16xf32>
    %broadcast_in_dim3A_48 = arith.constant 0.000000e+00 : f32
    %broadcast_in_dim3A_49 = vector.broadcast %broadcast_in_dim3A_48 : f32 to vector<16xf32>
    %broadcast_in_dim3A_50 = arith.constant 0.000000e+00 : f32
    %broadcast_in_dim3A_51 = vector.broadcast %broadcast_in_dim3A_50 : f32 to vector<16xf32>
    %add3A_52 = arith.constant 0 : i32
    %add3A_53 = arith.addi %add3A_34, %add3A_52 : i32
    %mul3A_54 = arith.constant 4 : i32
    %mul3A_55 = arith.muli %select_n3A, %mul3A_54 : i32
    %add3A_56 = arith.constant 0 : i32
    %add3A_57 = arith.addi %mul3A_55, %add3A_56 : i32
    %mul3A_58 = arith.constant 4 : i32
    %mul3A_59 = arith.muli %select_n3A, %mul3A_58 : i32
    %add3A_60 = arith.constant 1 : i32
    %add3A_61 = arith.addi %mul3A_59, %add3A_60 : i32
    %mul3A_62 = arith.constant 4 : i32
    %mul3A_63 = arith.muli %select_n3A, %mul3A_62 : i32
    %add3A_64 = arith.constant 2 : i32
    %add3A_65 = arith.addi %mul3A_63, %add3A_64 : i32
    %mul3A_66 = arith.constant 4 : i32
    %mul3A_67 = arith.muli %select_n3A, %mul3A_66 : i32
    %add3A_68 = arith.constant 3 : i32
    %add3A_69 = arith.addi %mul3A_67, %add3A_68 : i32
    %mul3A_70 = arith.constant 4 : i32
    %mul3A_71 = arith.muli %select_n3A, %mul3A_70 : i32
    %add3A_72 = arith.constant 1 : i32
    %add3A_73 = arith.addi %mul3A_71, %add3A_72 : i32
    %add3A_74 = arith.constant 0 : i32
    %add3A_75 = arith.addi %add3A_73, %add3A_74 : i32
    %mul3A_76 = arith.constant 4 : i32
    %mul3A_77 = arith.muli %select_n3A, %mul3A_76 : i32
    %add3A_78 = arith.constant 1 : i32
    %add3A_79 = arith.addi %mul3A_77, %add3A_78 : i32
    %add3A_80 = arith.constant 1 : i32
    %add3A_81 = arith.addi %add3A_79, %add3A_80 : i32
    %mul3A_82 = arith.constant 4 : i32
    %mul3A_83 = arith.muli %select_n3A, %mul3A_82 : i32
    %add3A_84 = arith.constant 1 : i32
    %add3A_85 = arith.addi %mul3A_83, %add3A_84 : i32
    %add3A_86 = arith.constant 2 : i32
    %add3A_87 = arith.addi %add3A_85, %add3A_86 : i32
    %dma_start3A = arith.constant 0 : i32
    %dma_start3A_88 = tpu.memref_slice %arg2[%add3A_57, %add3A_53, %dma_start3A] : memref<8x9216x96xf32, #tpu.memory_space<hbm>> -> memref<1x64x96xf32, #tpu.memory_space<hbm>>
    %dma_start3A_89 = tpu.memref_squeeze %dma_start3A_88 : memref<1x64x96xf32, #tpu.memory_space<hbm>> -> memref<64x96xf32, #tpu.memory_space<hbm>>
    %dma_start3A_90 = arith.constant 0 : i32
    %dma_start3A_91 = tpu.memref_slice %arg2[%add3A_57, %add3A_53, %dma_start3A_90] : memref<8x9216x96xf32, #tpu.memory_space<hbm>> -> memref<1x64x96xf32, #tpu.memory_space<hbm>>
    %dma_start3A_92 = tpu.memref_squeeze %dma_start3A_91 : memref<1x64x96xf32, #tpu.memory_space<hbm>> -> memref<64x96xf32, #tpu.memory_space<hbm>>
    tpu.enqueue_dma source(%dma_start3A_92 : memref<64x96xf32, #tpu.memory_space<hbm>>) target(%arg5 : memref<64x96xf32, #tpu.memory_space<vmem>>) target_semaphore(%arg20 : memref<!tpu.dma_semaphore, #tpu.memory_space<semaphore_mem>>)
    %dma_start3A_93 = arith.constant 0 : i32
    %dma_start3A_94 = tpu.memref_slice %arg2[%add3A_61, %add3A_53, %dma_start3A_93] : memref<8x9216x96xf32, #tpu.memory_space<hbm>> -> memref<1x64x96xf32, #tpu.memory_space<hbm>>
    %dma_start3A_95 = tpu.memref_squeeze %dma_start3A_94 : memref<1x64x96xf32, #tpu.memory_space<hbm>> -> memref<64x96xf32, #tpu.memory_space<hbm>>
    %dma_start3A_96 = arith.constant 0 : i32
    %dma_start3A_97 = tpu.memref_slice %arg2[%add3A_61, %add3A_53, %dma_start3A_96] : memref<8x9216x96xf32, #tpu.memory_space<hbm>> -> memref<1x64x96xf32, #tpu.memory_space<hbm>>
    %dma_start3A_98 = tpu.memref_squeeze %dma_start3A_97 : memref<1x64x96xf32, #tpu.memory_space<hbm>> -> memref<64x96xf32, #tpu.memory_space<hbm>>
    tpu.enqueue_dma source(%dma_start3A_98 : memref<64x96xf32, #tpu.memory_space<hbm>>) target(%arg6 : memref<64x96xf32, #tpu.memory_space<vmem>>) target_semaphore(%arg20 : memref<!tpu.dma_semaphore, #tpu.memory_space<semaphore_mem>>)
    %dma_start3A_99 = arith.constant 0 : i32
    %dma_start3A_100 = tpu.memref_slice %arg2[%add3A_65, %add3A_53, %dma_start3A_99] : memref<8x9216x96xf32, #tpu.memory_space<hbm>> -> memref<1x64x96xf32, #tpu.memory_space<hbm>>
    %dma_start3A_101 = tpu.memref_squeeze %dma_start3A_100 : memref<1x64x96xf32, #tpu.memory_space<hbm>> -> memref<64x96xf32, #tpu.memory_space<hbm>>
    %dma_start3A_102 = arith.constant 0 : i32
    %dma_start3A_103 = tpu.memref_slice %arg2[%add3A_65, %add3A_53, %dma_start3A_102] : memref<8x9216x96xf32, #tpu.memory_space<hbm>> -> memref<1x64x96xf32, #tpu.memory_space<hbm>>
    %dma_start3A_104 = tpu.memref_squeeze %dma_start3A_103 : memref<1x64x96xf32, #tpu.memory_space<hbm>> -> memref<64x96xf32, #tpu.memory_space<hbm>>
    tpu.enqueue_dma source(%dma_start3A_104 : memref<64x96xf32, #tpu.memory_space<hbm>>) target(%arg7 : memref<64x96xf32, #tpu.memory_space<vmem>>) target_semaphore(%arg20 : memref<!tpu.dma_semaphore, #tpu.memory_space<semaphore_mem>>)
    %dma_start3A_105 = arith.constant 0 : i32
    %dma_start3A_106 = tpu.memref_slice %arg2[%add3A_69, %add3A_53, %dma_start3A_105] : memref<8x9216x96xf32, #tpu.memory_space<hbm>> -> memref<1x64x96xf32, #tpu.memory_space<hbm>>
    %dma_start3A_107 = tpu.memref_squeeze %dma_start3A_106 : memref<1x64x96xf32, #tpu.memory_space<hbm>> -> memref<64x96xf32, #tpu.memory_space<hbm>>
    %dma_start3A_108 = arith.constant 0 : i32
    %dma_start3A_109 = tpu.memref_slice %arg2[%add3A_69, %add3A_53, %dma_start3A_108] : memref<8x9216x96xf32, #tpu.memory_space<hbm>> -> memref<1x64x96xf32, #tpu.memory_space<hbm>>
    %dma_start3A_110 = tpu.memref_squeeze %dma_start3A_109 : memref<1x64x96xf32, #tpu.memory_space<hbm>> -> memref<64x96xf32, #tpu.memory_space<hbm>>
    tpu.enqueue_dma source(%dma_start3A_110 : memref<64x96xf32, #tpu.memory_space<hbm>>) target(%arg8 : memref<64x96xf32, #tpu.memory_space<vmem>>) target_semaphore(%arg20 : memref<!tpu.dma_semaphore, #tpu.memory_space<semaphore_mem>>)
    %dma_start3A_111 = arith.constant 0 : i32
    %dma_start3A_112 = tpu.memref_slice %arg3[%add3A_75, %add3A_53, %dma_start3A_111] : memref<8x9216x96xf32, #tpu.memory_space<hbm>> -> memref<1x64x96xf32, #tpu.memory_space<hbm>>
    %dma_start3A_113 = tpu.memref_squeeze %dma_start3A_112 : memref<1x64x96xf32, #tpu.memory_space<hbm>> -> memref<64x96xf32, #tpu.memory_space<hbm>>
    %dma_start3A_114 = arith.constant 0 : i32
    %dma_start3A_115 = tpu.memref_slice %arg3[%add3A_75, %add3A_53, %dma_start3A_114] : memref<8x9216x96xf32, #tpu.memory_space<hbm>> -> memref<1x64x96xf32, #tpu.memory_space<hbm>>
    %dma_start3A_116 = tpu.memref_squeeze %dma_start3A_115 : memref<1x64x96xf32, #tpu.memory_space<hbm>> -> memref<64x96xf32, #tpu.memory_space<hbm>>
    tpu.enqueue_dma source(%dma_start3A_116 : memref<64x96xf32, #tpu.memory_space<hbm>>) target(%arg9 : memref<64x96xf32, #tpu.memory_space<vmem>>) target_semaphore(%arg20 : memref<!tpu.dma_semaphore, #tpu.memory_space<semaphore_mem>>)
    %dma_start3A_117 = arith.constant 0 : i32
    %dma_start3A_118 = tpu.memref_slice %arg3[%add3A_81, %add3A_53, %dma_start3A_117] : memref<8x9216x96xf32, #tpu.memory_space<hbm>> -> memref<1x64x96xf32, #tpu.memory_space<hbm>>
    %dma_start3A_119 = tpu.memref_squeeze %dma_start3A_118 : memref<1x64x96xf32, #tpu.memory_space<hbm>> -> memref<64x96xf32, #tpu.memory_space<hbm>>
    %dma_start3A_120 = arith.constant 0 : i32
    %dma_start3A_121 = tpu.memref_slice %arg3[%add3A_81, %add3A_53, %dma_start3A_120] : memref<8x9216x96xf32, #tpu.memory_space<hbm>> -> memref<1x64x96xf32, #tpu.memory_space<hbm>>
    %dma_start3A_122 = tpu.memref_squeeze %dma_start3A_121 : memref<1x64x96xf32, #tpu.memory_space<hbm>> -> memref<64x96xf32, #tpu.memory_space<hbm>>
    tpu.enqueue_dma source(%dma_start3A_122 : memref<64x96xf32, #tpu.memory_space<hbm>>) target(%arg10 : memref<64x96xf32, #tpu.memory_space<vmem>>) target_semaphore(%arg20 : memref<!tpu.dma_semaphore, #tpu.memory_space<semaphore_mem>>)
    %dma_start3A_123 = arith.constant 0 : i32
    %dma_start3A_124 = tpu.memref_slice %arg3[%add3A_87, %add3A_53, %dma_start3A_123] : memref<8x9216x96xf32, #tpu.memory_space<hbm>> -> memref<1x64x96xf32, #tpu.memory_space<hbm>>
    %dma_start3A_125 = tpu.memref_squeeze %dma_start3A_124 : memref<1x64x96xf32, #tpu.memory_space<hbm>> -> memref<64x96xf32, #tpu.memory_space<hbm>>
    %dma_start3A_126 = arith.constant 0 : i32
    %dma_start3A_127 = tpu.memref_slice %arg3[%add3A_87, %add3A_53, %dma_start3A_126] : memref<8x9216x96xf32, #tpu.memory_space<hbm>> -> memref<1x64x96xf32, #tpu.memory_space<hbm>>
    %dma_start3A_128 = tpu.memref_squeeze %dma_start3A_127 : memref<1x64x96xf32, #tpu.memory_space<hbm>> -> memref<64x96xf32, #tpu.memory_space<hbm>>
    tpu.enqueue_dma source(%dma_start3A_128 : memref<64x96xf32, #tpu.memory_space<hbm>>) target(%arg11 : memref<64x96xf32, #tpu.memory_space<vmem>>) target_semaphore(%arg20 : memref<!tpu.dma_semaphore, #tpu.memory_space<semaphore_mem>>)
    %add3A_129 = arith.constant 64 : i32
    %add3A_130 = arith.addi %add3A_34, %add3A_129 : i32
    %mul3A_131 = arith.constant 4 : i32
    %mul3A_132 = arith.muli %select_n3A, %mul3A_131 : i32
    %add3A_133 = arith.constant 0 : i32
    %add3A_134 = arith.addi %mul3A_132, %add3A_133 : i32
    %mul3A_135 = arith.constant 4 : i32
    %mul3A_136 = arith.muli %select_n3A, %mul3A_135 : i32
    %add3A_137 = arith.constant 1 : i32
    %add3A_138 = arith.addi %mul3A_136, %add3A_137 : i32
    %mul3A_139 = arith.constant 4 : i32
    %mul3A_140 = arith.muli %select_n3A, %mul3A_139 : i32
    %add3A_141 = arith.constant 2 : i32
    %add3A_142 = arith.addi %mul3A_140, %add3A_141 : i32
    %mul3A_143 = arith.constant 4 : i32
    %mul3A_144 = arith.muli %select_n3A, %mul3A_143 : i32
    %add3A_145 = arith.constant 3 : i32
    %add3A_146 = arith.addi %mul3A_144, %add3A_145 : i32
    %mul3A_147 = arith.constant 4 : i32
    %mul3A_148 = arith.muli %select_n3A, %mul3A_147 : i32
    %add3A_149 = arith.constant 1 : i32
    %add3A_150 = arith.addi %mul3A_148, %add3A_149 : i32
    %add3A_151 = arith.constant 0 : i32
    %add3A_152 = arith.addi %add3A_150, %add3A_151 : i32
    %mul3A_153 = arith.constant 4 : i32
    %mul3A_154 = arith.muli %select_n3A, %mul3A_153 : i32
    %add3A_155 = arith.constant 1 : i32
    %add3A_156 = arith.addi %mul3A_154, %add3A_155 : i32
    %add3A_157 = arith.constant 1 : i32
    %add3A_158 = arith.addi %add3A_156, %add3A_157 : i32
    %mul3A_159 = arith.constant 4 : i32
    %mul3A_160 = arith.muli %select_n3A, %mul3A_159 : i32
    %add3A_161 = arith.constant 1 : i32
    %add3A_162 = arith.addi %mul3A_160, %add3A_161 : i32
    %add3A_163 = arith.constant 2 : i32
    %add3A_164 = arith.addi %add3A_162, %add3A_163 : i32
    %dma_start3A_165 = arith.constant 0 : i32
    %dma_start3A_166 = tpu.memref_slice %arg2[%add3A_134, %add3A_130, %dma_start3A_165] : memref<8x9216x96xf32, #tpu.memory_space<hbm>> -> memref<1x64x96xf32, #tpu.memory_space<hbm>>
    %dma_start3A_167 = tpu.memref_squeeze %dma_start3A_166 : memref<1x64x96xf32, #tpu.memory_space<hbm>> -> memref<64x96xf32, #tpu.memory_space<hbm>>
    %dma_start3A_168 = arith.constant 0 : i32
    %dma_start3A_169 = tpu.memref_slice %arg2[%add3A_134, %add3A_130, %dma_start3A_168] : memref<8x9216x96xf32, #tpu.memory_space<hbm>> -> memref<1x64x96xf32, #tpu.memory_space<hbm>>
    %dma_start3A_170 = tpu.memref_squeeze %dma_start3A_169 : memref<1x64x96xf32, #tpu.memory_space<hbm>> -> memref<64x96xf32, #tpu.memory_space<hbm>>
    tpu.enqueue_dma source(%dma_start3A_170 : memref<64x96xf32, #tpu.memory_space<hbm>>) target(%arg12 : memref<64x96xf32, #tpu.memory_space<vmem>>) target_semaphore(%arg21 : memref<!tpu.dma_semaphore, #tpu.memory_space<semaphore_mem>>)
    %dma_start3A_171 = arith.constant 0 : i32
    %dma_start3A_172 = tpu.memref_slice %arg2[%add3A_138, %add3A_130, %dma_start3A_171] : memref<8x9216x96xf32, #tpu.memory_space<hbm>> -> memref<1x64x96xf32, #tpu.memory_space<hbm>>
    %dma_start3A_173 = tpu.memref_squeeze %dma_start3A_172 : memref<1x64x96xf32, #tpu.memory_space<hbm>> -> memref<64x96xf32, #tpu.memory_space<hbm>>
    %dma_start3A_174 = arith.constant 0 : i32
    %dma_start3A_175 = tpu.memref_slice %arg2[%add3A_138, %add3A_130, %dma_start3A_174] : memref<8x9216x96xf32, #tpu.memory_space<hbm>> -> memref<1x64x96xf32, #tpu.memory_space<hbm>>
    %dma_start3A_176 = tpu.memref_squeeze %dma_start3A_175 : memref<1x64x96xf32, #tpu.memory_space<hbm>> -> memref<64x96xf32, #tpu.memory_space<hbm>>
    tpu.enqueue_dma source(%dma_start3A_176 : memref<64x96xf32, #tpu.memory_space<hbm>>) target(%arg13 : memref<64x96xf32, #tpu.memory_space<vmem>>) target_semaphore(%arg21 : memref<!tpu.dma_semaphore, #tpu.memory_space<semaphore_mem>>)
    %dma_start3A_177 = arith.constant 0 : i32
    %dma_start3A_178 = tpu.memref_slice %arg2[%add3A_142, %add3A_130, %dma_start3A_177] : memref<8x9216x96xf32, #tpu.memory_space<hbm>> -> memref<1x64x96xf32, #tpu.memory_space<hbm>>
    %dma_start3A_179 = tpu.memref_squeeze %dma_start3A_178 : memref<1x64x96xf32, #tpu.memory_space<hbm>> -> memref<64x96xf32, #tpu.memory_space<hbm>>
    %dma_start3A_180 = arith.constant 0 : i32
    %dma_start3A_181 = tpu.memref_slice %arg2[%add3A_142, %add3A_130, %dma_start3A_180] : memref<8x9216x96xf32, #tpu.memory_space<hbm>> -> memref<1x64x96xf32, #tpu.memory_space<hbm>>
    %dma_start3A_182 = tpu.memref_squeeze %dma_start3A_181 : memref<1x64x96xf32, #tpu.memory_space<hbm>> -> memref<64x96xf32, #tpu.memory_space<hbm>>
    tpu.enqueue_dma source(%dma_start3A_182 : memref<64x96xf32, #tpu.memory_space<hbm>>) target(%arg14 : memref<64x96xf32, #tpu.memory_space<vmem>>) target_semaphore(%arg21 : memref<!tpu.dma_semaphore, #tpu.memory_space<semaphore_mem>>)
    %dma_start3A_183 = arith.constant 0 : i32
    %dma_start3A_184 = tpu.memref_slice %arg2[%add3A_146, %add3A_130, %dma_start3A_183] : memref<8x9216x96xf32, #tpu.memory_space<hbm>> -> memref<1x64x96xf32, #tpu.memory_space<hbm>>
    %dma_start3A_185 = tpu.memref_squeeze %dma_start3A_184 : memref<1x64x96xf32, #tpu.memory_space<hbm>> -> memref<64x96xf32, #tpu.memory_space<hbm>>
    %dma_start3A_186 = arith.constant 0 : i32
    %dma_start3A_187 = tpu.memref_slice %arg2[%add3A_146, %add3A_130, %dma_start3A_186] : memref<8x9216x96xf32, #tpu.memory_space<hbm>> -> memref<1x64x96xf32, #tpu.memory_space<hbm>>
    %dma_start3A_188 = tpu.memref_squeeze %dma_start3A_187 : memref<1x64x96xf32, #tpu.memory_space<hbm>> -> memref<64x96xf32, #tpu.memory_space<hbm>>
    tpu.enqueue_dma source(%dma_start3A_188 : memref<64x96xf32, #tpu.memory_space<hbm>>) target(%arg15 : memref<64x96xf32, #tpu.memory_space<vmem>>) target_semaphore(%arg21 : memref<!tpu.dma_semaphore, #tpu.memory_space<semaphore_mem>>)
    %dma_start3A_189 = arith.constant 0 : i32
    %dma_start3A_190 = tpu.memref_slice %arg3[%add3A_152, %add3A_130, %dma_start3A_189] : memref<8x9216x96xf32, #tpu.memory_space<hbm>> -> memref<1x64x96xf32, #tpu.memory_space<hbm>>
    %dma_start3A_191 = tpu.memref_squeeze %dma_start3A_190 : memref<1x64x96xf32, #tpu.memory_space<hbm>> -> memref<64x96xf32, #tpu.memory_space<hbm>>
    %dma_start3A_192 = arith.constant 0 : i32
    %dma_start3A_193 = tpu.memref_slice %arg3[%add3A_152, %add3A_130, %dma_start3A_192] : memref<8x9216x96xf32, #tpu.memory_space<hbm>> -> memref<1x64x96xf32, #tpu.memory_space<hbm>>
    %dma_start3A_194 = tpu.memref_squeeze %dma_start3A_193 : memref<1x64x96xf32, #tpu.memory_space<hbm>> -> memref<64x96xf32, #tpu.memory_space<hbm>>
    tpu.enqueue_dma source(%dma_start3A_194 : memref<64x96xf32, #tpu.memory_space<hbm>>) target(%arg16 : memref<64x96xf32, #tpu.memory_space<vmem>>) target_semaphore(%arg21 : memref<!tpu.dma_semaphore, #tpu.memory_space<semaphore_mem>>)
    %dma_start3A_195 = arith.constant 0 : i32
    %dma_start3A_196 = tpu.memref_slice %arg3[%add3A_158, %add3A_130, %dma_start3A_195] : memref<8x9216x96xf32, #tpu.memory_space<hbm>> -> memref<1x64x96xf32, #tpu.memory_space<hbm>>
    %dma_start3A_197 = tpu.memref_squeeze %dma_start3A_196 : memref<1x64x96xf32, #tpu.memory_space<hbm>> -> memref<64x96xf32, #tpu.memory_space<hbm>>
    %dma_start3A_198 = arith.constant 0 : i32
    %dma_start3A_199 = tpu.memref_slice %arg3[%add3A_158, %add3A_130, %dma_start3A_198] : memref<8x9216x96xf32, #tpu.memory_space<hbm>> -> memref<1x64x96xf32, #tpu.memory_space<hbm>>
    %dma_start3A_200 = tpu.memref_squeeze %dma_start3A_199 : memref<1x64x96xf32, #tpu.memory_space<hbm>> -> memref<64x96xf32, #tpu.memory_space<hbm>>
    tpu.enqueue_dma source(%dma_start3A_200 : memref<64x96xf32, #tpu.memory_space<hbm>>) target(%arg17 : memref<64x96xf32, #tpu.memory_space<vmem>>) target_semaphore(%arg21 : memref<!tpu.dma_semaphore, #tpu.memory_space<semaphore_mem>>)
    %dma_start3A_201 = arith.constant 0 : i32
    %dma_start3A_202 = tpu.memref_slice %arg3[%add3A_164, %add3A_130, %dma_start3A_201] : memref<8x9216x96xf32, #tpu.memory_space<hbm>> -> memref<1x64x96xf32, #tpu.memory_space<hbm>>
    %dma_start3A_203 = tpu.memref_squeeze %dma_start3A_202 : memref<1x64x96xf32, #tpu.memory_space<hbm>> -> memref<64x96xf32, #tpu.memory_space<hbm>>
    %dma_start3A_204 = arith.constant 0 : i32
    %dma_start3A_205 = tpu.memref_slice %arg3[%add3A_164, %add3A_130, %dma_start3A_204] : memref<8x9216x96xf32, #tpu.memory_space<hbm>> -> memref<1x64x96xf32, #tpu.memory_space<hbm>>
    %dma_start3A_206 = tpu.memref_squeeze %dma_start3A_205 : memref<1x64x96xf32, #tpu.memory_space<hbm>> -> memref<64x96xf32, #tpu.memory_space<hbm>>
    tpu.enqueue_dma source(%dma_start3A_206 : memref<64x96xf32, #tpu.memory_space<hbm>>) target(%arg18 : memref<64x96xf32, #tpu.memory_space<vmem>>) target_semaphore(%arg21 : memref<!tpu.dma_semaphore, #tpu.memory_space<semaphore_mem>>)
    %add3A_207 = arith.constant 0 : i32
    %add3A_208 = arith.addi %add3A_34, %add3A_207 : i32
    %mul3A_209 = arith.constant 4 : i32
    %mul3A_210 = arith.muli %select_n3A, %mul3A_209 : i32
    %add3A_211 = arith.constant 0 : i32
    %add3A_212 = arith.addi %mul3A_210, %add3A_211 : i32
    %mul3A_213 = arith.constant 4 : i32
    %mul3A_214 = arith.muli %select_n3A, %mul3A_213 : i32
    %add3A_215 = arith.constant 1 : i32
    %add3A_216 = arith.addi %mul3A_214, %add3A_215 : i32
    %mul3A_217 = arith.constant 4 : i32
    %mul3A_218 = arith.muli %select_n3A, %mul3A_217 : i32
    %add3A_219 = arith.constant 2 : i32
    %add3A_220 = arith.addi %mul3A_218, %add3A_219 : i32
    %mul3A_221 = arith.constant 4 : i32
    %mul3A_222 = arith.muli %select_n3A, %mul3A_221 : i32
    %add3A_223 = arith.constant 3 : i32
    %add3A_224 = arith.addi %mul3A_222, %add3A_223 : i32
    %mul3A_225 = arith.constant 4 : i32
    %mul3A_226 = arith.muli %select_n3A, %mul3A_225 : i32
    %add3A_227 = arith.constant 1 : i32
    %add3A_228 = arith.addi %mul3A_226, %add3A_227 : i32
    %add3A_229 = arith.constant 0 : i32
    %add3A_230 = arith.addi %add3A_228, %add3A_229 : i32
    %mul3A_231 = arith.constant 4 : i32
    %mul3A_232 = arith.muli %select_n3A, %mul3A_231 : i32
    %add3A_233 = arith.constant 1 : i32
    %add3A_234 = arith.addi %mul3A_232, %add3A_233 : i32
    %add3A_235 = arith.constant 1 : i32
    %add3A_236 = arith.addi %add3A_234, %add3A_235 : i32
    %mul3A_237 = arith.constant 4 : i32
    %mul3A_238 = arith.muli %select_n3A, %mul3A_237 : i32
    %add3A_239 = arith.constant 1 : i32
    %add3A_240 = arith.addi %mul3A_238, %add3A_239 : i32
    %add3A_241 = arith.constant 2 : i32
    %add3A_242 = arith.addi %add3A_240, %add3A_241 : i32
    %dma_wait3A = arith.constant 0 : i32
    %dma_wait3A_243 = tpu.memref_slice %arg2[%add3A_212, %add3A_208, %dma_wait3A] : memref<8x9216x96xf32, #tpu.memory_space<hbm>> -> memref<1x64x96xf32, #tpu.memory_space<hbm>>
    %dma_wait3A_244 = tpu.memref_squeeze %dma_wait3A_243 : memref<1x64x96xf32, #tpu.memory_space<hbm>> -> memref<64x96xf32, #tpu.memory_space<hbm>>
    %dma_wait3A_245 = arith.constant 0 : i32
    %dma_wait3A_246 = tpu.memref_slice %arg2[%add3A_212, %add3A_208, %dma_wait3A_245] : memref<8x9216x96xf32, #tpu.memory_space<hbm>> -> memref<1x64x96xf32, #tpu.memory_space<hbm>>
    %dma_wait3A_247 = tpu.memref_squeeze %dma_wait3A_246 : memref<1x64x96xf32, #tpu.memory_space<hbm>> -> memref<64x96xf32, #tpu.memory_space<hbm>>
    tpu.wait_dma2 semaphore(%arg20 : memref<!tpu.dma_semaphore, #tpu.memory_space<semaphore_mem>>) src(%dma_wait3A_247 : memref<64x96xf32, #tpu.memory_space<hbm>>) dst(%arg5 : memref<64x96xf32, #tpu.memory_space<vmem>>)
    %dma_wait3A_248 = arith.constant 0 : i32
    %dma_wait3A_249 = tpu.memref_slice %arg2[%add3A_216, %add3A_208, %dma_wait3A_248] : memref<8x9216x96xf32, #tpu.memory_space<hbm>> -> memref<1x64x96xf32, #tpu.memory_space<hbm>>
    %dma_wait3A_250 = tpu.memref_squeeze %dma_wait3A_249 : memref<1x64x96xf32, #tpu.memory_space<hbm>> -> memref<64x96xf32, #tpu.memory_space<hbm>>
    %dma_wait3A_251 = arith.constant 0 : i32
    %dma_wait3A_252 = tpu.memref_slice %arg2[%add3A_216, %add3A_208, %dma_wait3A_251] : memref<8x9216x96xf32, #tpu.memory_space<hbm>> -> memref<1x64x96xf32, #tpu.memory_space<hbm>>
    %dma_wait3A_253 = tpu.memref_squeeze %dma_wait3A_252 : memref<1x64x96xf32, #tpu.memory_space<hbm>> -> memref<64x96xf32, #tpu.memory_space<hbm>>
    tpu.wait_dma2 semaphore(%arg20 : memref<!tpu.dma_semaphore, #tpu.memory_space<semaphore_mem>>) src(%dma_wait3A_253 : memref<64x96xf32, #tpu.memory_space<hbm>>) dst(%arg6 : memref<64x96xf32, #tpu.memory_space<vmem>>)
    %dma_wait3A_254 = arith.constant 0 : i32
    %dma_wait3A_255 = tpu.memref_slice %arg2[%add3A_220, %add3A_208, %dma_wait3A_254] : memref<8x9216x96xf32, #tpu.memory_space<hbm>> -> memref<1x64x96xf32, #tpu.memory_space<hbm>>
    %dma_wait3A_256 = tpu.memref_squeeze %dma_wait3A_255 : memref<1x64x96xf32, #tpu.memory_space<hbm>> -> memref<64x96xf32, #tpu.memory_space<hbm>>
    %dma_wait3A_257 = arith.constant 0 : i32
    %dma_wait3A_258 = tpu.memref_slice %arg2[%add3A_220, %add3A_208, %dma_wait3A_257] : memref<8x9216x96xf32, #tpu.memory_space<hbm>> -> memref<1x64x96xf32, #tpu.memory_space<hbm>>
    %dma_wait3A_259 = tpu.memref_squeeze %dma_wait3A_258 : memref<1x64x96xf32, #tpu.memory_space<hbm>> -> memref<64x96xf32, #tpu.memory_space<hbm>>
    tpu.wait_dma2 semaphore(%arg20 : memref<!tpu.dma_semaphore, #tpu.memory_space<semaphore_mem>>) src(%dma_wait3A_259 : memref<64x96xf32, #tpu.memory_space<hbm>>) dst(%arg7 : memref<64x96xf32, #tpu.memory_space<vmem>>)
    %dma_wait3A_260 = arith.constant 0 : i32
    %dma_wait3A_261 = tpu.memref_slice %arg2[%add3A_224, %add3A_208, %dma_wait3A_260] : memref<8x9216x96xf32, #tpu.memory_space<hbm>> -> memref<1x64x96xf32, #tpu.memory_space<hbm>>
    %dma_wait3A_262 = tpu.memref_squeeze %dma_wait3A_261 : memref<1x64x96xf32, #tpu.memory_space<hbm>> -> memref<64x96xf32, #tpu.memory_space<hbm>>
    %dma_wait3A_263 = arith.constant 0 : i32
    %dma_wait3A_264 = tpu.memref_slice %arg2[%add3A_224, %add3A_208, %dma_wait3A_263] : memref<8x9216x96xf32, #tpu.memory_space<hbm>> -> memref<1x64x96xf32, #tpu.memory_space<hbm>>
    %dma_wait3A_265 = tpu.memref_squeeze %dma_wait3A_264 : memref<1x64x96xf32, #tpu.memory_space<hbm>> -> memref<64x96xf32, #tpu.memory_space<hbm>>
    tpu.wait_dma2 semaphore(%arg20 : memref<!tpu.dma_semaphore, #tpu.memory_space<semaphore_mem>>) src(%dma_wait3A_265 : memref<64x96xf32, #tpu.memory_space<hbm>>) dst(%arg8 : memref<64x96xf32, #tpu.memory_space<vmem>>)
    %dma_wait3A_266 = arith.constant 0 : i32
    %dma_wait3A_267 = tpu.memref_slice %arg3[%add3A_230, %add3A_208, %dma_wait3A_266] : memref<8x9216x96xf32, #tpu.memory_space<hbm>> -> memref<1x64x96xf32, #tpu.memory_space<hbm>>
    %dma_wait3A_268 = tpu.memref_squeeze %dma_wait3A_267 : memref<1x64x96xf32, #tpu.memory_space<hbm>> -> memref<64x96xf32, #tpu.memory_space<hbm>>
    %dma_wait3A_269 = arith.constant 0 : i32
    %dma_wait3A_270 = tpu.memref_slice %arg3[%add3A_230, %add3A_208, %dma_wait3A_269] : memref<8x9216x96xf32, #tpu.memory_space<hbm>> -> memref<1x64x96xf32, #tpu.memory_space<hbm>>
    %dma_wait3A_271 = tpu.memref_squeeze %dma_wait3A_270 : memref<1x64x96xf32, #tpu.memory_space<hbm>> -> memref<64x96xf32, #tpu.memory_space<hbm>>
    tpu.wait_dma2 semaphore(%arg20 : memref<!tpu.dma_semaphore, #tpu.memory_space<semaphore_mem>>) src(%dma_wait3A_271 : memref<64x96xf32, #tpu.memory_space<hbm>>) dst(%arg9 : memref<64x96xf32, #tpu.memory_space<vmem>>)
    %dma_wait3A_272 = arith.constant 0 : i32
    %dma_wait3A_273 = tpu.memref_slice %arg3[%add3A_236, %add3A_208, %dma_wait3A_272] : memref<8x9216x96xf32, #tpu.memory_space<hbm>> -> memref<1x64x96xf32, #tpu.memory_space<hbm>>
    %dma_wait3A_274 = tpu.memref_squeeze %dma_wait3A_273 : memref<1x64x96xf32, #tpu.memory_space<hbm>> -> memref<64x96xf32, #tpu.memory_space<hbm>>
    %dma_wait3A_275 = arith.constant 0 : i32
    %dma_wait3A_276 = tpu.memref_slice %arg3[%add3A_236, %add3A_208, %dma_wait3A_275] : memref<8x9216x96xf32, #tpu.memory_space<hbm>> -> memref<1x64x96xf32, #tpu.memory_space<hbm>>
    %dma_wait3A_277 = tpu.memref_squeeze %dma_wait3A_276 : memref<1x64x96xf32, #tpu.memory_space<hbm>> -> memref<64x96xf32, #tpu.memory_space<hbm>>
    tpu.wait_dma2 semaphore(%arg20 : memref<!tpu.dma_semaphore, #tpu.memory_space<semaphore_mem>>) src(%dma_wait3A_277 : memref<64x96xf32, #tpu.memory_space<hbm>>) dst(%arg10 : memref<64x96xf32, #tpu.memory_space<vmem>>)
    %dma_wait3A_278 = arith.constant 0 : i32
    %dma_wait3A_279 = tpu.memref_slice %arg3[%add3A_242, %add3A_208, %dma_wait3A_278] : memref<8x9216x96xf32, #tpu.memory_space<hbm>> -> memref<1x64x96xf32, #tpu.memory_space<hbm>>
    %dma_wait3A_280 = tpu.memref_squeeze %dma_wait3A_279 : memref<1x64x96xf32, #tpu.memory_space<hbm>> -> memref<64x96xf32, #tpu.memory_space<hbm>>
    %dma_wait3A_281 = arith.constant 0 : i32
    %dma_wait3A_282 = tpu.memref_slice %arg3[%add3A_242, %add3A_208, %dma_wait3A_281] : memref<8x9216x96xf32, #tpu.memory_space<hbm>> -> memref<1x64x96xf32, #tpu.memory_space<hbm>>
    %dma_wait3A_283 = tpu.memref_squeeze %dma_wait3A_282 : memref<1x64x96xf32, #tpu.memory_space<hbm>> -> memref<64x96xf32, #tpu.memory_space<hbm>>
    tpu.wait_dma2 semaphore(%arg20 : memref<!tpu.dma_semaphore, #tpu.memory_space<semaphore_mem>>) src(%dma_wait3A_283 : memref<64x96xf32, #tpu.memory_space<hbm>>) dst(%arg11 : memref<64x96xf32, #tpu.memory_space<vmem>>)
    %parallel_loop3A = arith.constant 0 : i32
    %parallel_loop3A_284 = arith.constant 64 : i32
    %parallel_loop3A_285 = arith.constant 1 : i32
    %parallel_loop3A_286:9 = scf.for %parallel_loop3A_422 = %parallel_loop3A to %parallel_loop3A_284 step %parallel_loop3A_285 iter_args(%parallel_loop3A_423 = %broadcast_in_dim3A_35, %parallel_loop3A_424 = %broadcast_in_dim3A_37, %parallel_loop3A_425 = %broadcast_in_dim3A_39, %parallel_loop3A_426 = %broadcast_in_dim3A_41, %parallel_loop3A_427 = %broadcast_in_dim3A_43, %parallel_loop3A_428 = %broadcast_in_dim3A_45, %parallel_loop3A_429 = %broadcast_in_dim3A_47, %parallel_loop3A_430 = %broadcast_in_dim3A_49, %parallel_loop3A_431 = %broadcast_in_dim3A_51) -> (vector<16xf32>, vector<16xf32>, vector<16xf32>, vector<16xf32>, vector<16xf32>, vector<16xf32>, vector<16xf32>, vector<16xf32>, vector<16xf32>)  : i32 {
      %parallel_loop3A_432 = arith.index_cast %parallel_loop3A_422 : i32 to index
      %parallel_loop3A_433 = arith.constant 0 : index
      %parallel_loop3A_434 = tpu.vector_load %arg5[%parallel_loop3A_432, %parallel_loop3A_433] {strides = array<i32>} : memref<64x96xf32, #tpu.memory_space<vmem>>, vector<1x16xf32>,
      %parallel_loop3A_435 = vector.shape_cast %parallel_loop3A_434 : vector<1x16xf32> to vector<16xf32>
      %parallel_loop3A_436 = arith.index_cast %parallel_loop3A_422 : i32 to index
      %parallel_loop3A_437 = arith.constant 0 : index
      %parallel_loop3A_438 = tpu.vector_load %arg6[%parallel_loop3A_436, %parallel_loop3A_437] {strides = array<i32>} : memref<64x96xf32, #tpu.memory_space<vmem>>, vector<1x16xf32>,
      %parallel_loop3A_439 = vector.shape_cast %parallel_loop3A_438 : vector<1x16xf32> to vector<16xf32>
      %parallel_loop3A_440 = arith.index_cast %parallel_loop3A_422 : i32 to index
      %parallel_loop3A_441 = arith.constant 0 : index
      %parallel_loop3A_442 = tpu.vector_load %arg7[%parallel_loop3A_440, %parallel_loop3A_441] {strides = array<i32>} : memref<64x96xf32, #tpu.memory_space<vmem>>, vector<1x16xf32>,
      %parallel_loop3A_443 = vector.shape_cast %parallel_loop3A_442 : vector<1x16xf32> to vector<16xf32>
      %parallel_loop3A_444 = arith.index_cast %parallel_loop3A_422 : i32 to index
      %parallel_loop3A_445 = arith.constant 0 : index
      %parallel_loop3A_446 = tpu.vector_load %arg8[%parallel_loop3A_444, %parallel_loop3A_445] {strides = array<i32>} : memref<64x96xf32, #tpu.memory_space<vmem>>, vector<1x16xf32>,
      %parallel_loop3A_447 = vector.shape_cast %parallel_loop3A_446 : vector<1x16xf32> to vector<16xf32>
      %parallel_loop3A_448 = arith.index_cast %parallel_loop3A_422 : i32 to index
      %parallel_loop3A_449 = arith.constant 0 : index
      %parallel_loop3A_450 = tpu.vector_load %arg9[%parallel_loop3A_448, %parallel_loop3A_449] {strides = array<i32>} : memref<64x96xf32, #tpu.memory_space<vmem>>, vector<1x16xf32>,
      %parallel_loop3A_451 = vector.shape_cast %parallel_loop3A_450 : vector<1x16xf32> to vector<16xf32>
      %parallel_loop3A_452 = arith.index_cast %parallel_loop3A_422 : i32 to index
      %parallel_loop3A_453 = arith.constant 0 : index
      %parallel_loop3A_454 = tpu.vector_load %arg10[%parallel_loop3A_452, %parallel_loop3A_453] {strides = array<i32>} : memref<64x96xf32, #tpu.memory_space<vmem>>, vector<1x16xf32>,
      %parallel_loop3A_455 = vector.shape_cast %parallel_loop3A_454 : vector<1x16xf32> to vector<16xf32>
      %parallel_loop3A_456 = arith.index_cast %parallel_loop3A_422 : i32 to index
      %parallel_loop3A_457 = arith.constant 0 : index
      %parallel_loop3A_458 = tpu.vector_load %arg11[%parallel_loop3A_456, %parallel_loop3A_457] {strides = array<i32>} : memref<64x96xf32, #tpu.memory_space<vmem>>, vector<1x16xf32>,
      %parallel_loop3A_459 = vector.shape_cast %parallel_loop3A_458 : vector<1x16xf32> to vector<16xf32>
      %parallel_loop3A_460 = arith.cmpf ogt, %parallel_loop3A_439, %parallel_loop3A_435 : vector<16xf32>
      %parallel_loop3A_461 = arith.cmpf oge, %parallel_loop3A_439, %parallel_loop3A_443 : vector<16xf32>
      %parallel_loop3A_462 = arith.andi %parallel_loop3A_460, %parallel_loop3A_461 : vector<16xi1>
      %parallel_loop3A_463 = arith.cmpf oge, %parallel_loop3A_439, %parallel_loop3A_447 : vector<16xf32>
      %parallel_loop3A_464 = arith.andi %parallel_loop3A_462, %parallel_loop3A_463 : vector<16xi1>
      %parallel_loop3A_465 = arith.cmpf ogt, %parallel_loop3A_443, %parallel_loop3A_435 : vector<16xf32>
      %parallel_loop3A_466 = arith.cmpf ogt, %parallel_loop3A_443, %parallel_loop3A_439 : vector<16xf32>
      %parallel_loop3A_467 = arith.andi %parallel_loop3A_465, %parallel_loop3A_466 : vector<16xi1>
      %parallel_loop3A_468 = arith.cmpf oge, %parallel_loop3A_443, %parallel_loop3A_447 : vector<16xf32>
      %parallel_loop3A_469 = arith.andi %parallel_loop3A_467, %parallel_loop3A_468 : vector<16xi1>
      %parallel_loop3A_470 = arith.cmpf ogt, %parallel_loop3A_447, %parallel_loop3A_435 : vector<16xf32>
      %parallel_loop3A_471 = arith.cmpf ogt, %parallel_loop3A_447, %parallel_loop3A_439 : vector<16xf32>
      %parallel_loop3A_472 = arith.andi %parallel_loop3A_470, %parallel_loop3A_471 : vector<16xi1>
      %parallel_loop3A_473 = arith.cmpf ogt, %parallel_loop3A_447, %parallel_loop3A_443 : vector<16xf32>
      %parallel_loop3A_474 = arith.andi %parallel_loop3A_472, %parallel_loop3A_473 : vector<16xi1>
      %parallel_loop3A_475 = arith.constant 0.000000e+00 : f32
      %parallel_loop3A_476 = vector.broadcast %parallel_loop3A_475 : f32 to vector<16xf32>
      %parallel_loop3A_477 = arith.constant 1.000000e+00 : f32
      %parallel_loop3A_478 = vector.broadcast %parallel_loop3A_477 : f32 to vector<16xf32>
      %parallel_loop3A_479 = arith.select %parallel_loop3A_464, %parallel_loop3A_451, %parallel_loop3A_476 : vector<16xi1>, vector<16xf32>
      %parallel_loop3A_480 = arith.addf %parallel_loop3A_423, %parallel_loop3A_479 : vector<16xf32>
      %parallel_loop3A_481 = arith.select %parallel_loop3A_469, %parallel_loop3A_455, %parallel_loop3A_476 : vector<16xi1>, vector<16xf32>
      %parallel_loop3A_482 = arith.addf %parallel_loop3A_424, %parallel_loop3A_481 : vector<16xf32>
      %parallel_loop3A_483 = arith.select %parallel_loop3A_474, %parallel_loop3A_459, %parallel_loop3A_476 : vector<16xi1>, vector<16xf32>
      %parallel_loop3A_484 = arith.addf %parallel_loop3A_425, %parallel_loop3A_483 : vector<16xf32>
      %parallel_loop3A_485 = arith.select %parallel_loop3A_464, %parallel_loop3A_478, %parallel_loop3A_476 : vector<16xi1>, vector<16xf32>
      %parallel_loop3A_486 = arith.addf %parallel_loop3A_426, %parallel_loop3A_485 : vector<16xf32>
      %parallel_loop3A_487 = arith.select %parallel_loop3A_469, %parallel_loop3A_478, %parallel_loop3A_476 : vector<16xi1>, vector<16xf32>
      %parallel_loop3A_488 = arith.addf %parallel_loop3A_427, %parallel_loop3A_487 : vector<16xf32>
      %parallel_loop3A_489 = arith.select %parallel_loop3A_474, %parallel_loop3A_478, %parallel_loop3A_476 : vector<16xi1>, vector<16xf32>
      %parallel_loop3A_490 = arith.addf %parallel_loop3A_428, %parallel_loop3A_489 : vector<16xf32>
      %parallel_loop3A_491 = arith.addf %parallel_loop3A_429, %parallel_loop3A_451 : vector<16xf32>
      %parallel_loop3A_492 = arith.addf %parallel_loop3A_430, %parallel_loop3A_455 : vector<16xf32>
      %parallel_loop3A_493 = arith.addf %parallel_loop3A_431, %parallel_loop3A_459 : vector<16xf32>
      %parallel_loop3A_494 = arith.index_cast %parallel_loop3A_422 : i32 to index
      %parallel_loop3A_495 = arith.constant 16 : index
      %parallel_loop3A_496 = tpu.vector_load %arg5[%parallel_loop3A_494, %parallel_loop3A_495] {strides = array<i32>} : memref<64x96xf32, #tpu.memory_space<vmem>>, vector<1x16xf32>,
      %parallel_loop3A_497 = vector.shape_cast %parallel_loop3A_496 : vector<1x16xf32> to vector<16xf32>
      %parallel_loop3A_498 = arith.index_cast %parallel_loop3A_422 : i32 to index
      %parallel_loop3A_499 = arith.constant 16 : index
      %parallel_loop3A_500 = tpu.vector_load %arg6[%parallel_loop3A_498, %parallel_loop3A_499] {strides = array<i32>} : memref<64x96xf32, #tpu.memory_space<vmem>>, vector<1x16xf32>,
      %parallel_loop3A_501 = vector.shape_cast %parallel_loop3A_500 : vector<1x16xf32> to vector<16xf32>
      %parallel_loop3A_502 = arith.index_cast %parallel_loop3A_422 : i32 to index
      %parallel_loop3A_503 = arith.constant 16 : index
      %parallel_loop3A_504 = tpu.vector_load %arg7[%parallel_loop3A_502, %parallel_loop3A_503] {strides = array<i32>} : memref<64x96xf32, #tpu.memory_space<vmem>>, vector<1x16xf32>,
      %parallel_loop3A_505 = vector.shape_cast %parallel_loop3A_504 : vector<1x16xf32> to vector<16xf32>
      %parallel_loop3A_506 = arith.index_cast %parallel_loop3A_422 : i32 to index
      %parallel_loop3A_507 = arith.constant 16 : index
      %parallel_loop3A_508 = tpu.vector_load %arg8[%parallel_loop3A_506, %parallel_loop3A_507] {strides = array<i32>} : memref<64x96xf32, #tpu.memory_space<vmem>>, vector<1x16xf32>,
      %parallel_loop3A_509 = vector.shape_cast %parallel_loop3A_508 : vector<1x16xf32> to vector<16xf32>
      %parallel_loop3A_510 = arith.index_cast %parallel_loop3A_422 : i32 to index
      %parallel_loop3A_511 = arith.constant 16 : index
      %parallel_loop3A_512 = tpu.vector_load %arg9[%parallel_loop3A_510, %parallel_loop3A_511] {strides = array<i32>} : memref<64x96xf32, #tpu.memory_space<vmem>>, vector<1x16xf32>,
      %parallel_loop3A_513 = vector.shape_cast %parallel_loop3A_512 : vector<1x16xf32> to vector<16xf32>
      %parallel_loop3A_514 = arith.index_cast %parallel_loop3A_422 : i32 to index
      %parallel_loop3A_515 = arith.constant 16 : index
      %parallel_loop3A_516 = tpu.vector_load %arg10[%parallel_loop3A_514, %parallel_loop3A_515] {strides = array<i32>} : memref<64x96xf32, #tpu.memory_space<vmem>>, vector<1x16xf32>,
      %parallel_loop3A_517 = vector.shape_cast %parallel_loop3A_516 : vector<1x16xf32> to vector<16xf32>
      %parallel_loop3A_518 = arith.index_cast %parallel_loop3A_422 : i32 to index
      %parallel_loop3A_519 = arith.constant 16 : index
      %parallel_loop3A_520 = tpu.vector_load %arg11[%parallel_loop3A_518, %parallel_loop3A_519] {strides = array<i32>} : memref<64x96xf32, #tpu.memory_space<vmem>>, vector<1x16xf32>,
      %parallel_loop3A_521 = vector.shape_cast %parallel_loop3A_520 : vector<1x16xf32> to vector<16xf32>
      %parallel_loop3A_522 = arith.cmpf ogt, %parallel_loop3A_501, %parallel_loop3A_497 : vector<16xf32>
      %parallel_loop3A_523 = arith.cmpf oge, %parallel_loop3A_501, %parallel_loop3A_505 : vector<16xf32>
      %parallel_loop3A_524 = arith.andi %parallel_loop3A_522, %parallel_loop3A_523 : vector<16xi1>
      %parallel_loop3A_525 = arith.cmpf oge, %parallel_loop3A_501, %parallel_loop3A_509 : vector<16xf32>
      %parallel_loop3A_526 = arith.andi %parallel_loop3A_524, %parallel_loop3A_525 : vector<16xi1>
      %parallel_loop3A_527 = arith.cmpf ogt, %parallel_loop3A_505, %parallel_loop3A_497 : vector<16xf32>
      %parallel_loop3A_528 = arith.cmpf ogt, %parallel_loop3A_505, %parallel_loop3A_501 : vector<16xf32>
      %parallel_loop3A_529 = arith.andi %parallel_loop3A_527, %parallel_loop3A_528 : vector<16xi1>
      %parallel_loop3A_530 = arith.cmpf oge, %parallel_loop3A_505, %parallel_loop3A_509 : vector<16xf32>
      %parallel_loop3A_531 = arith.andi %parallel_loop3A_529, %parallel_loop3A_530 : vector<16xi1>
      %parallel_loop3A_532 = arith.cmpf ogt, %parallel_loop3A_509, %parallel_loop3A_497 : vector<16xf32>
      %parallel_loop3A_533 = arith.cmpf ogt, %parallel_loop3A_509, %parallel_loop3A_501 : vector<16xf32>
      %parallel_loop3A_534 = arith.andi %parallel_loop3A_532, %parallel_loop3A_533 : vector<16xi1>
      %parallel_loop3A_535 = arith.cmpf ogt, %parallel_loop3A_509, %parallel_loop3A_505 : vector<16xf32>
      %parallel_loop3A_536 = arith.andi %parallel_loop3A_534, %parallel_loop3A_535 : vector<16xi1>
      %parallel_loop3A_537 = arith.constant 0.000000e+00 : f32
      %parallel_loop3A_538 = vector.broadcast %parallel_loop3A_537 : f32 to vector<16xf32>
      %parallel_loop3A_539 = arith.constant 1.000000e+00 : f32
      %parallel_loop3A_540 = vector.broadcast %parallel_loop3A_539 : f32 to vector<16xf32>
      %parallel_loop3A_541 = arith.select %parallel_loop3A_526, %parallel_loop3A_513, %parallel_loop3A_538 : vector<16xi1>, vector<16xf32>
      %parallel_loop3A_542 = arith.addf %parallel_loop3A_480, %parallel_loop3A_541 : vector<16xf32>
      %parallel_loop3A_543 = arith.select %parallel_loop3A_531, %parallel_loop3A_517, %parallel_loop3A_538 : vector<16xi1>, vector<16xf32>
      %parallel_loop3A_544 = arith.addf %parallel_loop3A_482, %parallel_loop3A_543 : vector<16xf32>
      %parallel_loop3A_545 = arith.select %parallel_loop3A_536, %parallel_loop3A_521, %parallel_loop3A_538 : vector<16xi1>, vector<16xf32>
      %parallel_loop3A_546 = arith.addf %parallel_loop3A_484, %parallel_loop3A_545 : vector<16xf32>
      %parallel_loop3A_547 = arith.select %parallel_loop3A_526, %parallel_loop3A_540, %parallel_loop3A_538 : vector<16xi1>, vector<16xf32>
      %parallel_loop3A_548 = arith.addf %parallel_loop3A_486, %parallel_loop3A_547 : vector<16xf32>
      %parallel_loop3A_549 = arith.select %parallel_loop3A_531, %parallel_loop3A_540, %parallel_loop3A_538 : vector<16xi1>, vector<16xf32>
      %parallel_loop3A_550 = arith.addf %parallel_loop3A_488, %parallel_loop3A_549 : vector<16xf32>
      %parallel_loop3A_551 = arith.select %parallel_loop3A_536, %parallel_loop3A_540, %parallel_loop3A_538 : vector<16xi1>, vector<16xf32>
      %parallel_loop3A_552 = arith.addf %parallel_loop3A_490, %parallel_loop3A_551 : vector<16xf32>
      %parallel_loop3A_553 = arith.addf %parallel_loop3A_491, %parallel_loop3A_513 : vector<16xf32>
      %parallel_loop3A_554 = arith.addf %parallel_loop3A_492, %parallel_loop3A_517 : vector<16xf32>
      %parallel_loop3A_555 = arith.addf %parallel_loop3A_493, %parallel_loop3A_521 : vector<16xf32>
      %parallel_loop3A_556 = arith.index_cast %parallel_loop3A_422 : i32 to index
      %parallel_loop3A_557 = arith.constant 32 : index
      %parallel_loop3A_558 = tpu.vector_load %arg5[%parallel_loop3A_556, %parallel_loop3A_557] {strides = array<i32>} : memref<64x96xf32, #tpu.memory_space<vmem>>, vector<1x16xf32>,
      %parallel_loop3A_559 = vector.shape_cast %parallel_loop3A_558 : vector<1x16xf32> to vector<16xf32>
      %parallel_loop3A_560 = arith.index_cast %parallel_loop3A_422 : i32 to index
      %parallel_loop3A_561 = arith.constant 32 : index
      %parallel_loop3A_562 = tpu.vector_load %arg6[%parallel_loop3A_560, %parallel_loop3A_561] {strides = array<i32>} : memref<64x96xf32, #tpu.memory_space<vmem>>, vector<1x16xf32>,
      %parallel_loop3A_563 = vector.shape_cast %parallel_loop3A_562 : vector<1x16xf32> to vector<16xf32>
      %parallel_loop3A_564 = arith.index_cast %parallel_loop3A_422 : i32 to index
      %parallel_loop3A_565 = arith.constant 32 : index
      %parallel_loop3A_566 = tpu.vector_load %arg7[%parallel_loop3A_564, %parallel_loop3A_565] {strides = array<i32>} : memref<64x96xf32, #tpu.memory_space<vmem>>, vector<1x16xf32>,
      %parallel_loop3A_567 = vector.shape_cast %parallel_loop3A_566 : vector<1x16xf32> to vector<16xf32>
      %parallel_loop3A_568 = arith.index_cast %parallel_loop3A_422 : i32 to index
      %parallel_loop3A_569 = arith.constant 32 : index
      %parallel_loop3A_570 = tpu.vector_load %arg8[%parallel_loop3A_568, %parallel_loop3A_569] {strides = array<i32>} : memref<64x96xf32, #tpu.memory_space<vmem>>, vector<1x16xf32>,
      %parallel_loop3A_571 = vector.shape_cast %parallel_loop3A_570 : vector<1x16xf32> to vector<16xf32>
      %parallel_loop3A_572 = arith.index_cast %parallel_loop3A_422 : i32 to index
      %parallel_loop3A_573 = arith.constant 32 : index
      %parallel_loop3A_574 = tpu.vector_load %arg9[%parallel_loop3A_572, %parallel_loop3A_573] {strides = array<i32>} : memref<64x96xf32, #tpu.memory_space<vmem>>, vector<1x16xf32>,
      %parallel_loop3A_575 = vector.shape_cast %parallel_loop3A_574 : vector<1x16xf32> to vector<16xf32>
      %parallel_loop3A_576 = arith.index_cast %parallel_loop3A_422 : i32 to index
      %parallel_loop3A_577 = arith.constant 32 : index
      %parallel_loop3A_578 = tpu.vector_load %arg10[%parallel_loop3A_576, %parallel_loop3A_577] {strides = array<i32>} : memref<64x96xf32, #tpu.memory_space<vmem>>, vector<1x16xf32>,
      %parallel_loop3A_579 = vector.shape_cast %parallel_loop3A_578 : vector<1x16xf32> to vector<16xf32>
      %parallel_loop3A_580 = arith.index_cast %parallel_loop3A_422 : i32 to index
      %parallel_loop3A_581 = arith.constant 32 : index
      %parallel_loop3A_582 = tpu.vector_load %arg11[%parallel_loop3A_580, %parallel_loop3A_581] {strides = array<i32>} : memref<64x96xf32, #tpu.memory_space<vmem>>, vector<1x16xf32>,
      %parallel_loop3A_583 = vector.shape_cast %parallel_loop3A_582 : vector<1x16xf32> to vector<16xf32>
      %parallel_loop3A_584 = arith.cmpf ogt, %parallel_loop3A_563, %parallel_loop3A_559 : vector<16xf32>
      %parallel_loop3A_585 = arith.cmpf oge, %parallel_loop3A_563, %parallel_loop3A_567 : vector<16xf32>
      %parallel_loop3A_586 = arith.andi %parallel_loop3A_584, %parallel_loop3A_585 : vector<16xi1>
      %parallel_loop3A_587 = arith.cmpf oge, %parallel_loop3A_563, %parallel_loop3A_571 : vector<16xf32>
      %parallel_loop3A_588 = arith.andi %parallel_loop3A_586, %parallel_loop3A_587 : vector<16xi1>
      %parallel_loop3A_589 = arith.cmpf ogt, %parallel_loop3A_567, %parallel_loop3A_559 : vector<16xf32>
      %parallel_loop3A_590 = arith.cmpf ogt, %parallel_loop3A_567, %parallel_loop3A_563 : vector<16xf32>
      %parallel_loop3A_591 = arith.andi %parallel_loop3A_589, %parallel_loop3A_590 : vector<16xi1>
      %parallel_loop3A_592 = arith.cmpf oge, %parallel_loop3A_567, %parallel_loop3A_571 : vector<16xf32>
      %parallel_loop3A_593 = arith.andi %parallel_loop3A_591, %parallel_loop3A_592 : vector<16xi1>
      %parallel_loop3A_594 = arith.cmpf ogt, %parallel_loop3A_571, %parallel_loop3A_559 : vector<16xf32>
      %parallel_loop3A_595 = arith.cmpf ogt, %parallel_loop3A_571, %parallel_loop3A_563 : vector<16xf32>
      %parallel_loop3A_596 = arith.andi %parallel_loop3A_594, %parallel_loop3A_595 : vector<16xi1>
      %parallel_loop3A_597 = arith.cmpf ogt, %parallel_loop3A_571, %parallel_loop3A_567 : vector<16xf32>
      %parallel_loop3A_598 = arith.andi %parallel_loop3A_596, %parallel_loop3A_597 : vector<16xi1>
      %parallel_loop3A_599 = arith.constant 0.000000e+00 : f32
      %parallel_loop3A_600 = vector.broadcast %parallel_loop3A_599 : f32 to vector<16xf32>
      %parallel_loop3A_601 = arith.constant 1.000000e+00 : f32
      %parallel_loop3A_602 = vector.broadcast %parallel_loop3A_601 : f32 to vector<16xf32>
      %parallel_loop3A_603 = arith.select %parallel_loop3A_588, %parallel_loop3A_575, %parallel_loop3A_600 : vector<16xi1>, vector<16xf32>
      %parallel_loop3A_604 = arith.addf %parallel_loop3A_542, %parallel_loop3A_603 : vector<16xf32>
      %parallel_loop3A_605 = arith.select %parallel_loop3A_593, %parallel_loop3A_579, %parallel_loop3A_600 : vector<16xi1>, vector<16xf32>
      %parallel_loop3A_606 = arith.addf %parallel_loop3A_544, %parallel_loop3A_605 : vector<16xf32>
      %parallel_loop3A_607 = arith.select %parallel_loop3A_598, %parallel_loop3A_583, %parallel_loop3A_600 : vector<16xi1>, vector<16xf32>
      %parallel_loop3A_608 = arith.addf %parallel_loop3A_546, %parallel_loop3A_607 : vector<16xf32>
      %parallel_loop3A_609 = arith.select %parallel_loop3A_588, %parallel_loop3A_602, %parallel_loop3A_600 : vector<16xi1>, vector<16xf32>
      %parallel_loop3A_610 = arith.addf %parallel_loop3A_548, %parallel_loop3A_609 : vector<16xf32>
      %parallel_loop3A_611 = arith.select %parallel_loop3A_593, %parallel_loop3A_602, %parallel_loop3A_600 : vector<16xi1>, vector<16xf32>
      %parallel_loop3A_612 = arith.addf %parallel_loop3A_550, %parallel_loop3A_611 : vector<16xf32>
      %parallel_loop3A_613 = arith.select %parallel_loop3A_598, %parallel_loop3A_602, %parallel_loop3A_600 : vector<16xi1>, vector<16xf32>
      %parallel_loop3A_614 = arith.addf %parallel_loop3A_552, %parallel_loop3A_613 : vector<16xf32>
      %parallel_loop3A_615 = arith.addf %parallel_loop3A_553, %parallel_loop3A_575 : vector<16xf32>
      %parallel_loop3A_616 = arith.addf %parallel_loop3A_554, %parallel_loop3A_579 : vector<16xf32>
      %parallel_loop3A_617 = arith.addf %parallel_loop3A_555, %parallel_loop3A_583 : vector<16xf32>
      %parallel_loop3A_618 = arith.index_cast %parallel_loop3A_422 : i32 to index
      %parallel_loop3A_619 = arith.constant 48 : index
      %parallel_loop3A_620 = tpu.vector_load %arg5[%parallel_loop3A_618, %parallel_loop3A_619] {strides = array<i32>} : memref<64x96xf32, #tpu.memory_space<vmem>>, vector<1x16xf32>,
      %parallel_loop3A_621 = vector.shape_cast %parallel_loop3A_620 : vector<1x16xf32> to vector<16xf32>
      %parallel_loop3A_622 = arith.index_cast %parallel_loop3A_422 : i32 to index
      %parallel_loop3A_623 = arith.constant 48 : index
      %parallel_loop3A_624 = tpu.vector_load %arg6[%parallel_loop3A_622, %parallel_loop3A_623] {strides = array<i32>} : memref<64x96xf32, #tpu.memory_space<vmem>>, vector<1x16xf32>,
      %parallel_loop3A_625 = vector.shape_cast %parallel_loop3A_624 : vector<1x16xf32> to vector<16xf32>
      %parallel_loop3A_626 = arith.index_cast %parallel_loop3A_422 : i32 to index
      %parallel_loop3A_627 = arith.constant 48 : index
      %parallel_loop3A_628 = tpu.vector_load %arg7[%parallel_loop3A_626, %parallel_loop3A_627] {strides = array<i32>} : memref<64x96xf32, #tpu.memory_space<vmem>>, vector<1x16xf32>,
      %parallel_loop3A_629 = vector.shape_cast %parallel_loop3A_628 : vector<1x16xf32> to vector<16xf32>
      %parallel_loop3A_630 = arith.index_cast %parallel_loop3A_422 : i32 to index
      %parallel_loop3A_631 = arith.constant 48 : index
      %parallel_loop3A_632 = tpu.vector_load %arg8[%parallel_loop3A_630, %parallel_loop3A_631] {strides = array<i32>} : memref<64x96xf32, #tpu.memory_space<vmem>>, vector<1x16xf32>,
      %parallel_loop3A_633 = vector.shape_cast %parallel_loop3A_632 : vector<1x16xf32> to vector<16xf32>
      %parallel_loop3A_634 = arith.index_cast %parallel_loop3A_422 : i32 to index
      %parallel_loop3A_635 = arith.constant 48 : index
      %parallel_loop3A_636 = tpu.vector_load %arg9[%parallel_loop3A_634, %parallel_loop3A_635] {strides = array<i32>} : memref<64x96xf32, #tpu.memory_space<vmem>>, vector<1x16xf32>,
      %parallel_loop3A_637 = vector.shape_cast %parallel_loop3A_636 : vector<1x16xf32> to vector<16xf32>
      %parallel_loop3A_638 = arith.index_cast %parallel_loop3A_422 : i32 to index
      %parallel_loop3A_639 = arith.constant 48 : index
      %parallel_loop3A_640 = tpu.vector_load %arg10[%parallel_loop3A_638, %parallel_loop3A_639] {strides = array<i32>} : memref<64x96xf32, #tpu.memory_space<vmem>>, vector<1x16xf32>,
      %parallel_loop3A_641 = vector.shape_cast %parallel_loop3A_640 : vector<1x16xf32> to vector<16xf32>
      %parallel_loop3A_642 = arith.index_cast %parallel_loop3A_422 : i32 to index
      %parallel_loop3A_643 = arith.constant 48 : index
      %parallel_loop3A_644 = tpu.vector_load %arg11[%parallel_loop3A_642, %parallel_loop3A_643] {strides = array<i32>} : memref<64x96xf32, #tpu.memory_space<vmem>>, vector<1x16xf32>,
      %parallel_loop3A_645 = vector.shape_cast %parallel_loop3A_644 : vector<1x16xf32> to vector<16xf32>
      %parallel_loop3A_646 = arith.cmpf ogt, %parallel_loop3A_625, %parallel_loop3A_621 : vector<16xf32>
      %parallel_loop3A_647 = arith.cmpf oge, %parallel_loop3A_625, %parallel_loop3A_629 : vector<16xf32>
      %parallel_loop3A_648 = arith.andi %parallel_loop3A_646, %parallel_loop3A_647 : vector<16xi1>
      %parallel_loop3A_649 = arith.cmpf oge, %parallel_loop3A_625, %parallel_loop3A_633 : vector<16xf32>
      %parallel_loop3A_650 = arith.andi %parallel_loop3A_648, %parallel_loop3A_649 : vector<16xi1>
      %parallel_loop3A_651 = arith.cmpf ogt, %parallel_loop3A_629, %parallel_loop3A_621 : vector<16xf32>
      %parallel_loop3A_652 = arith.cmpf ogt, %parallel_loop3A_629, %parallel_loop3A_625 : vector<16xf32>
      %parallel_loop3A_653 = arith.andi %parallel_loop3A_651, %parallel_loop3A_652 : vector<16xi1>
      %parallel_loop3A_654 = arith.cmpf oge, %parallel_loop3A_629, %parallel_loop3A_633 : vector<16xf32>
      %parallel_loop3A_655 = arith.andi %parallel_loop3A_653, %parallel_loop3A_654 : vector<16xi1>
      %parallel_loop3A_656 = arith.cmpf ogt, %parallel_loop3A_633, %parallel_loop3A_621 : vector<16xf32>
      %parallel_loop3A_657 = arith.cmpf ogt, %parallel_loop3A_633, %parallel_loop3A_625 : vector<16xf32>
      %parallel_loop3A_658 = arith.andi %parallel_loop3A_656, %parallel_loop3A_657 : vector<16xi1>
      %parallel_loop3A_659 = arith.cmpf ogt, %parallel_loop3A_633, %parallel_loop3A_629 : vector<16xf32>
      %parallel_loop3A_660 = arith.andi %parallel_loop3A_658, %parallel_loop3A_659 : vector<16xi1>
      %parallel_loop3A_661 = arith.constant 0.000000e+00 : f32
      %parallel_loop3A_662 = vector.broadcast %parallel_loop3A_661 : f32 to vector<16xf32>
      %parallel_loop3A_663 = arith.constant 1.000000e+00 : f32
      %parallel_loop3A_664 = vector.broadcast %parallel_loop3A_663 : f32 to vector<16xf32>
      %parallel_loop3A_665 = arith.select %parallel_loop3A_650, %parallel_loop3A_637, %parallel_loop3A_662 : vector<16xi1>, vector<16xf32>
      %parallel_loop3A_666 = arith.addf %parallel_loop3A_604, %parallel_loop3A_665 : vector<16xf32>
      %parallel_loop3A_667 = arith.select %parallel_loop3A_655, %parallel_loop3A_641, %parallel_loop3A_662 : vector<16xi1>, vector<16xf32>
      %parallel_loop3A_668 = arith.addf %parallel_loop3A_606, %parallel_loop3A_667 : vector<16xf32>
      %parallel_loop3A_669 = arith.select %parallel_loop3A_660, %parallel_loop3A_645, %parallel_loop3A_662 : vector<16xi1>, vector<16xf32>
      %parallel_loop3A_670 = arith.addf %parallel_loop3A_608, %parallel_loop3A_669 : vector<16xf32>
      %parallel_loop3A_671 = arith.select %parallel_loop3A_650, %parallel_loop3A_664, %parallel_loop3A_662 : vector<16xi1>, vector<16xf32>
      %parallel_loop3A_672 = arith.addf %parallel_loop3A_610, %parallel_loop3A_671 : vector<16xf32>
      %parallel_loop3A_673 = arith.select %parallel_loop3A_655, %parallel_loop3A_664, %parallel_loop3A_662 : vector<16xi1>, vector<16xf32>
      %parallel_loop3A_674 = arith.addf %parallel_loop3A_612, %parallel_loop3A_673 : vector<16xf32>
      %parallel_loop3A_675 = arith.select %parallel_loop3A_660, %parallel_loop3A_664, %parallel_loop3A_662 : vector<16xi1>, vector<16xf32>
      %parallel_loop3A_676 = arith.addf %parallel_loop3A_614, %parallel_loop3A_675 : vector<16xf32>
      %parallel_loop3A_677 = arith.addf %parallel_loop3A_615, %parallel_loop3A_637 : vector<16xf32>
      %parallel_loop3A_678 = arith.addf %parallel_loop3A_616, %parallel_loop3A_641 : vector<16xf32>
      %parallel_loop3A_679 = arith.addf %parallel_loop3A_617, %parallel_loop3A_645 : vector<16xf32>
      %parallel_loop3A_680 = arith.index_cast %parallel_loop3A_422 : i32 to index
      %parallel_loop3A_681 = arith.constant 64 : index
      %parallel_loop3A_682 = tpu.vector_load %arg5[%parallel_loop3A_680, %parallel_loop3A_681] {strides = array<i32>} : memref<64x96xf32, #tpu.memory_space<vmem>>, vector<1x16xf32>,
      %parallel_loop3A_683 = vector.shape_cast %parallel_loop3A_682 : vector<1x16xf32> to vector<16xf32>
      %parallel_loop3A_684 = arith.index_cast %parallel_loop3A_422 : i32 to index
      %parallel_loop3A_685 = arith.constant 64 : index
      %parallel_loop3A_686 = tpu.vector_load %arg6[%parallel_loop3A_684, %parallel_loop3A_685] {strides = array<i32>} : memref<64x96xf32, #tpu.memory_space<vmem>>, vector<1x16xf32>,
      %parallel_loop3A_687 = vector.shape_cast %parallel_loop3A_686 : vector<1x16xf32> to vector<16xf32>
      %parallel_loop3A_688 = arith.index_cast %parallel_loop3A_422 : i32 to index
      %parallel_loop3A_689 = arith.constant 64 : index
      %parallel_loop3A_690 = tpu.vector_load %arg7[%parallel_loop3A_688, %parallel_loop3A_689] {strides = array<i32>} : memref<64x96xf32, #tpu.memory_space<vmem>>, vector<1x16xf32>,
      %parallel_loop3A_691 = vector.shape_cast %parallel_loop3A_690 : vector<1x16xf32> to vector<16xf32>
      %parallel_loop3A_692 = arith.index_cast %parallel_loop3A_422 : i32 to index
      %parallel_loop3A_693 = arith.constant 64 : index
      %parallel_loop3A_694 = tpu.vector_load %arg8[%parallel_loop3A_692, %parallel_loop3A_693] {strides = array<i32>} : memref<64x96xf32, #tpu.memory_space<vmem>>, vector<1x16xf32>,
      %parallel_loop3A_695 = vector.shape_cast %parallel_loop3A_694 : vector<1x16xf32> to vector<16xf32>
      %parallel_loop3A_696 = arith.index_cast %parallel_loop3A_422 : i32 to index
      %parallel_loop3A_697 = arith.constant 64 : index
      %parallel_loop3A_698 = tpu.vector_load %arg9[%parallel_loop3A_696, %parallel_loop3A_697] {strides = array<i32>} : memref<64x96xf32, #tpu.memory_space<vmem>>, vector<1x16xf32>,
      %parallel_loop3A_699 = vector.shape_cast %parallel_loop3A_698 : vector<1x16xf32> to vector<16xf32>
      %parallel_loop3A_700 = arith.index_cast %parallel_loop3A_422 : i32 to index
      %parallel_loop3A_701 = arith.constant 64 : index
      %parallel_loop3A_702 = tpu.vector_load %arg10[%parallel_loop3A_700, %parallel_loop3A_701] {strides = array<i32>} : memref<64x96xf32, #tpu.memory_space<vmem>>, vector<1x16xf32>,
      %parallel_loop3A_703 = vector.shape_cast %parallel_loop3A_702 : vector<1x16xf32> to vector<16xf32>
      %parallel_loop3A_704 = arith.index_cast %parallel_loop3A_422 : i32 to index
      %parallel_loop3A_705 = arith.constant 64 : index
      %parallel_loop3A_706 = tpu.vector_load %arg11[%parallel_loop3A_704, %parallel_loop3A_705] {strides = array<i32>} : memref<64x96xf32, #tpu.memory_space<vmem>>, vector<1x16xf32>,
      %parallel_loop3A_707 = vector.shape_cast %parallel_loop3A_706 : vector<1x16xf32> to vector<16xf32>
      %parallel_loop3A_708 = arith.cmpf ogt, %parallel_loop3A_687, %parallel_loop3A_683 : vector<16xf32>
      %parallel_loop3A_709 = arith.cmpf oge, %parallel_loop3A_687, %parallel_loop3A_691 : vector<16xf32>
      %parallel_loop3A_710 = arith.andi %parallel_loop3A_708, %parallel_loop3A_709 : vector<16xi1>
      %parallel_loop3A_711 = arith.cmpf oge, %parallel_loop3A_687, %parallel_loop3A_695 : vector<16xf32>
      %parallel_loop3A_712 = arith.andi %parallel_loop3A_710, %parallel_loop3A_711 : vector<16xi1>
      %parallel_loop3A_713 = arith.cmpf ogt, %parallel_loop3A_691, %parallel_loop3A_683 : vector<16xf32>
      %parallel_loop3A_714 = arith.cmpf ogt, %parallel_loop3A_691, %parallel_loop3A_687 : vector<16xf32>
      %parallel_loop3A_715 = arith.andi %parallel_loop3A_713, %parallel_loop3A_714 : vector<16xi1>
      %parallel_loop3A_716 = arith.cmpf oge, %parallel_loop3A_691, %parallel_loop3A_695 : vector<16xf32>
      %parallel_loop3A_717 = arith.andi %parallel_loop3A_715, %parallel_loop3A_716 : vector<16xi1>
      %parallel_loop3A_718 = arith.cmpf ogt, %parallel_loop3A_695, %parallel_loop3A_683 : vector<16xf32>
      %parallel_loop3A_719 = arith.cmpf ogt, %parallel_loop3A_695, %parallel_loop3A_687 : vector<16xf32>
      %parallel_loop3A_720 = arith.andi %parallel_loop3A_718, %parallel_loop3A_719 : vector<16xi1>
      %parallel_loop3A_721 = arith.cmpf ogt, %parallel_loop3A_695, %parallel_loop3A_691 : vector<16xf32>
      %parallel_loop3A_722 = arith.andi %parallel_loop3A_720, %parallel_loop3A_721 : vector<16xi1>
      %parallel_loop3A_723 = arith.constant 0.000000e+00 : f32
      %parallel_loop3A_724 = vector.broadcast %parallel_loop3A_723 : f32 to vector<16xf32>
      %parallel_loop3A_725 = arith.constant 1.000000e+00 : f32
      %parallel_loop3A_726 = vector.broadcast %parallel_loop3A_725 : f32 to vector<16xf32>
      %parallel_loop3A_727 = arith.select %parallel_loop3A_712, %parallel_loop3A_699, %parallel_loop3A_724 : vector<16xi1>, vector<16xf32>
      %parallel_loop3A_728 = arith.addf %parallel_loop3A_666, %parallel_loop3A_727 : vector<16xf32>
      %parallel_loop3A_729 = arith.select %parallel_loop3A_717, %parallel_loop3A_703, %parallel_loop3A_724 : vector<16xi1>, vector<16xf32>
      %parallel_loop3A_730 = arith.addf %parallel_loop3A_668, %parallel_loop3A_729 : vector<16xf32>
      %parallel_loop3A_731 = arith.select %parallel_loop3A_722, %parallel_loop3A_707, %parallel_loop3A_724 : vector<16xi1>, vector<16xf32>
      %parallel_loop3A_732 = arith.addf %parallel_loop3A_670, %parallel_loop3A_731 : vector<16xf32>
      %parallel_loop3A_733 = arith.select %parallel_loop3A_712, %parallel_loop3A_726, %parallel_loop3A_724 : vector<16xi1>, vector<16xf32>
      %parallel_loop3A_734 = arith.addf %parallel_loop3A_672, %parallel_loop3A_733 : vector<16xf32>
      %parallel_loop3A_735 = arith.select %parallel_loop3A_717, %parallel_loop3A_726, %parallel_loop3A_724 : vector<16xi1>, vector<16xf32>
      %parallel_loop3A_736 = arith.addf %parallel_loop3A_674, %parallel_loop3A_735 : vector<16xf32>
      %parallel_loop3A_737 = arith.select %parallel_loop3A_722, %parallel_loop3A_726, %parallel_loop3A_724 : vector<16xi1>, vector<16xf32>
      %parallel_loop3A_738 = arith.addf %parallel_loop3A_676, %parallel_loop3A_737 : vector<16xf32>
      %parallel_loop3A_739 = arith.addf %parallel_loop3A_677, %parallel_loop3A_699 : vector<16xf32>
      %parallel_loop3A_740 = arith.addf %parallel_loop3A_678, %parallel_loop3A_703 : vector<16xf32>
      %parallel_loop3A_741 = arith.addf %parallel_loop3A_679, %parallel_loop3A_707 : vector<16xf32>
      %parallel_loop3A_742 = arith.index_cast %parallel_loop3A_422 : i32 to index
      %parallel_loop3A_743 = arith.constant 80 : index
      %parallel_loop3A_744 = tpu.vector_load %arg5[%parallel_loop3A_742, %parallel_loop3A_743] {strides = array<i32>} : memref<64x96xf32, #tpu.memory_space<vmem>>, vector<1x16xf32>,
      %parallel_loop3A_745 = vector.shape_cast %parallel_loop3A_744 : vector<1x16xf32> to vector<16xf32>
      %parallel_loop3A_746 = arith.index_cast %parallel_loop3A_422 : i32 to index
      %parallel_loop3A_747 = arith.constant 80 : index
      %parallel_loop3A_748 = tpu.vector_load %arg6[%parallel_loop3A_746, %parallel_loop3A_747] {strides = array<i32>} : memref<64x96xf32, #tpu.memory_space<vmem>>, vector<1x16xf32>,
      %parallel_loop3A_749 = vector.shape_cast %parallel_loop3A_748 : vector<1x16xf32> to vector<16xf32>
      %parallel_loop3A_750 = arith.index_cast %parallel_loop3A_422 : i32 to index
      %parallel_loop3A_751 = arith.constant 80 : index
      %parallel_loop3A_752 = tpu.vector_load %arg7[%parallel_loop3A_750, %parallel_loop3A_751] {strides = array<i32>} : memref<64x96xf32, #tpu.memory_space<vmem>>, vector<1x16xf32>,
      %parallel_loop3A_753 = vector.shape_cast %parallel_loop3A_752 : vector<1x16xf32> to vector<16xf32>
      %parallel_loop3A_754 = arith.index_cast %parallel_loop3A_422 : i32 to index
      %parallel_loop3A_755 = arith.constant 80 : index
      %parallel_loop3A_756 = tpu.vector_load %arg8[%parallel_loop3A_754, %parallel_loop3A_755] {strides = array<i32>} : memref<64x96xf32, #tpu.memory_space<vmem>>, vector<1x16xf32>,
      %parallel_loop3A_757 = vector.shape_cast %parallel_loop3A_756 : vector<1x16xf32> to vector<16xf32>
      %parallel_loop3A_758 = arith.index_cast %parallel_loop3A_422 : i32 to index
      %parallel_loop3A_759 = arith.constant 80 : index
      %parallel_loop3A_760 = tpu.vector_load %arg9[%parallel_loop3A_758, %parallel_loop3A_759] {strides = array<i32>} : memref<64x96xf32, #tpu.memory_space<vmem>>, vector<1x16xf32>,
      %parallel_loop3A_761 = vector.shape_cast %parallel_loop3A_760 : vector<1x16xf32> to vector<16xf32>
      %parallel_loop3A_762 = arith.index_cast %parallel_loop3A_422 : i32 to index
      %parallel_loop3A_763 = arith.constant 80 : index
      %parallel_loop3A_764 = tpu.vector_load %arg10[%parallel_loop3A_762, %parallel_loop3A_763] {strides = array<i32>} : memref<64x96xf32, #tpu.memory_space<vmem>>, vector<1x16xf32>,
      %parallel_loop3A_765 = vector.shape_cast %parallel_loop3A_764 : vector<1x16xf32> to vector<16xf32>
      %parallel_loop3A_766 = arith.index_cast %parallel_loop3A_422 : i32 to index
      %parallel_loop3A_767 = arith.constant 80 : index
      %parallel_loop3A_768 = tpu.vector_load %arg11[%parallel_loop3A_766, %parallel_loop3A_767] {strides = array<i32>} : memref<64x96xf32, #tpu.memory_space<vmem>>, vector<1x16xf32>,
      %parallel_loop3A_769 = vector.shape_cast %parallel_loop3A_768 : vector<1x16xf32> to vector<16xf32>
      %parallel_loop3A_770 = arith.cmpf ogt, %parallel_loop3A_749, %parallel_loop3A_745 : vector<16xf32>
      %parallel_loop3A_771 = arith.cmpf oge, %parallel_loop3A_749, %parallel_loop3A_753 : vector<16xf32>
      %parallel_loop3A_772 = arith.andi %parallel_loop3A_770, %parallel_loop3A_771 : vector<16xi1>
      %parallel_loop3A_773 = arith.cmpf oge, %parallel_loop3A_749, %parallel_loop3A_757 : vector<16xf32>
      %parallel_loop3A_774 = arith.andi %parallel_loop3A_772, %parallel_loop3A_773 : vector<16xi1>
      %parallel_loop3A_775 = arith.cmpf ogt, %parallel_loop3A_753, %parallel_loop3A_745 : vector<16xf32>
      %parallel_loop3A_776 = arith.cmpf ogt, %parallel_loop3A_753, %parallel_loop3A_749 : vector<16xf32>
      %parallel_loop3A_777 = arith.andi %parallel_loop3A_775, %parallel_loop3A_776 : vector<16xi1>
      %parallel_loop3A_778 = arith.cmpf oge, %parallel_loop3A_753, %parallel_loop3A_757 : vector<16xf32>
      %parallel_loop3A_779 = arith.andi %parallel_loop3A_777, %parallel_loop3A_778 : vector<16xi1>
      %parallel_loop3A_780 = arith.cmpf ogt, %parallel_loop3A_757, %parallel_loop3A_745 : vector<16xf32>
      %parallel_loop3A_781 = arith.cmpf ogt, %parallel_loop3A_757, %parallel_loop3A_749 : vector<16xf32>
      %parallel_loop3A_782 = arith.andi %parallel_loop3A_780, %parallel_loop3A_781 : vector<16xi1>
      %parallel_loop3A_783 = arith.cmpf ogt, %parallel_loop3A_757, %parallel_loop3A_753 : vector<16xf32>
      %parallel_loop3A_784 = arith.andi %parallel_loop3A_782, %parallel_loop3A_783 : vector<16xi1>
      %parallel_loop3A_785 = arith.constant 0.000000e+00 : f32
      %parallel_loop3A_786 = vector.broadcast %parallel_loop3A_785 : f32 to vector<16xf32>
      %parallel_loop3A_787 = arith.constant 1.000000e+00 : f32
      %parallel_loop3A_788 = vector.broadcast %parallel_loop3A_787 : f32 to vector<16xf32>
      %parallel_loop3A_789 = arith.select %parallel_loop3A_774, %parallel_loop3A_761, %parallel_loop3A_786 : vector<16xi1>, vector<16xf32>
      %parallel_loop3A_790 = arith.addf %parallel_loop3A_728, %parallel_loop3A_789 : vector<16xf32>
      %parallel_loop3A_791 = arith.select %parallel_loop3A_779, %parallel_loop3A_765, %parallel_loop3A_786 : vector<16xi1>, vector<16xf32>
      %parallel_loop3A_792 = arith.addf %parallel_loop3A_730, %parallel_loop3A_791 : vector<16xf32>
      %parallel_loop3A_793 = arith.select %parallel_loop3A_784, %parallel_loop3A_769, %parallel_loop3A_786 : vector<16xi1>, vector<16xf32>
      %parallel_loop3A_794 = arith.addf %parallel_loop3A_732, %parallel_loop3A_793 : vector<16xf32>
      %parallel_loop3A_795 = arith.select %parallel_loop3A_774, %parallel_loop3A_788, %parallel_loop3A_786 : vector<16xi1>, vector<16xf32>
      %parallel_loop3A_796 = arith.addf %parallel_loop3A_734, %parallel_loop3A_795 : vector<16xf32>
      %parallel_loop3A_797 = arith.select %parallel_loop3A_779, %parallel_loop3A_788, %parallel_loop3A_786 : vector<16xi1>, vector<16xf32>
      %parallel_loop3A_798 = arith.addf %parallel_loop3A_736, %parallel_loop3A_797 : vector<16xf32>
      %parallel_loop3A_799 = arith.select %parallel_loop3A_784, %parallel_loop3A_788, %parallel_loop3A_786 : vector<16xi1>, vector<16xf32>
      %parallel_loop3A_800 = arith.addf %parallel_loop3A_738, %parallel_loop3A_799 : vector<16xf32>
      %parallel_loop3A_801 = arith.addf %parallel_loop3A_739, %parallel_loop3A_761 : vector<16xf32>
      %parallel_loop3A_802 = arith.addf %parallel_loop3A_740, %parallel_loop3A_765 : vector<16xf32>
      %parallel_loop3A_803 = arith.addf %parallel_loop3A_741, %parallel_loop3A_769 : vector<16xf32>
      scf.yield %parallel_loop3A_790, %parallel_loop3A_792, %parallel_loop3A_794, %parallel_loop3A_796, %parallel_loop3A_798, %parallel_loop3A_800, %parallel_loop3A_801, %parallel_loop3A_802, %parallel_loop3A_803 : vector<16xf32>, vector<16xf32>, vector<16xf32>, vector<16xf32>, vector<16xf32>, vector<16xf32>, vector<16xf32>, vector<16xf32>, vector<16xf32>
    } {sc.loop_unroll_factor = 2 : i64, sc.parallel_access}
    %add3A_287 = arith.constant 64 : i32
    %add3A_288 = arith.addi %add3A_34, %add3A_287 : i32
    %mul3A_289 = arith.constant 4 : i32
    %mul3A_290 = arith.muli %select_n3A, %mul3A_289 : i32
    %add3A_291 = arith.constant 0 : i32
    %add3A_292 = arith.addi %mul3A_290, %add3A_291 : i32
    %mul3A_293 = arith.constant 4 : i32
    %mul3A_294 = arith.muli %select_n3A, %mul3A_293 : i32
    %add3A_295 = arith.constant 1 : i32
    %add3A_296 = arith.addi %mul3A_294, %add3A_295 : i32
    %mul3A_297 = arith.constant 4 : i32
    %mul3A_298 = arith.muli %select_n3A, %mul3A_297 : i32
    %add3A_299 = arith.constant 2 : i32
    %add3A_300 = arith.addi %mul3A_298, %add3A_299 : i32
    %mul3A_301 = arith.constant 4 : i32
    %mul3A_302 = arith.muli %select_n3A, %mul3A_301 : i32
    %add3A_303 = arith.constant 3 : i32
    %add3A_304 = arith.addi %mul3A_302, %add3A_303 : i32
    %mul3A_305 = arith.constant 4 : i32
    %mul3A_306 = arith.muli %select_n3A, %mul3A_305 : i32
    %add3A_307 = arith.constant 1 : i32
    %add3A_308 = arith.addi %mul3A_306, %add3A_307 : i32
    %add3A_309 = arith.constant 0 : i32
    %add3A_310 = arith.addi %add3A_308, %add3A_309 : i32
    %mul3A_311 = arith.constant 4 : i32
    %mul3A_312 = arith.muli %select_n3A, %mul3A_311 : i32
    %add3A_313 = arith.constant 1 : i32
    %add3A_314 = arith.addi %mul3A_312, %add3A_313 : i32
    %add3A_315 = arith.constant 1 : i32
    %add3A_316 = arith.addi %add3A_314, %add3A_315 : i32
    %mul3A_317 = arith.constant 4 : i32
    %mul3A_318 = arith.muli %select_n3A, %mul3A_317 : i32
    %add3A_319 = arith.constant 1 : i32
    %add3A_320 = arith.addi %mul3A_318, %add3A_319 : i32
    %add3A_321 = arith.constant 2 : i32
    %add3A_322 = arith.addi %add3A_320, %add3A_321 : i32
    %dma_wait3A_323 = arith.constant 0 : i32
    %dma_wait3A_324 = tpu.memref_slice %arg2[%add3A_292, %add3A_288, %dma_wait3A_323] : memref<8x9216x96xf32, #tpu.memory_space<hbm>> -> memref<1x64x96xf32, #tpu.memory_space<hbm>>
    %dma_wait3A_325 = tpu.memref_squeeze %dma_wait3A_324 : memref<1x64x96xf32, #tpu.memory_space<hbm>> -> memref<64x96xf32, #tpu.memory_space<hbm>>
    %dma_wait3A_326 = arith.constant 0 : i32
    %dma_wait3A_327 = tpu.memref_slice %arg2[%add3A_292, %add3A_288, %dma_wait3A_326] : memref<8x9216x96xf32, #tpu.memory_space<hbm>> -> memref<1x64x96xf32, #tpu.memory_space<hbm>>
    %dma_wait3A_328 = tpu.memref_squeeze %dma_wait3A_327 : memref<1x64x96xf32, #tpu.memory_space<hbm>> -> memref<64x96xf32, #tpu.memory_space<hbm>>
    tpu.wait_dma2 semaphore(%arg21 : memref<!tpu.dma_semaphore, #tpu.memory_space<semaphore_mem>>) src(%dma_wait3A_328 : memref<64x96xf32, #tpu.memory_space<hbm>>) dst(%arg12 : memref<64x96xf32, #tpu.memory_space<vmem>>)
    %dma_wait3A_329 = arith.constant 0 : i32
    %dma_wait3A_330 = tpu.memref_slice %arg2[%add3A_296, %add3A_288, %dma_wait3A_329] : memref<8x9216x96xf32, #tpu.memory_space<hbm>> -> memref<1x64x96xf32, #tpu.memory_space<hbm>>
    %dma_wait3A_331 = tpu.memref_squeeze %dma_wait3A_330 : memref<1x64x96xf32, #tpu.memory_space<hbm>> -> memref<64x96xf32, #tpu.memory_space<hbm>>
    %dma_wait3A_332 = arith.constant 0 : i32
    %dma_wait3A_333 = tpu.memref_slice %arg2[%add3A_296, %add3A_288, %dma_wait3A_332] : memref<8x9216x96xf32, #tpu.memory_space<hbm>> -> memref<1x64x96xf32, #tpu.memory_space<hbm>>
    %dma_wait3A_334 = tpu.memref_squeeze %dma_wait3A_333 : memref<1x64x96xf32, #tpu.memory_space<hbm>> -> memref<64x96xf32, #tpu.memory_space<hbm>>
    tpu.wait_dma2 semaphore(%arg21 : memref<!tpu.dma_semaphore, #tpu.memory_space<semaphore_mem>>) src(%dma_wait3A_334 : memref<64x96xf32, #tpu.memory_space<hbm>>) dst(%arg13 : memref<64x96xf32, #tpu.memory_space<vmem>>)
    %dma_wait3A_335 = arith.constant 0 : i32
    %dma_wait3A_336 = tpu.memref_slice %arg2[%add3A_300, %add3A_288, %dma_wait3A_335] : memref<8x9216x96xf32, #tpu.memory_space<hbm>> -> memref<1x64x96xf32, #tpu.memory_space<hbm>>
    %dma_wait3A_337 = tpu.memref_squeeze %dma_wait3A_336 : memref<1x64x96xf32, #tpu.memory_space<hbm>> -> memref<64x96xf32, #tpu.memory_space<hbm>>
    %dma_wait3A_338 = arith.constant 0 : i32
    %dma_wait3A_339 = tpu.memref_slice %arg2[%add3A_300, %add3A_288, %dma_wait3A_338] : memref<8x9216x96xf32, #tpu.memory_space<hbm>> -> memref<1x64x96xf32, #tpu.memory_space<hbm>>
    %dma_wait3A_340 = tpu.memref_squeeze %dma_wait3A_339 : memref<1x64x96xf32, #tpu.memory_space<hbm>> -> memref<64x96xf32, #tpu.memory_space<hbm>>
    tpu.wait_dma2 semaphore(%arg21 : memref<!tpu.dma_semaphore, #tpu.memory_space<semaphore_mem>>) src(%dma_wait3A_340 : memref<64x96xf32, #tpu.memory_space<hbm>>) dst(%arg14 : memref<64x96xf32, #tpu.memory_space<vmem>>)
    %dma_wait3A_341 = arith.constant 0 : i32
    %dma_wait3A_342 = tpu.memref_slice %arg2[%add3A_304, %add3A_288, %dma_wait3A_341] : memref<8x9216x96xf32, #tpu.memory_space<hbm>> -> memref<1x64x96xf32, #tpu.memory_space<hbm>>
    %dma_wait3A_343 = tpu.memref_squeeze %dma_wait3A_342 : memref<1x64x96xf32, #tpu.memory_space<hbm>> -> memref<64x96xf32, #tpu.memory_space<hbm>>
    %dma_wait3A_344 = arith.constant 0 : i32
    %dma_wait3A_345 = tpu.memref_slice %arg2[%add3A_304, %add3A_288, %dma_wait3A_344] : memref<8x9216x96xf32, #tpu.memory_space<hbm>> -> memref<1x64x96xf32, #tpu.memory_space<hbm>>
    %dma_wait3A_346 = tpu.memref_squeeze %dma_wait3A_345 : memref<1x64x96xf32, #tpu.memory_space<hbm>> -> memref<64x96xf32, #tpu.memory_space<hbm>>
    tpu.wait_dma2 semaphore(%arg21 : memref<!tpu.dma_semaphore, #tpu.memory_space<semaphore_mem>>) src(%dma_wait3A_346 : memref<64x96xf32, #tpu.memory_space<hbm>>) dst(%arg15 : memref<64x96xf32, #tpu.memory_space<vmem>>)
    %dma_wait3A_347 = arith.constant 0 : i32
    %dma_wait3A_348 = tpu.memref_slice %arg3[%add3A_310, %add3A_288, %dma_wait3A_347] : memref<8x9216x96xf32, #tpu.memory_space<hbm>> -> memref<1x64x96xf32, #tpu.memory_space<hbm>>
    %dma_wait3A_349 = tpu.memref_squeeze %dma_wait3A_348 : memref<1x64x96xf32, #tpu.memory_space<hbm>> -> memref<64x96xf32, #tpu.memory_space<hbm>>
    %dma_wait3A_350 = arith.constant 0 : i32
    %dma_wait3A_351 = tpu.memref_slice %arg3[%add3A_310, %add3A_288, %dma_wait3A_350] : memref<8x9216x96xf32, #tpu.memory_space<hbm>> -> memref<1x64x96xf32, #tpu.memory_space<hbm>>
    %dma_wait3A_352 = tpu.memref_squeeze %dma_wait3A_351 : memref<1x64x96xf32, #tpu.memory_space<hbm>> -> memref<64x96xf32, #tpu.memory_space<hbm>>
    tpu.wait_dma2 semaphore(%arg21 : memref<!tpu.dma_semaphore, #tpu.memory_space<semaphore_mem>>) src(%dma_wait3A_352 : memref<64x96xf32, #tpu.memory_space<hbm>>) dst(%arg16 : memref<64x96xf32, #tpu.memory_space<vmem>>)
    %dma_wait3A_353 = arith.constant 0 : i32
    %dma_wait3A_354 = tpu.memref_slice %arg3[%add3A_316, %add3A_288, %dma_wait3A_353] : memref<8x9216x96xf32, #tpu.memory_space<hbm>> -> memref<1x64x96xf32, #tpu.memory_space<hbm>>
    %dma_wait3A_355 = tpu.memref_squeeze %dma_wait3A_354 : memref<1x64x96xf32, #tpu.memory_space<hbm>> -> memref<64x96xf32, #tpu.memory_space<hbm>>
    %dma_wait3A_356 = arith.constant 0 : i32
    %dma_wait3A_357 = tpu.memref_slice %arg3[%add3A_316, %add3A_288, %dma_wait3A_356] : memref<8x9216x96xf32, #tpu.memory_space<hbm>> -> memref<1x64x96xf32, #tpu.memory_space<hbm>>
    %dma_wait3A_358 = tpu.memref_squeeze %dma_wait3A_357 : memref<1x64x96xf32, #tpu.memory_space<hbm>> -> memref<64x96xf32, #tpu.memory_space<hbm>>
    tpu.wait_dma2 semaphore(%arg21 : memref<!tpu.dma_semaphore, #tpu.memory_space<semaphore_mem>>) src(%dma_wait3A_358 : memref<64x96xf32, #tpu.memory_space<hbm>>) dst(%arg17 : memref<64x96xf32, #tpu.memory_space<vmem>>)
    %dma_wait3A_359 = arith.constant 0 : i32
    %dma_wait3A_360 = tpu.memref_slice %arg3[%add3A_322, %add3A_288, %dma_wait3A_359] : memref<8x9216x96xf32, #tpu.memory_space<hbm>> -> memref<1x64x96xf32, #tpu.memory_space<hbm>>
    %dma_wait3A_361 = tpu.memref_squeeze %dma_wait3A_360 : memref<1x64x96xf32, #tpu.memory_space<hbm>> -> memref<64x96xf32, #tpu.memory_space<hbm>>
    %dma_wait3A_362 = arith.constant 0 : i32
    %dma_wait3A_363 = tpu.memref_slice %arg3[%add3A_322, %add3A_288, %dma_wait3A_362] : memref<8x9216x96xf32, #tpu.memory_space<hbm>> -> memref<1x64x96xf32, #tpu.memory_space<hbm>>
    %dma_wait3A_364 = tpu.memref_squeeze %dma_wait3A_363 : memref<1x64x96xf32, #tpu.memory_space<hbm>> -> memref<64x96xf32, #tpu.memory_space<hbm>>
    tpu.wait_dma2 semaphore(%arg21 : memref<!tpu.dma_semaphore, #tpu.memory_space<semaphore_mem>>) src(%dma_wait3A_364 : memref<64x96xf32, #tpu.memory_space<hbm>>) dst(%arg18 : memref<64x96xf32, #tpu.memory_space<vmem>>)
    %parallel_loop3A_365 = arith.constant 0 : i32
    %parallel_loop3A_366 = arith.constant 64 : i32
    %parallel_loop3A_367 = arith.constant 1 : i32
    %parallel_loop3A_368:9 = scf.for %parallel_loop3A_422 = %parallel_loop3A_365 to %parallel_loop3A_366 step %parallel_loop3A_367 iter_args(%parallel_loop3A_423 = %parallel_loop3A_286#0, %parallel_loop3A_424 = %parallel_loop3A_286#1, %parallel_loop3A_425 = %parallel_loop3A_286#2, %parallel_loop3A_426 = %parallel_loop3A_286#3, %parallel_loop3A_427 = %parallel_loop3A_286#4, %parallel_loop3A_428 = %parallel_loop3A_286#5, %parallel_loop3A_429 = %parallel_loop3A_286#6, %parallel_loop3A_430 = %parallel_loop3A_286#7, %parallel_loop3A_431 = %parallel_loop3A_286#8) -> (vector<16xf32>, vector<16xf32>, vector<16xf32>, vector<16xf32>, vector<16xf32>, vector<16xf32>, vector<16xf32>, vector<16xf32>, vector<16xf32>)  : i32 {
      %parallel_loop3A_432 = arith.index_cast %parallel_loop3A_422 : i32 to index
      %parallel_loop3A_433 = arith.constant 0 : index
      %parallel_loop3A_434 = tpu.vector_load %arg12[%parallel_loop3A_432, %parallel_loop3A_433] {strides = array<i32>} : memref<64x96xf32, #tpu.memory_space<vmem>>, vector<1x16xf32>,
      %parallel_loop3A_435 = vector.shape_cast %parallel_loop3A_434 : vector<1x16xf32> to vector<16xf32>
      %parallel_loop3A_436 = arith.index_cast %parallel_loop3A_422 : i32 to index
      %parallel_loop3A_437 = arith.constant 0 : index
      %parallel_loop3A_438 = tpu.vector_load %arg13[%parallel_loop3A_436, %parallel_loop3A_437] {strides = array<i32>} : memref<64x96xf32, #tpu.memory_space<vmem>>, vector<1x16xf32>,
      %parallel_loop3A_439 = vector.shape_cast %parallel_loop3A_438 : vector<1x16xf32> to vector<16xf32>
      %parallel_loop3A_440 = arith.index_cast %parallel_loop3A_422 : i32 to index
      %parallel_loop3A_441 = arith.constant 0 : index
      %parallel_loop3A_442 = tpu.vector_load %arg14[%parallel_loop3A_440, %parallel_loop3A_441] {strides = array<i32>} : memref<64x96xf32, #tpu.memory_space<vmem>>, vector<1x16xf32>,
      %parallel_loop3A_443 = vector.shape_cast %parallel_loop3A_442 : vector<1x16xf32> to vector<16xf32>
      %parallel_loop3A_444 = arith.index_cast %parallel_loop3A_422 : i32 to index
      %parallel_loop3A_445 = arith.constant 0 : index
      %parallel_loop3A_446 = tpu.vector_load %arg15[%parallel_loop3A_444, %parallel_loop3A_445] {strides = array<i32>} : memref<64x96xf32, #tpu.memory_space<vmem>>, vector<1x16xf32>,
      %parallel_loop3A_447 = vector.shape_cast %parallel_loop3A_446 : vector<1x16xf32> to vector<16xf32>
      %parallel_loop3A_448 = arith.index_cast %parallel_loop3A_422 : i32 to index
      %parallel_loop3A_449 = arith.constant 0 : index
      %parallel_loop3A_450 = tpu.vector_load %arg16[%parallel_loop3A_448, %parallel_loop3A_449] {strides = array<i32>} : memref<64x96xf32, #tpu.memory_space<vmem>>, vector<1x16xf32>,
      %parallel_loop3A_451 = vector.shape_cast %parallel_loop3A_450 : vector<1x16xf32> to vector<16xf32>
      %parallel_loop3A_452 = arith.index_cast %parallel_loop3A_422 : i32 to index
      %parallel_loop3A_453 = arith.constant 0 : index
      %parallel_loop3A_454 = tpu.vector_load %arg17[%parallel_loop3A_452, %parallel_loop3A_453] {strides = array<i32>} : memref<64x96xf32, #tpu.memory_space<vmem>>, vector<1x16xf32>,
      %parallel_loop3A_455 = vector.shape_cast %parallel_loop3A_454 : vector<1x16xf32> to vector<16xf32>
      %parallel_loop3A_456 = arith.index_cast %parallel_loop3A_422 : i32 to index
      %parallel_loop3A_457 = arith.constant 0 : index
      %parallel_loop3A_458 = tpu.vector_load %arg18[%parallel_loop3A_456, %parallel_loop3A_457] {strides = array<i32>} : memref<64x96xf32, #tpu.memory_space<vmem>>, vector<1x16xf32>,
      %parallel_loop3A_459 = vector.shape_cast %parallel_loop3A_458 : vector<1x16xf32> to vector<16xf32>
      %parallel_loop3A_460 = arith.cmpf ogt, %parallel_loop3A_439, %parallel_loop3A_435 : vector<16xf32>
      %parallel_loop3A_461 = arith.cmpf oge, %parallel_loop3A_439, %parallel_loop3A_443 : vector<16xf32>
      %parallel_loop3A_462 = arith.andi %parallel_loop3A_460, %parallel_loop3A_461 : vector<16xi1>
      %parallel_loop3A_463 = arith.cmpf oge, %parallel_loop3A_439, %parallel_loop3A_447 : vector<16xf32>
      %parallel_loop3A_464 = arith.andi %parallel_loop3A_462, %parallel_loop3A_463 : vector<16xi1>
      %parallel_loop3A_465 = arith.cmpf ogt, %parallel_loop3A_443, %parallel_loop3A_435 : vector<16xf32>
      %parallel_loop3A_466 = arith.cmpf ogt, %parallel_loop3A_443, %parallel_loop3A_439 : vector<16xf32>
      %parallel_loop3A_467 = arith.andi %parallel_loop3A_465, %parallel_loop3A_466 : vector<16xi1>
      %parallel_loop3A_468 = arith.cmpf oge, %parallel_loop3A_443, %parallel_loop3A_447 : vector<16xf32>
      %parallel_loop3A_469 = arith.andi %parallel_loop3A_467, %parallel_loop3A_468 : vector<16xi1>
      %parallel_loop3A_470 = arith.cmpf ogt, %parallel_loop3A_447, %parallel_loop3A_435 : vector<16xf32>
      %parallel_loop3A_471 = arith.cmpf ogt, %parallel_loop3A_447, %parallel_loop3A_439 : vector<16xf32>
      %parallel_loop3A_472 = arith.andi %parallel_loop3A_470, %parallel_loop3A_471 : vector<16xi1>
      %parallel_loop3A_473 = arith.cmpf ogt, %parallel_loop3A_447, %parallel_loop3A_443 : vector<16xf32>
      %parallel_loop3A_474 = arith.andi %parallel_loop3A_472, %parallel_loop3A_473 : vector<16xi1>
      %parallel_loop3A_475 = arith.constant 0.000000e+00 : f32
      %parallel_loop3A_476 = vector.broadcast %parallel_loop3A_475 : f32 to vector<16xf32>
      %parallel_loop3A_477 = arith.constant 1.000000e+00 : f32
      %parallel_loop3A_478 = vector.broadcast %parallel_loop3A_477 : f32 to vector<16xf32>
      %parallel_loop3A_479 = arith.select %parallel_loop3A_464, %parallel_loop3A_451, %parallel_loop3A_476 : vector<16xi1>, vector<16xf32>
      %parallel_loop3A_480 = arith.addf %parallel_loop3A_423, %parallel_loop3A_479 : vector<16xf32>
      %parallel_loop3A_481 = arith.select %parallel_loop3A_469, %parallel_loop3A_455, %parallel_loop3A_476 : vector<16xi1>, vector<16xf32>
      %parallel_loop3A_482 = arith.addf %parallel_loop3A_424, %parallel_loop3A_481 : vector<16xf32>
      %parallel_loop3A_483 = arith.select %parallel_loop3A_474, %parallel_loop3A_459, %parallel_loop3A_476 : vector<16xi1>, vector<16xf32>
      %parallel_loop3A_484 = arith.addf %parallel_loop3A_425, %parallel_loop3A_483 : vector<16xf32>
      %parallel_loop3A_485 = arith.select %parallel_loop3A_464, %parallel_loop3A_478, %parallel_loop3A_476 : vector<16xi1>, vector<16xf32>
      %parallel_loop3A_486 = arith.addf %parallel_loop3A_426, %parallel_loop3A_485 : vector<16xf32>
      %parallel_loop3A_487 = arith.select %parallel_loop3A_469, %parallel_loop3A_478, %parallel_loop3A_476 : vector<16xi1>, vector<16xf32>
      %parallel_loop3A_488 = arith.addf %parallel_loop3A_427, %parallel_loop3A_487 : vector<16xf32>
      %parallel_loop3A_489 = arith.select %parallel_loop3A_474, %parallel_loop3A_478, %parallel_loop3A_476 : vector<16xi1>, vector<16xf32>
      %parallel_loop3A_490 = arith.addf %parallel_loop3A_428, %parallel_loop3A_489 : vector<16xf32>
      %parallel_loop3A_491 = arith.addf %parallel_loop3A_429, %parallel_loop3A_451 : vector<16xf32>
      %parallel_loop3A_492 = arith.addf %parallel_loop3A_430, %parallel_loop3A_455 : vector<16xf32>
      %parallel_loop3A_493 = arith.addf %parallel_loop3A_431, %parallel_loop3A_459 : vector<16xf32>
      %parallel_loop3A_494 = arith.index_cast %parallel_loop3A_422 : i32 to index
      %parallel_loop3A_495 = arith.constant 16 : index
      %parallel_loop3A_496 = tpu.vector_load %arg12[%parallel_loop3A_494, %parallel_loop3A_495] {strides = array<i32>} : memref<64x96xf32, #tpu.memory_space<vmem>>, vector<1x16xf32>,
      %parallel_loop3A_497 = vector.shape_cast %parallel_loop3A_496 : vector<1x16xf32> to vector<16xf32>
      %parallel_loop3A_498 = arith.index_cast %parallel_loop3A_422 : i32 to index
      %parallel_loop3A_499 = arith.constant 16 : index
      %parallel_loop3A_500 = tpu.vector_load %arg13[%parallel_loop3A_498, %parallel_loop3A_499] {strides = array<i32>} : memref<64x96xf32, #tpu.memory_space<vmem>>, vector<1x16xf32>,
      %parallel_loop3A_501 = vector.shape_cast %parallel_loop3A_500 : vector<1x16xf32> to vector<16xf32>
      %parallel_loop3A_502 = arith.index_cast %parallel_loop3A_422 : i32 to index
      %parallel_loop3A_503 = arith.constant 16 : index
      %parallel_loop3A_504 = tpu.vector_load %arg14[%parallel_loop3A_502, %parallel_loop3A_503] {strides = array<i32>} : memref<64x96xf32, #tpu.memory_space<vmem>>, vector<1x16xf32>,
      %parallel_loop3A_505 = vector.shape_cast %parallel_loop3A_504 : vector<1x16xf32> to vector<16xf32>
      %parallel_loop3A_506 = arith.index_cast %parallel_loop3A_422 : i32 to index
      %parallel_loop3A_507 = arith.constant 16 : index
      %parallel_loop3A_508 = tpu.vector_load %arg15[%parallel_loop3A_506, %parallel_loop3A_507] {strides = array<i32>} : memref<64x96xf32, #tpu.memory_space<vmem>>, vector<1x16xf32>,
      %parallel_loop3A_509 = vector.shape_cast %parallel_loop3A_508 : vector<1x16xf32> to vector<16xf32>
      %parallel_loop3A_510 = arith.index_cast %parallel_loop3A_422 : i32 to index
      %parallel_loop3A_511 = arith.constant 16 : index
      %parallel_loop3A_512 = tpu.vector_load %arg16[%parallel_loop3A_510, %parallel_loop3A_511] {strides = array<i32>} : memref<64x96xf32, #tpu.memory_space<vmem>>, vector<1x16xf32>,
      %parallel_loop3A_513 = vector.shape_cast %parallel_loop3A_512 : vector<1x16xf32> to vector<16xf32>
      %parallel_loop3A_514 = arith.index_cast %parallel_loop3A_422 : i32 to index
      %parallel_loop3A_515 = arith.constant 16 : index
      %parallel_loop3A_516 = tpu.vector_load %arg17[%parallel_loop3A_514, %parallel_loop3A_515] {strides = array<i32>} : memref<64x96xf32, #tpu.memory_space<vmem>>, vector<1x16xf32>,
      %parallel_loop3A_517 = vector.shape_cast %parallel_loop3A_516 : vector<1x16xf32> to vector<16xf32>
      %parallel_loop3A_518 = arith.index_cast %parallel_loop3A_422 : i32 to index
      %parallel_loop3A_519 = arith.constant 16 : index
      %parallel_loop3A_520 = tpu.vector_load %arg18[%parallel_loop3A_518, %parallel_loop3A_519] {strides = array<i32>} : memref<64x96xf32, #tpu.memory_space<vmem>>, vector<1x16xf32>,
      %parallel_loop3A_521 = vector.shape_cast %parallel_loop3A_520 : vector<1x16xf32> to vector<16xf32>
      %parallel_loop3A_522 = arith.cmpf ogt, %parallel_loop3A_501, %parallel_loop3A_497 : vector<16xf32>
      %parallel_loop3A_523 = arith.cmpf oge, %parallel_loop3A_501, %parallel_loop3A_505 : vector<16xf32>
      %parallel_loop3A_524 = arith.andi %parallel_loop3A_522, %parallel_loop3A_523 : vector<16xi1>
      %parallel_loop3A_525 = arith.cmpf oge, %parallel_loop3A_501, %parallel_loop3A_509 : vector<16xf32>
      %parallel_loop3A_526 = arith.andi %parallel_loop3A_524, %parallel_loop3A_525 : vector<16xi1>
      %parallel_loop3A_527 = arith.cmpf ogt, %parallel_loop3A_505, %parallel_loop3A_497 : vector<16xf32>
      %parallel_loop3A_528 = arith.cmpf ogt, %parallel_loop3A_505, %parallel_loop3A_501 : vector<16xf32>
      %parallel_loop3A_529 = arith.andi %parallel_loop3A_527, %parallel_loop3A_528 : vector<16xi1>
      %parallel_loop3A_530 = arith.cmpf oge, %parallel_loop3A_505, %parallel_loop3A_509 : vector<16xf32>
      %parallel_loop3A_531 = arith.andi %parallel_loop3A_529, %parallel_loop3A_530 : vector<16xi1>
      %parallel_loop3A_532 = arith.cmpf ogt, %parallel_loop3A_509, %parallel_loop3A_497 : vector<16xf32>
      %parallel_loop3A_533 = arith.cmpf ogt, %parallel_loop3A_509, %parallel_loop3A_501 : vector<16xf32>
      %parallel_loop3A_534 = arith.andi %parallel_loop3A_532, %parallel_loop3A_533 : vector<16xi1>
      %parallel_loop3A_535 = arith.cmpf ogt, %parallel_loop3A_509, %parallel_loop3A_505 : vector<16xf32>
      %parallel_loop3A_536 = arith.andi %parallel_loop3A_534, %parallel_loop3A_535 : vector<16xi1>
      %parallel_loop3A_537 = arith.constant 0.000000e+00 : f32
      %parallel_loop3A_538 = vector.broadcast %parallel_loop3A_537 : f32 to vector<16xf32>
      %parallel_loop3A_539 = arith.constant 1.000000e+00 : f32
      %parallel_loop3A_540 = vector.broadcast %parallel_loop3A_539 : f32 to vector<16xf32>
      %parallel_loop3A_541 = arith.select %parallel_loop3A_526, %parallel_loop3A_513, %parallel_loop3A_538 : vector<16xi1>, vector<16xf32>
      %parallel_loop3A_542 = arith.addf %parallel_loop3A_480, %parallel_loop3A_541 : vector<16xf32>
      %parallel_loop3A_543 = arith.select %parallel_loop3A_531, %parallel_loop3A_517, %parallel_loop3A_538 : vector<16xi1>, vector<16xf32>
      %parallel_loop3A_544 = arith.addf %parallel_loop3A_482, %parallel_loop3A_543 : vector<16xf32>
      %parallel_loop3A_545 = arith.select %parallel_loop3A_536, %parallel_loop3A_521, %parallel_loop3A_538 : vector<16xi1>, vector<16xf32>
      %parallel_loop3A_546 = arith.addf %parallel_loop3A_484, %parallel_loop3A_545 : vector<16xf32>
      %parallel_loop3A_547 = arith.select %parallel_loop3A_526, %parallel_loop3A_540, %parallel_loop3A_538 : vector<16xi1>, vector<16xf32>
      %parallel_loop3A_548 = arith.addf %parallel_loop3A_486, %parallel_loop3A_547 : vector<16xf32>
      %parallel_loop3A_549 = arith.select %parallel_loop3A_531, %parallel_loop3A_540, %parallel_loop3A_538 : vector<16xi1>, vector<16xf32>
      %parallel_loop3A_550 = arith.addf %parallel_loop3A_488, %parallel_loop3A_549 : vector<16xf32>
      %parallel_loop3A_551 = arith.select %parallel_loop3A_536, %parallel_loop3A_540, %parallel_loop3A_538 : vector<16xi1>, vector<16xf32>
      %parallel_loop3A_552 = arith.addf %parallel_loop3A_490, %parallel_loop3A_551 : vector<16xf32>
      %parallel_loop3A_553 = arith.addf %parallel_loop3A_491, %parallel_loop3A_513 : vector<16xf32>
      %parallel_loop3A_554 = arith.addf %parallel_loop3A_492, %parallel_loop3A_517 : vector<16xf32>
      %parallel_loop3A_555 = arith.addf %parallel_loop3A_493, %parallel_loop3A_521 : vector<16xf32>
      %parallel_loop3A_556 = arith.index_cast %parallel_loop3A_422 : i32 to index
      %parallel_loop3A_557 = arith.constant 32 : index
      %parallel_loop3A_558 = tpu.vector_load %arg12[%parallel_loop3A_556, %parallel_loop3A_557] {strides = array<i32>} : memref<64x96xf32, #tpu.memory_space<vmem>>, vector<1x16xf32>,
      %parallel_loop3A_559 = vector.shape_cast %parallel_loop3A_558 : vector<1x16xf32> to vector<16xf32>
      %parallel_loop3A_560 = arith.index_cast %parallel_loop3A_422 : i32 to index
      %parallel_loop3A_561 = arith.constant 32 : index
      %parallel_loop3A_562 = tpu.vector_load %arg13[%parallel_loop3A_560, %parallel_loop3A_561] {strides = array<i32>} : memref<64x96xf32, #tpu.memory_space<vmem>>, vector<1x16xf32>,
      %parallel_loop3A_563 = vector.shape_cast %parallel_loop3A_562 : vector<1x16xf32> to vector<16xf32>
      %parallel_loop3A_564 = arith.index_cast %parallel_loop3A_422 : i32 to index
      %parallel_loop3A_565 = arith.constant 32 : index
      %parallel_loop3A_566 = tpu.vector_load %arg14[%parallel_loop3A_564, %parallel_loop3A_565] {strides = array<i32>} : memref<64x96xf32, #tpu.memory_space<vmem>>, vector<1x16xf32>,
      %parallel_loop3A_567 = vector.shape_cast %parallel_loop3A_566 : vector<1x16xf32> to vector<16xf32>
      %parallel_loop3A_568 = arith.index_cast %parallel_loop3A_422 : i32 to index
      %parallel_loop3A_569 = arith.constant 32 : index
      %parallel_loop3A_570 = tpu.vector_load %arg15[%parallel_loop3A_568, %parallel_loop3A_569] {strides = array<i32>} : memref<64x96xf32, #tpu.memory_space<vmem>>, vector<1x16xf32>,
      %parallel_loop3A_571 = vector.shape_cast %parallel_loop3A_570 : vector<1x16xf32> to vector<16xf32>
      %parallel_loop3A_572 = arith.index_cast %parallel_loop3A_422 : i32 to index
      %parallel_loop3A_573 = arith.constant 32 : index
      %parallel_loop3A_574 = tpu.vector_load %arg16[%parallel_loop3A_572, %parallel_loop3A_573] {strides = array<i32>} : memref<64x96xf32, #tpu.memory_space<vmem>>, vector<1x16xf32>,
      %parallel_loop3A_575 = vector.shape_cast %parallel_loop3A_574 : vector<1x16xf32> to vector<16xf32>
      %parallel_loop3A_576 = arith.index_cast %parallel_loop3A_422 : i32 to index
      %parallel_loop3A_577 = arith.constant 32 : index
      %parallel_loop3A_578 = tpu.vector_load %arg17[%parallel_loop3A_576, %parallel_loop3A_577] {strides = array<i32>} : memref<64x96xf32, #tpu.memory_space<vmem>>, vector<1x16xf32>,
      %parallel_loop3A_579 = vector.shape_cast %parallel_loop3A_578 : vector<1x16xf32> to vector<16xf32>
      %parallel_loop3A_580 = arith.index_cast %parallel_loop3A_422 : i32 to index
      %parallel_loop3A_581 = arith.constant 32 : index
      %parallel_loop3A_582 = tpu.vector_load %arg18[%parallel_loop3A_580, %parallel_loop3A_581] {strides = array<i32>} : memref<64x96xf32, #tpu.memory_space<vmem>>, vector<1x16xf32>,
      %parallel_loop3A_583 = vector.shape_cast %parallel_loop3A_582 : vector<1x16xf32> to vector<16xf32>
      %parallel_loop3A_584 = arith.cmpf ogt, %parallel_loop3A_563, %parallel_loop3A_559 : vector<16xf32>
      %parallel_loop3A_585 = arith.cmpf oge, %parallel_loop3A_563, %parallel_loop3A_567 : vector<16xf32>
      %parallel_loop3A_586 = arith.andi %parallel_loop3A_584, %parallel_loop3A_585 : vector<16xi1>
      %parallel_loop3A_587 = arith.cmpf oge, %parallel_loop3A_563, %parallel_loop3A_571 : vector<16xf32>
      %parallel_loop3A_588 = arith.andi %parallel_loop3A_586, %parallel_loop3A_587 : vector<16xi1>
      %parallel_loop3A_589 = arith.cmpf ogt, %parallel_loop3A_567, %parallel_loop3A_559 : vector<16xf32>
      %parallel_loop3A_590 = arith.cmpf ogt, %parallel_loop3A_567, %parallel_loop3A_563 : vector<16xf32>
      %parallel_loop3A_591 = arith.andi %parallel_loop3A_589, %parallel_loop3A_590 : vector<16xi1>
      %parallel_loop3A_592 = arith.cmpf oge, %parallel_loop3A_567, %parallel_loop3A_571 : vector<16xf32>
      %parallel_loop3A_593 = arith.andi %parallel_loop3A_591, %parallel_loop3A_592 : vector<16xi1>
      %parallel_loop3A_594 = arith.cmpf ogt, %parallel_loop3A_571, %parallel_loop3A_559 : vector<16xf32>
      %parallel_loop3A_595 = arith.cmpf ogt, %parallel_loop3A_571, %parallel_loop3A_563 : vector<16xf32>
      %parallel_loop3A_596 = arith.andi %parallel_loop3A_594, %parallel_loop3A_595 : vector<16xi1>
      %parallel_loop3A_597 = arith.cmpf ogt, %parallel_loop3A_571, %parallel_loop3A_567 : vector<16xf32>
      %parallel_loop3A_598 = arith.andi %parallel_loop3A_596, %parallel_loop3A_597 : vector<16xi1>
      %parallel_loop3A_599 = arith.constant 0.000000e+00 : f32
      %parallel_loop3A_600 = vector.broadcast %parallel_loop3A_599 : f32 to vector<16xf32>
      %parallel_loop3A_601 = arith.constant 1.000000e+00 : f32
      %parallel_loop3A_602 = vector.broadcast %parallel_loop3A_601 : f32 to vector<16xf32>
      %parallel_loop3A_603 = arith.select %parallel_loop3A_588, %parallel_loop3A_575, %parallel_loop3A_600 : vector<16xi1>, vector<16xf32>
      %parallel_loop3A_604 = arith.addf %parallel_loop3A_542, %parallel_loop3A_603 : vector<16xf32>
      %parallel_loop3A_605 = arith.select %parallel_loop3A_593, %parallel_loop3A_579, %parallel_loop3A_600 : vector<16xi1>, vector<16xf32>
      %parallel_loop3A_606 = arith.addf %parallel_loop3A_544, %parallel_loop3A_605 : vector<16xf32>
      %parallel_loop3A_607 = arith.select %parallel_loop3A_598, %parallel_loop3A_583, %parallel_loop3A_600 : vector<16xi1>, vector<16xf32>
      %parallel_loop3A_608 = arith.addf %parallel_loop3A_546, %parallel_loop3A_607 : vector<16xf32>
      %parallel_loop3A_609 = arith.select %parallel_loop3A_588, %parallel_loop3A_602, %parallel_loop3A_600 : vector<16xi1>, vector<16xf32>
      %parallel_loop3A_610 = arith.addf %parallel_loop3A_548, %parallel_loop3A_609 : vector<16xf32>
      %parallel_loop3A_611 = arith.select %parallel_loop3A_593, %parallel_loop3A_602, %parallel_loop3A_600 : vector<16xi1>, vector<16xf32>
      %parallel_loop3A_612 = arith.addf %parallel_loop3A_550, %parallel_loop3A_611 : vector<16xf32>
      %parallel_loop3A_613 = arith.select %parallel_loop3A_598, %parallel_loop3A_602, %parallel_loop3A_600 : vector<16xi1>, vector<16xf32>
      %parallel_loop3A_614 = arith.addf %parallel_loop3A_552, %parallel_loop3A_613 : vector<16xf32>
      %parallel_loop3A_615 = arith.addf %parallel_loop3A_553, %parallel_loop3A_575 : vector<16xf32>
      %parallel_loop3A_616 = arith.addf %parallel_loop3A_554, %parallel_loop3A_579 : vector<16xf32>
      %parallel_loop3A_617 = arith.addf %parallel_loop3A_555, %parallel_loop3A_583 : vector<16xf32>
      %parallel_loop3A_618 = arith.index_cast %parallel_loop3A_422 : i32 to index
      %parallel_loop3A_619 = arith.constant 48 : index
      %parallel_loop3A_620 = tpu.vector_load %arg12[%parallel_loop3A_618, %parallel_loop3A_619] {strides = array<i32>} : memref<64x96xf32, #tpu.memory_space<vmem>>, vector<1x16xf32>,
      %parallel_loop3A_621 = vector.shape_cast %parallel_loop3A_620 : vector<1x16xf32> to vector<16xf32>
      %parallel_loop3A_622 = arith.index_cast %parallel_loop3A_422 : i32 to index
      %parallel_loop3A_623 = arith.constant 48 : index
      %parallel_loop3A_624 = tpu.vector_load %arg13[%parallel_loop3A_622, %parallel_loop3A_623] {strides = array<i32>} : memref<64x96xf32, #tpu.memory_space<vmem>>, vector<1x16xf32>,
      %parallel_loop3A_625 = vector.shape_cast %parallel_loop3A_624 : vector<1x16xf32> to vector<16xf32>
      %parallel_loop3A_626 = arith.index_cast %parallel_loop3A_422 : i32 to index
      %parallel_loop3A_627 = arith.constant 48 : index
      %parallel_loop3A_628 = tpu.vector_load %arg14[%parallel_loop3A_626, %parallel_loop3A_627] {strides = array<i32>} : memref<64x96xf32, #tpu.memory_space<vmem>>, vector<1x16xf32>,
      %parallel_loop3A_629 = vector.shape_cast %parallel_loop3A_628 : vector<1x16xf32> to vector<16xf32>
      %parallel_loop3A_630 = arith.index_cast %parallel_loop3A_422 : i32 to index
      %parallel_loop3A_631 = arith.constant 48 : index
      %parallel_loop3A_632 = tpu.vector_load %arg15[%parallel_loop3A_630, %parallel_loop3A_631] {strides = array<i32>} : memref<64x96xf32, #tpu.memory_space<vmem>>, vector<1x16xf32>,
      %parallel_loop3A_633 = vector.shape_cast %parallel_loop3A_632 : vector<1x16xf32> to vector<16xf32>
      %parallel_loop3A_634 = arith.index_cast %parallel_loop3A_422 : i32 to index
      %parallel_loop3A_635 = arith.constant 48 : index
      %parallel_loop3A_636 = tpu.vector_load %arg16[%parallel_loop3A_634, %parallel_loop3A_635] {strides = array<i32>} : memref<64x96xf32, #tpu.memory_space<vmem>>, vector<1x16xf32>,
      %parallel_loop3A_637 = vector.shape_cast %parallel_loop3A_636 : vector<1x16xf32> to vector<16xf32>
      %parallel_loop3A_638 = arith.index_cast %parallel_loop3A_422 : i32 to index
      %parallel_loop3A_639 = arith.constant 48 : index
      %parallel_loop3A_640 = tpu.vector_load %arg17[%parallel_loop3A_638, %parallel_loop3A_639] {strides = array<i32>} : memref<64x96xf32, #tpu.memory_space<vmem>>, vector<1x16xf32>,
      %parallel_loop3A_641 = vector.shape_cast %parallel_loop3A_640 : vector<1x16xf32> to vector<16xf32>
      %parallel_loop3A_642 = arith.index_cast %parallel_loop3A_422 : i32 to index
      %parallel_loop3A_643 = arith.constant 48 : index
      %parallel_loop3A_644 = tpu.vector_load %arg18[%parallel_loop3A_642, %parallel_loop3A_643] {strides = array<i32>} : memref<64x96xf32, #tpu.memory_space<vmem>>, vector<1x16xf32>,
      %parallel_loop3A_645 = vector.shape_cast %parallel_loop3A_644 : vector<1x16xf32> to vector<16xf32>
      %parallel_loop3A_646 = arith.cmpf ogt, %parallel_loop3A_625, %parallel_loop3A_621 : vector<16xf32>
      %parallel_loop3A_647 = arith.cmpf oge, %parallel_loop3A_625, %parallel_loop3A_629 : vector<16xf32>
      %parallel_loop3A_648 = arith.andi %parallel_loop3A_646, %parallel_loop3A_647 : vector<16xi1>
      %parallel_loop3A_649 = arith.cmpf oge, %parallel_loop3A_625, %parallel_loop3A_633 : vector<16xf32>
      %parallel_loop3A_650 = arith.andi %parallel_loop3A_648, %parallel_loop3A_649 : vector<16xi1>
      %parallel_loop3A_651 = arith.cmpf ogt, %parallel_loop3A_629, %parallel_loop3A_621 : vector<16xf32>
      %parallel_loop3A_652 = arith.cmpf ogt, %parallel_loop3A_629, %parallel_loop3A_625 : vector<16xf32>
      %parallel_loop3A_653 = arith.andi %parallel_loop3A_651, %parallel_loop3A_652 : vector<16xi1>
      %parallel_loop3A_654 = arith.cmpf oge, %parallel_loop3A_629, %parallel_loop3A_633 : vector<16xf32>
      %parallel_loop3A_655 = arith.andi %parallel_loop3A_653, %parallel_loop3A_654 : vector<16xi1>
      %parallel_loop3A_656 = arith.cmpf ogt, %parallel_loop3A_633, %parallel_loop3A_621 : vector<16xf32>
      %parallel_loop3A_657 = arith.cmpf ogt, %parallel_loop3A_633, %parallel_loop3A_625 : vector<16xf32>
      %parallel_loop3A_658 = arith.andi %parallel_loop3A_656, %parallel_loop3A_657 : vector<16xi1>
      %parallel_loop3A_659 = arith.cmpf ogt, %parallel_loop3A_633, %parallel_loop3A_629 : vector<16xf32>
      %parallel_loop3A_660 = arith.andi %parallel_loop3A_658, %parallel_loop3A_659 : vector<16xi1>
      %parallel_loop3A_661 = arith.constant 0.000000e+00 : f32
      %parallel_loop3A_662 = vector.broadcast %parallel_loop3A_661 : f32 to vector<16xf32>
      %parallel_loop3A_663 = arith.constant 1.000000e+00 : f32
      %parallel_loop3A_664 = vector.broadcast %parallel_loop3A_663 : f32 to vector<16xf32>
      %parallel_loop3A_665 = arith.select %parallel_loop3A_650, %parallel_loop3A_637, %parallel_loop3A_662 : vector<16xi1>, vector<16xf32>
      %parallel_loop3A_666 = arith.addf %parallel_loop3A_604, %parallel_loop3A_665 : vector<16xf32>
      %parallel_loop3A_667 = arith.select %parallel_loop3A_655, %parallel_loop3A_641, %parallel_loop3A_662 : vector<16xi1>, vector<16xf32>
      %parallel_loop3A_668 = arith.addf %parallel_loop3A_606, %parallel_loop3A_667 : vector<16xf32>
      %parallel_loop3A_669 = arith.select %parallel_loop3A_660, %parallel_loop3A_645, %parallel_loop3A_662 : vector<16xi1>, vector<16xf32>
      %parallel_loop3A_670 = arith.addf %parallel_loop3A_608, %parallel_loop3A_669 : vector<16xf32>
      %parallel_loop3A_671 = arith.select %parallel_loop3A_650, %parallel_loop3A_664, %parallel_loop3A_662 : vector<16xi1>, vector<16xf32>
      %parallel_loop3A_672 = arith.addf %parallel_loop3A_610, %parallel_loop3A_671 : vector<16xf32>
      %parallel_loop3A_673 = arith.select %parallel_loop3A_655, %parallel_loop3A_664, %parallel_loop3A_662 : vector<16xi1>, vector<16xf32>
      %parallel_loop3A_674 = arith.addf %parallel_loop3A_612, %parallel_loop3A_673 : vector<16xf32>
      %parallel_loop3A_675 = arith.select %parallel_loop3A_660, %parallel_loop3A_664, %parallel_loop3A_662 : vector<16xi1>, vector<16xf32>
      %parallel_loop3A_676 = arith.addf %parallel_loop3A_614, %parallel_loop3A_675 : vector<16xf32>
      %parallel_loop3A_677 = arith.addf %parallel_loop3A_615, %parallel_loop3A_637 : vector<16xf32>
      %parallel_loop3A_678 = arith.addf %parallel_loop3A_616, %parallel_loop3A_641 : vector<16xf32>
      %parallel_loop3A_679 = arith.addf %parallel_loop3A_617, %parallel_loop3A_645 : vector<16xf32>
      %parallel_loop3A_680 = arith.index_cast %parallel_loop3A_422 : i32 to index
      %parallel_loop3A_681 = arith.constant 64 : index
      %parallel_loop3A_682 = tpu.vector_load %arg12[%parallel_loop3A_680, %parallel_loop3A_681] {strides = array<i32>} : memref<64x96xf32, #tpu.memory_space<vmem>>, vector<1x16xf32>,
      %parallel_loop3A_683 = vector.shape_cast %parallel_loop3A_682 : vector<1x16xf32> to vector<16xf32>
      %parallel_loop3A_684 = arith.index_cast %parallel_loop3A_422 : i32 to index
      %parallel_loop3A_685 = arith.constant 64 : index
      %parallel_loop3A_686 = tpu.vector_load %arg13[%parallel_loop3A_684, %parallel_loop3A_685] {strides = array<i32>} : memref<64x96xf32, #tpu.memory_space<vmem>>, vector<1x16xf32>,
      %parallel_loop3A_687 = vector.shape_cast %parallel_loop3A_686 : vector<1x16xf32> to vector<16xf32>
      %parallel_loop3A_688 = arith.index_cast %parallel_loop3A_422 : i32 to index
      %parallel_loop3A_689 = arith.constant 64 : index
      %parallel_loop3A_690 = tpu.vector_load %arg14[%parallel_loop3A_688, %parallel_loop3A_689] {strides = array<i32>} : memref<64x96xf32, #tpu.memory_space<vmem>>, vector<1x16xf32>,
      %parallel_loop3A_691 = vector.shape_cast %parallel_loop3A_690 : vector<1x16xf32> to vector<16xf32>
      %parallel_loop3A_692 = arith.index_cast %parallel_loop3A_422 : i32 to index
      %parallel_loop3A_693 = arith.constant 64 : index
      %parallel_loop3A_694 = tpu.vector_load %arg15[%parallel_loop3A_692, %parallel_loop3A_693] {strides = array<i32>} : memref<64x96xf32, #tpu.memory_space<vmem>>, vector<1x16xf32>,
      %parallel_loop3A_695 = vector.shape_cast %parallel_loop3A_694 : vector<1x16xf32> to vector<16xf32>
      %parallel_loop3A_696 = arith.index_cast %parallel_loop3A_422 : i32 to index
      %parallel_loop3A_697 = arith.constant 64 : index
      %parallel_loop3A_698 = tpu.vector_load %arg16[%parallel_loop3A_696, %parallel_loop3A_697] {strides = array<i32>} : memref<64x96xf32, #tpu.memory_space<vmem>>, vector<1x16xf32>,
      %parallel_loop3A_699 = vector.shape_cast %parallel_loop3A_698 : vector<1x16xf32> to vector<16xf32>
      %parallel_loop3A_700 = arith.index_cast %parallel_loop3A_422 : i32 to index
      %parallel_loop3A_701 = arith.constant 64 : index
      %parallel_loop3A_702 = tpu.vector_load %arg17[%parallel_loop3A_700, %parallel_loop3A_701] {strides = array<i32>} : memref<64x96xf32, #tpu.memory_space<vmem>>, vector<1x16xf32>,
      %parallel_loop3A_703 = vector.shape_cast %parallel_loop3A_702 : vector<1x16xf32> to vector<16xf32>
      %parallel_loop3A_704 = arith.index_cast %parallel_loop3A_422 : i32 to index
      %parallel_loop3A_705 = arith.constant 64 : index
      %parallel_loop3A_706 = tpu.vector_load %arg18[%parallel_loop3A_704, %parallel_loop3A_705] {strides = array<i32>} : memref<64x96xf32, #tpu.memory_space<vmem>>, vector<1x16xf32>,
      %parallel_loop3A_707 = vector.shape_cast %parallel_loop3A_706 : vector<1x16xf32> to vector<16xf32>
      %parallel_loop3A_708 = arith.cmpf ogt, %parallel_loop3A_687, %parallel_loop3A_683 : vector<16xf32>
      %parallel_loop3A_709 = arith.cmpf oge, %parallel_loop3A_687, %parallel_loop3A_691 : vector<16xf32>
      %parallel_loop3A_710 = arith.andi %parallel_loop3A_708, %parallel_loop3A_709 : vector<16xi1>
      %parallel_loop3A_711 = arith.cmpf oge, %parallel_loop3A_687, %parallel_loop3A_695 : vector<16xf32>
      %parallel_loop3A_712 = arith.andi %parallel_loop3A_710, %parallel_loop3A_711 : vector<16xi1>
      %parallel_loop3A_713 = arith.cmpf ogt, %parallel_loop3A_691, %parallel_loop3A_683 : vector<16xf32>
      %parallel_loop3A_714 = arith.cmpf ogt, %parallel_loop3A_691, %parallel_loop3A_687 : vector<16xf32>
      %parallel_loop3A_715 = arith.andi %parallel_loop3A_713, %parallel_loop3A_714 : vector<16xi1>
      %parallel_loop3A_716 = arith.cmpf oge, %parallel_loop3A_691, %parallel_loop3A_695 : vector<16xf32>
      %parallel_loop3A_717 = arith.andi %parallel_loop3A_715, %parallel_loop3A_716 : vector<16xi1>
      %parallel_loop3A_718 = arith.cmpf ogt, %parallel_loop3A_695, %parallel_loop3A_683 : vector<16xf32>
      %parallel_loop3A_719 = arith.cmpf ogt, %parallel_loop3A_695, %parallel_loop3A_687 : vector<16xf32>
      %parallel_loop3A_720 = arith.andi %parallel_loop3A_718, %parallel_loop3A_719 : vector<16xi1>
      %parallel_loop3A_721 = arith.cmpf ogt, %parallel_loop3A_695, %parallel_loop3A_691 : vector<16xf32>
      %parallel_loop3A_722 = arith.andi %parallel_loop3A_720, %parallel_loop3A_721 : vector<16xi1>
      %parallel_loop3A_723 = arith.constant 0.000000e+00 : f32
      %parallel_loop3A_724 = vector.broadcast %parallel_loop3A_723 : f32 to vector<16xf32>
      %parallel_loop3A_725 = arith.constant 1.000000e+00 : f32
      %parallel_loop3A_726 = vector.broadcast %parallel_loop3A_725 : f32 to vector<16xf32>
      %parallel_loop3A_727 = arith.select %parallel_loop3A_712, %parallel_loop3A_699, %parallel_loop3A_724 : vector<16xi1>, vector<16xf32>
      %parallel_loop3A_728 = arith.addf %parallel_loop3A_666, %parallel_loop3A_727 : vector<16xf32>
      %parallel_loop3A_729 = arith.select %parallel_loop3A_717, %parallel_loop3A_703, %parallel_loop3A_724 : vector<16xi1>, vector<16xf32>
      %parallel_loop3A_730 = arith.addf %parallel_loop3A_668, %parallel_loop3A_729 : vector<16xf32>
      %parallel_loop3A_731 = arith.select %parallel_loop3A_722, %parallel_loop3A_707, %parallel_loop3A_724 : vector<16xi1>, vector<16xf32>
      %parallel_loop3A_732 = arith.addf %parallel_loop3A_670, %parallel_loop3A_731 : vector<16xf32>
      %parallel_loop3A_733 = arith.select %parallel_loop3A_712, %parallel_loop3A_726, %parallel_loop3A_724 : vector<16xi1>, vector<16xf32>
      %parallel_loop3A_734 = arith.addf %parallel_loop3A_672, %parallel_loop3A_733 : vector<16xf32>
      %parallel_loop3A_735 = arith.select %parallel_loop3A_717, %parallel_loop3A_726, %parallel_loop3A_724 : vector<16xi1>, vector<16xf32>
      %parallel_loop3A_736 = arith.addf %parallel_loop3A_674, %parallel_loop3A_735 : vector<16xf32>
      %parallel_loop3A_737 = arith.select %parallel_loop3A_722, %parallel_loop3A_726, %parallel_loop3A_724 : vector<16xi1>, vector<16xf32>
      %parallel_loop3A_738 = arith.addf %parallel_loop3A_676, %parallel_loop3A_737 : vector<16xf32>
      %parallel_loop3A_739 = arith.addf %parallel_loop3A_677, %parallel_loop3A_699 : vector<16xf32>
      %parallel_loop3A_740 = arith.addf %parallel_loop3A_678, %parallel_loop3A_703 : vector<16xf32>
      %parallel_loop3A_741 = arith.addf %parallel_loop3A_679, %parallel_loop3A_707 : vector<16xf32>
      %parallel_loop3A_742 = arith.index_cast %parallel_loop3A_422 : i32 to index
      %parallel_loop3A_743 = arith.constant 80 : index
      %parallel_loop3A_744 = tpu.vector_load %arg12[%parallel_loop3A_742, %parallel_loop3A_743] {strides = array<i32>} : memref<64x96xf32, #tpu.memory_space<vmem>>, vector<1x16xf32>,
      %parallel_loop3A_745 = vector.shape_cast %parallel_loop3A_744 : vector<1x16xf32> to vector<16xf32>
      %parallel_loop3A_746 = arith.index_cast %parallel_loop3A_422 : i32 to index
      %parallel_loop3A_747 = arith.constant 80 : index
      %parallel_loop3A_748 = tpu.vector_load %arg13[%parallel_loop3A_746, %parallel_loop3A_747] {strides = array<i32>} : memref<64x96xf32, #tpu.memory_space<vmem>>, vector<1x16xf32>,
      %parallel_loop3A_749 = vector.shape_cast %parallel_loop3A_748 : vector<1x16xf32> to vector<16xf32>
      %parallel_loop3A_750 = arith.index_cast %parallel_loop3A_422 : i32 to index
      %parallel_loop3A_751 = arith.constant 80 : index
      %parallel_loop3A_752 = tpu.vector_load %arg14[%parallel_loop3A_750, %parallel_loop3A_751] {strides = array<i32>} : memref<64x96xf32, #tpu.memory_space<vmem>>, vector<1x16xf32>,
      %parallel_loop3A_753 = vector.shape_cast %parallel_loop3A_752 : vector<1x16xf32> to vector<16xf32>
      %parallel_loop3A_754 = arith.index_cast %parallel_loop3A_422 : i32 to index
      %parallel_loop3A_755 = arith.constant 80 : index
      %parallel_loop3A_756 = tpu.vector_load %arg15[%parallel_loop3A_754, %parallel_loop3A_755] {strides = array<i32>} : memref<64x96xf32, #tpu.memory_space<vmem>>, vector<1x16xf32>,
      %parallel_loop3A_757 = vector.shape_cast %parallel_loop3A_756 : vector<1x16xf32> to vector<16xf32>
      %parallel_loop3A_758 = arith.index_cast %parallel_loop3A_422 : i32 to index
      %parallel_loop3A_759 = arith.constant 80 : index
      %parallel_loop3A_760 = tpu.vector_load %arg16[%parallel_loop3A_758, %parallel_loop3A_759] {strides = array<i32>} : memref<64x96xf32, #tpu.memory_space<vmem>>, vector<1x16xf32>,
      %parallel_loop3A_761 = vector.shape_cast %parallel_loop3A_760 : vector<1x16xf32> to vector<16xf32>
      %parallel_loop3A_762 = arith.index_cast %parallel_loop3A_422 : i32 to index
      %parallel_loop3A_763 = arith.constant 80 : index
      %parallel_loop3A_764 = tpu.vector_load %arg17[%parallel_loop3A_762, %parallel_loop3A_763] {strides = array<i32>} : memref<64x96xf32, #tpu.memory_space<vmem>>, vector<1x16xf32>,
      %parallel_loop3A_765 = vector.shape_cast %parallel_loop3A_764 : vector<1x16xf32> to vector<16xf32>
      %parallel_loop3A_766 = arith.index_cast %parallel_loop3A_422 : i32 to index
      %parallel_loop3A_767 = arith.constant 80 : index
      %parallel_loop3A_768 = tpu.vector_load %arg18[%parallel_loop3A_766, %parallel_loop3A_767] {strides = array<i32>} : memref<64x96xf32, #tpu.memory_space<vmem>>, vector<1x16xf32>,
      %parallel_loop3A_769 = vector.shape_cast %parallel_loop3A_768 : vector<1x16xf32> to vector<16xf32>
      %parallel_loop3A_770 = arith.cmpf ogt, %parallel_loop3A_749, %parallel_loop3A_745 : vector<16xf32>
      %parallel_loop3A_771 = arith.cmpf oge, %parallel_loop3A_749, %parallel_loop3A_753 : vector<16xf32>
      %parallel_loop3A_772 = arith.andi %parallel_loop3A_770, %parallel_loop3A_771 : vector<16xi1>
      %parallel_loop3A_773 = arith.cmpf oge, %parallel_loop3A_749, %parallel_loop3A_757 : vector<16xf32>
      %parallel_loop3A_774 = arith.andi %parallel_loop3A_772, %parallel_loop3A_773 : vector<16xi1>
      %parallel_loop3A_775 = arith.cmpf ogt, %parallel_loop3A_753, %parallel_loop3A_745 : vector<16xf32>
      %parallel_loop3A_776 = arith.cmpf ogt, %parallel_loop3A_753, %parallel_loop3A_749 : vector<16xf32>
      %parallel_loop3A_777 = arith.andi %parallel_loop3A_775, %parallel_loop3A_776 : vector<16xi1>
      %parallel_loop3A_778 = arith.cmpf oge, %parallel_loop3A_753, %parallel_loop3A_757 : vector<16xf32>
      %parallel_loop3A_779 = arith.andi %parallel_loop3A_777, %parallel_loop3A_778 : vector<16xi1>
      %parallel_loop3A_780 = arith.cmpf ogt, %parallel_loop3A_757, %parallel_loop3A_745 : vector<16xf32>
      %parallel_loop3A_781 = arith.cmpf ogt, %parallel_loop3A_757, %parallel_loop3A_749 : vector<16xf32>
      %parallel_loop3A_782 = arith.andi %parallel_loop3A_780, %parallel_loop3A_781 : vector<16xi1>
      %parallel_loop3A_783 = arith.cmpf ogt, %parallel_loop3A_757, %parallel_loop3A_753 : vector<16xf32>
      %parallel_loop3A_784 = arith.andi %parallel_loop3A_782, %parallel_loop3A_783 : vector<16xi1>
      %parallel_loop3A_785 = arith.constant 0.000000e+00 : f32
      %parallel_loop3A_786 = vector.broadcast %parallel_loop3A_785 : f32 to vector<16xf32>
      %parallel_loop3A_787 = arith.constant 1.000000e+00 : f32
      %parallel_loop3A_788 = vector.broadcast %parallel_loop3A_787 : f32 to vector<16xf32>
      %parallel_loop3A_789 = arith.select %parallel_loop3A_774, %parallel_loop3A_761, %parallel_loop3A_786 : vector<16xi1>, vector<16xf32>
      %parallel_loop3A_790 = arith.addf %parallel_loop3A_728, %parallel_loop3A_789 : vector<16xf32>
      %parallel_loop3A_791 = arith.select %parallel_loop3A_779, %parallel_loop3A_765, %parallel_loop3A_786 : vector<16xi1>, vector<16xf32>
      %parallel_loop3A_792 = arith.addf %parallel_loop3A_730, %parallel_loop3A_791 : vector<16xf32>
      %parallel_loop3A_793 = arith.select %parallel_loop3A_784, %parallel_loop3A_769, %parallel_loop3A_786 : vector<16xi1>, vector<16xf32>
      %parallel_loop3A_794 = arith.addf %parallel_loop3A_732, %parallel_loop3A_793 : vector<16xf32>
      %parallel_loop3A_795 = arith.select %parallel_loop3A_774, %parallel_loop3A_788, %parallel_loop3A_786 : vector<16xi1>, vector<16xf32>
      %parallel_loop3A_796 = arith.addf %parallel_loop3A_734, %parallel_loop3A_795 : vector<16xf32>
      %parallel_loop3A_797 = arith.select %parallel_loop3A_779, %parallel_loop3A_788, %parallel_loop3A_786 : vector<16xi1>, vector<16xf32>
      %parallel_loop3A_798 = arith.addf %parallel_loop3A_736, %parallel_loop3A_797 : vector<16xf32>
      %parallel_loop3A_799 = arith.select %parallel_loop3A_784, %parallel_loop3A_788, %parallel_loop3A_786 : vector<16xi1>, vector<16xf32>
      %parallel_loop3A_800 = arith.addf %parallel_loop3A_738, %parallel_loop3A_799 : vector<16xf32>
      %parallel_loop3A_801 = arith.addf %parallel_loop3A_739, %parallel_loop3A_761 : vector<16xf32>
      %parallel_loop3A_802 = arith.addf %parallel_loop3A_740, %parallel_loop3A_765 : vector<16xf32>
      %parallel_loop3A_803 = arith.addf %parallel_loop3A_741, %parallel_loop3A_769 : vector<16xf32>
      scf.yield %parallel_loop3A_790, %parallel_loop3A_792, %parallel_loop3A_794, %parallel_loop3A_796, %parallel_loop3A_798, %parallel_loop3A_800, %parallel_loop3A_801, %parallel_loop3A_802, %parallel_loop3A_803 : vector<16xf32>, vector<16xf32>, vector<16xf32>, vector<16xf32>, vector<16xf32>, vector<16xf32>, vector<16xf32>, vector<16xf32>, vector<16xf32>
    } {sc.loop_unroll_factor = 2 : i64, sc.parallel_access}
    %swap3A = arith.constant 0 : i32
    %swap3A_369 = arith.index_cast %swap3A : i32 to index
    %swap3A_370 = arith.constant 0 : index
    %swap3A_371 = tpu.vector_load %arg19[%swap3A_369, %swap3A_370] {strides = array<i32>} : memref<9x16xf32, #tpu.memory_space<vmem>>, vector<1x16xf32>,
    %swap3A_372 = vector.shape_cast %swap3A_371 : vector<1x16xf32> to vector<16xf32>
    %swap3A_373 = vector.shape_cast %parallel_loop3A_368#0 : vector<16xf32> to vector<1x16xf32>
    tpu.vector_store %arg19[%swap3A_369, %swap3A_370], %swap3A_373 {strides = array<i32>} : memref<9x16xf32, #tpu.memory_space<vmem>>, vector<1x16xf32>,
    %swap3A_374 = arith.constant 1 : i32
    %swap3A_375 = arith.index_cast %swap3A_374 : i32 to index
    %swap3A_376 = arith.constant 0 : index
    %swap3A_377 = tpu.vector_load %arg19[%swap3A_375, %swap3A_376] {strides = array<i32>} : memref<9x16xf32, #tpu.memory_space<vmem>>, vector<1x16xf32>,
    %swap3A_378 = vector.shape_cast %swap3A_377 : vector<1x16xf32> to vector<16xf32>
    %swap3A_379 = vector.shape_cast %parallel_loop3A_368#1 : vector<16xf32> to vector<1x16xf32>
    tpu.vector_store %arg19[%swap3A_375, %swap3A_376], %swap3A_379 {strides = array<i32>} : memref<9x16xf32, #tpu.memory_space<vmem>>, vector<1x16xf32>,
    %swap3A_380 = arith.constant 2 : i32
    %swap3A_381 = arith.index_cast %swap3A_380 : i32 to index
    %swap3A_382 = arith.constant 0 : index
    %swap3A_383 = tpu.vector_load %arg19[%swap3A_381, %swap3A_382] {strides = array<i32>} : memref<9x16xf32, #tpu.memory_space<vmem>>, vector<1x16xf32>,
    %swap3A_384 = vector.shape_cast %swap3A_383 : vector<1x16xf32> to vector<16xf32>
    %swap3A_385 = vector.shape_cast %parallel_loop3A_368#2 : vector<16xf32> to vector<1x16xf32>
    tpu.vector_store %arg19[%swap3A_381, %swap3A_382], %swap3A_385 {strides = array<i32>} : memref<9x16xf32, #tpu.memory_space<vmem>>, vector<1x16xf32>,
    %swap3A_386 = arith.constant 3 : i32
    %swap3A_387 = arith.index_cast %swap3A_386 : i32 to index
    %swap3A_388 = arith.constant 0 : index
    %swap3A_389 = tpu.vector_load %arg19[%swap3A_387, %swap3A_388] {strides = array<i32>} : memref<9x16xf32, #tpu.memory_space<vmem>>, vector<1x16xf32>,
    %swap3A_390 = vector.shape_cast %swap3A_389 : vector<1x16xf32> to vector<16xf32>
    %swap3A_391 = vector.shape_cast %parallel_loop3A_368#3 : vector<16xf32> to vector<1x16xf32>
    tpu.vector_store %arg19[%swap3A_387, %swap3A_388], %swap3A_391 {strides = array<i32>} : memref<9x16xf32, #tpu.memory_space<vmem>>, vector<1x16xf32>,
    %swap3A_392 = arith.constant 4 : i32
    %swap3A_393 = arith.index_cast %swap3A_392 : i32 to index
    %swap3A_394 = arith.constant 0 : index
    %swap3A_395 = tpu.vector_load %arg19[%swap3A_393, %swap3A_394] {strides = array<i32>} : memref<9x16xf32, #tpu.memory_space<vmem>>, vector<1x16xf32>,
    %swap3A_396 = vector.shape_cast %swap3A_395 : vector<1x16xf32> to vector<16xf32>
    %swap3A_397 = vector.shape_cast %parallel_loop3A_368#4 : vector<16xf32> to vector<1x16xf32>
    tpu.vector_store %arg19[%swap3A_393, %swap3A_394], %swap3A_397 {strides = array<i32>} : memref<9x16xf32, #tpu.memory_space<vmem>>, vector<1x16xf32>,
    %swap3A_398 = arith.constant 5 : i32
    %swap3A_399 = arith.index_cast %swap3A_398 : i32 to index
    %swap3A_400 = arith.constant 0 : index
    %swap3A_401 = tpu.vector_load %arg19[%swap3A_399, %swap3A_400] {strides = array<i32>} : memref<9x16xf32, #tpu.memory_space<vmem>>, vector<1x16xf32>,
    %swap3A_402 = vector.shape_cast %swap3A_401 : vector<1x16xf32> to vector<16xf32>
    %swap3A_403 = vector.shape_cast %parallel_loop3A_368#5 : vector<16xf32> to vector<1x16xf32>
    tpu.vector_store %arg19[%swap3A_399, %swap3A_400], %swap3A_403 {strides = array<i32>} : memref<9x16xf32, #tpu.memory_space<vmem>>, vector<1x16xf32>,
    %swap3A_404 = arith.constant 6 : i32
    %swap3A_405 = arith.index_cast %swap3A_404 : i32 to index
    %swap3A_406 = arith.constant 0 : index
    %swap3A_407 = tpu.vector_load %arg19[%swap3A_405, %swap3A_406] {strides = array<i32>} : memref<9x16xf32, #tpu.memory_space<vmem>>, vector<1x16xf32>,
    %swap3A_408 = vector.shape_cast %swap3A_407 : vector<1x16xf32> to vector<16xf32>
    %swap3A_409 = vector.shape_cast %parallel_loop3A_368#6 : vector<16xf32> to vector<1x16xf32>
    tpu.vector_store %arg19[%swap3A_405, %swap3A_406], %swap3A_409 {strides = array<i32>} : memref<9x16xf32, #tpu.memory_space<vmem>>, vector<1x16xf32>,
    %swap3A_410 = arith.constant 7 : i32
    %swap3A_411 = arith.index_cast %swap3A_410 : i32 to index
    %swap3A_412 = arith.constant 0 : index
    %swap3A_413 = tpu.vector_load %arg19[%swap3A_411, %swap3A_412] {strides = array<i32>} : memref<9x16xf32, #tpu.memory_space<vmem>>, vector<1x16xf32>,
    %swap3A_414 = vector.shape_cast %swap3A_413 : vector<1x16xf32> to vector<16xf32>
    %swap3A_415 = vector.shape_cast %parallel_loop3A_368#7 : vector<16xf32> to vector<1x16xf32>
    tpu.vector_store %arg19[%swap3A_411, %swap3A_412], %swap3A_415 {strides = array<i32>} : memref<9x16xf32, #tpu.memory_space<vmem>>, vector<1x16xf32>,
    %swap3A_416 = arith.constant 8 : i32
    %swap3A_417 = arith.index_cast %swap3A_416 : i32 to index
    %swap3A_418 = arith.constant 0 : index
    %swap3A_419 = tpu.vector_load %arg19[%swap3A_417, %swap3A_418] {strides = array<i32>} : memref<9x16xf32, #tpu.memory_space<vmem>>, vector<1x16xf32>,
    %swap3A_420 = vector.shape_cast %swap3A_419 : vector<1x16xf32> to vector<16xf32>
    %swap3A_421 = vector.shape_cast %parallel_loop3A_368#8 : vector<16xf32> to vector<1x16xf32>
    tpu.vector_store %arg19[%swap3A_417, %swap3A_418], %swap3A_421 {strides = array<i32>} : memref<9x16xf32, #tpu.memory_space<vmem>>, vector<1x16xf32>,
    "tpu.region"() ({
      %run_scoped3A = tpu.sem_alloc : memref<!tpu.dma_semaphore, #tpu.memory_space<semaphore_mem>>
      %dma_start3A_422 = arith.constant 0 : i32
      %dma_start3A_423 = arith.constant 0 : i32
      %dma_start3A_424 = tpu.memref_slice %arg4[%add3A, %dma_start3A_422, %dma_start3A_423] : memref<32x9x16xf32, #tpu.memory_space<hbm>> -> memref<1x9x16xf32, #tpu.memory_space<hbm>>
      %dma_start3A_425 = tpu.memref_squeeze %dma_start3A_424 : memref<1x9x16xf32, #tpu.memory_space<hbm>> -> memref<9x16xf32, #tpu.memory_space<hbm>>
      %dma_start3A_426 = arith.constant 0 : i32
      %dma_start3A_427 = arith.constant 0 : i32
      %dma_start3A_428 = tpu.memref_slice %arg4[%add3A, %dma_start3A_426, %dma_start3A_427] : memref<32x9x16xf32, #tpu.memory_space<hbm>> -> memref<1x9x16xf32, #tpu.memory_space<hbm>>
      %dma_start3A_429 = tpu.memref_squeeze %dma_start3A_428 : memref<1x9x16xf32, #tpu.memory_space<hbm>> -> memref<9x16xf32, #tpu.memory_space<hbm>>
      tpu.enqueue_dma source(%arg19 : memref<9x16xf32, #tpu.memory_space<vmem>>) target(%dma_start3A_429 : memref<9x16xf32, #tpu.memory_space<hbm>>) target_semaphore(%run_scoped3A : memref<!tpu.dma_semaphore, #tpu.memory_space<semaphore_mem>>)
      %dma_wait3A_430 = arith.constant 0 : i32
      %dma_wait3A_431 = arith.constant 0 : i32
      %dma_wait3A_432 = tpu.memref_slice %arg4[%add3A, %dma_wait3A_430, %dma_wait3A_431] : memref<32x9x16xf32, #tpu.memory_space<hbm>> -> memref<1x9x16xf32, #tpu.memory_space<hbm>>
      %dma_wait3A_433 = tpu.memref_squeeze %dma_wait3A_432 : memref<1x9x16xf32, #tpu.memory_space<hbm>> -> memref<9x16xf32, #tpu.memory_space<hbm>>
      %dma_wait3A_434 = arith.constant 0 : i32
      %dma_wait3A_435 = arith.constant 0 : i32
      %dma_wait3A_436 = tpu.memref_slice %arg4[%add3A, %dma_wait3A_434, %dma_wait3A_435] : memref<32x9x16xf32, #tpu.memory_space<hbm>> -> memref<1x9x16xf32, #tpu.memory_space<hbm>>
      %dma_wait3A_437 = tpu.memref_squeeze %dma_wait3A_436 : memref<1x9x16xf32, #tpu.memory_space<hbm>> -> memref<9x16xf32, #tpu.memory_space<hbm>>
      tpu.wait_dma2 semaphore(%run_scoped3A : memref<!tpu.dma_semaphore, #tpu.memory_space<semaphore_mem>>) src(%arg19 : memref<9x16xf32, #tpu.memory_space<vmem>>) dst(%dma_wait3A_437 : memref<9x16xf32, #tpu.memory_space<hbm>>)
      tpu.yield
    }) : () -> ()
    return
  }
}

module attributes {stable_mosaic.version = 14 : i64} {
  func.func @_tc_partials_body(%arg0: i32, %arg1: memref<8x256x96xf32, #tpu.memory_space<vmem>>, %arg2: memref<3x256x96xf32, #tpu.memory_space<vmem>>, %arg3: memref<3x256x96xf32, #tpu.memory_space<vmem>>, %arg4: memref<16x96xf32, #tpu.memory_space<vmem>>) attributes {dimension_semantics = [#tpu.dimension_semantics<arbitrary>], iteration_bounds = array<i64: 28>, scalar_prefetch = 0 : i64, scratch_operands = 0 : i64, tpu.core_type = #tpu.core_type<tc>, window_params = [{transform_indices = @transform_0, window_bounds = array<i64: 8, 256, 96>}, {transform_indices = @transform_1, window_bounds = array<i64: 3, 256, 96>, window_kind = #tpu.element_window<[0, 0, 0], [0, 0, 0]>}, {transform_indices = @transform_2, window_bounds = array<i64: 3, 256, 96>, window_kind = #tpu.element_window<[0, 0, 0], [0, 0, 0]>}, {pipeline_mode = #tpu.pipeline_mode<synchronous>, transform_indices = @transform_3, window_bounds = array<i64: 16, 96>}]} {
    %eq3A = arith.constant 0 : i32
    %eq3A_0 = arith.cmpi eq, %arg0, %eq3A : i32
    %convert_element_type3A = arith.extui %eq3A_0 : i1 to i32
    %cond3A = arith.constant 0 : i32
    %cond3A_1 = arith.cmpi ne, %convert_element_type3A, %cond3A : i32
    scf.if %cond3A_1 {
      %broadcast_in_dim3A_214 = arith.constant 0.000000e+00 : f32
      %broadcast_in_dim3A_215 = vector.broadcast %broadcast_in_dim3A_214 : f32 to vector<16x96xf32>
      %swap3A_216 = arith.constant 0 : index
      %swap3A_217 = arith.constant 0 : index
      %swap3A_218 = vector.load %arg4[%swap3A_216, %swap3A_217] : memref<16x96xf32, #tpu.memory_space<vmem>>, vector<16x96xf32>
      tpu.vector_store %arg4[%swap3A_216, %swap3A_217], %broadcast_in_dim3A_215 {strides = array<i32>} : memref<16x96xf32, #tpu.memory_space<vmem>>, vector<16x96xf32>,
    } else {
    }
    %get3A = arith.constant 0 : index
    %get3A_2 = arith.constant 0 : index
    %get3A_3 = arith.constant 0 : index
    %get3A_4 = vector.load %arg1[%get3A, %get3A_2, %get3A_3] : memref<8x256x96xf32, #tpu.memory_space<vmem>>, vector<1x256x96xf32>
    %get3A_5 = vector.shape_cast %get3A_4 : vector<1x256x96xf32> to vector<256x96xf32>
    %get3A_6 = arith.constant 1 : index
    %get3A_7 = arith.constant 0 : index
    %get3A_8 = arith.constant 0 : index
    %get3A_9 = vector.load %arg1[%get3A_6, %get3A_7, %get3A_8] : memref<8x256x96xf32, #tpu.memory_space<vmem>>, vector<1x256x96xf32>
    %get3A_10 = vector.shape_cast %get3A_9 : vector<1x256x96xf32> to vector<256x96xf32>
    %get3A_11 = arith.constant 2 : index
    %get3A_12 = arith.constant 0 : index
    %get3A_13 = arith.constant 0 : index
    %get3A_14 = vector.load %arg1[%get3A_11, %get3A_12, %get3A_13] : memref<8x256x96xf32, #tpu.memory_space<vmem>>, vector<1x256x96xf32>
    %get3A_15 = vector.shape_cast %get3A_14 : vector<1x256x96xf32> to vector<256x96xf32>
    %get3A_16 = arith.constant 3 : index
    %get3A_17 = arith.constant 0 : index
    %get3A_18 = arith.constant 0 : index
    %get3A_19 = vector.load %arg1[%get3A_16, %get3A_17, %get3A_18] : memref<8x256x96xf32, #tpu.memory_space<vmem>>, vector<1x256x96xf32>
    %get3A_20 = vector.shape_cast %get3A_19 : vector<1x256x96xf32> to vector<256x96xf32>
    %get3A_21 = arith.constant 0 : index
    %get3A_22 = arith.constant 0 : index
    %get3A_23 = arith.constant 0 : index
    %get3A_24 = vector.load %arg2[%get3A_21, %get3A_22, %get3A_23] : memref<3x256x96xf32, #tpu.memory_space<vmem>>, vector<1x256x96xf32>
    %get3A_25 = vector.shape_cast %get3A_24 : vector<1x256x96xf32> to vector<256x96xf32>
    %get3A_26 = arith.constant 1 : index
    %get3A_27 = arith.constant 0 : index
    %get3A_28 = arith.constant 0 : index
    %get3A_29 = vector.load %arg2[%get3A_26, %get3A_27, %get3A_28] : memref<3x256x96xf32, #tpu.memory_space<vmem>>, vector<1x256x96xf32>
    %get3A_30 = vector.shape_cast %get3A_29 : vector<1x256x96xf32> to vector<256x96xf32>
    %get3A_31 = arith.constant 2 : index
    %get3A_32 = arith.constant 0 : index
    %get3A_33 = arith.constant 0 : index
    %get3A_34 = vector.load %arg2[%get3A_31, %get3A_32, %get3A_33] : memref<3x256x96xf32, #tpu.memory_space<vmem>>, vector<1x256x96xf32>
    %get3A_35 = vector.shape_cast %get3A_34 : vector<1x256x96xf32> to vector<256x96xf32>
    %gt3A = arith.cmpf ogt, %get3A_10, %get3A_5 : vector<256x96xf32>
    %ge3A = arith.cmpf oge, %get3A_10, %get3A_15 : vector<256x96xf32>
    %and3A = arith.andi %gt3A, %ge3A : vector<256x96xi1>
    %ge3A_36 = arith.cmpf oge, %get3A_10, %get3A_20 : vector<256x96xf32>
    %and3A_37 = arith.andi %and3A, %ge3A_36 : vector<256x96xi1>
    %gt3A_38 = arith.cmpf ogt, %get3A_15, %get3A_5 : vector<256x96xf32>
    %gt3A_39 = arith.cmpf ogt, %get3A_15, %get3A_10 : vector<256x96xf32>
    %and3A_40 = arith.andi %gt3A_38, %gt3A_39 : vector<256x96xi1>
    %ge3A_41 = arith.cmpf oge, %get3A_15, %get3A_20 : vector<256x96xf32>
    %and3A_42 = arith.andi %and3A_40, %ge3A_41 : vector<256x96xi1>
    %gt3A_43 = arith.cmpf ogt, %get3A_20, %get3A_5 : vector<256x96xf32>
    %gt3A_44 = arith.cmpf ogt, %get3A_20, %get3A_10 : vector<256x96xf32>
    %and3A_45 = arith.andi %gt3A_43, %gt3A_44 : vector<256x96xi1>
    %gt3A_46 = arith.cmpf ogt, %get3A_20, %get3A_15 : vector<256x96xf32>
    %and3A_47 = arith.andi %and3A_45, %gt3A_46 : vector<256x96xi1>
    %broadcast_in_dim3A = arith.constant 0.000000e+00 : f32
    %broadcast_in_dim3A_48 = vector.broadcast %broadcast_in_dim3A : f32 to vector<256x96xf32>
    %select_n3A = arith.select %and3A_37, %get3A_25, %broadcast_in_dim3A_48 : vector<256x96xi1>, vector<256x96xf32>
    %select_n3A_49 = arith.select %and3A_42, %get3A_30, %broadcast_in_dim3A_48 : vector<256x96xi1>, vector<256x96xf32>
    %select_n3A_50 = arith.select %and3A_47, %get3A_35, %broadcast_in_dim3A_48 : vector<256x96xi1>, vector<256x96xf32>
    %convert_element_type3A_51 = arith.extui %and3A_37 : vector<256x96xi1> to vector<256x96xi32>
    %convert_element_type3A_52 = arith.sitofp %convert_element_type3A_51 : vector<256x96xi32> to vector<256x96xf32>
    %convert_element_type3A_53 = arith.extui %and3A_42 : vector<256x96xi1> to vector<256x96xi32>
    %convert_element_type3A_54 = arith.sitofp %convert_element_type3A_53 : vector<256x96xi32> to vector<256x96xf32>
    %convert_element_type3A_55 = arith.extui %and3A_47 : vector<256x96xi1> to vector<256x96xi32>
    %convert_element_type3A_56 = arith.sitofp %convert_element_type3A_55 : vector<256x96xi32> to vector<256x96xf32>
    %get3A_57 = arith.constant 4 : index
    %get3A_58 = arith.constant 0 : index
    %get3A_59 = arith.constant 0 : index
    %get3A_60 = vector.load %arg1[%get3A_57, %get3A_58, %get3A_59] : memref<8x256x96xf32, #tpu.memory_space<vmem>>, vector<1x256x96xf32>
    %get3A_61 = vector.shape_cast %get3A_60 : vector<1x256x96xf32> to vector<256x96xf32>
    %get3A_62 = arith.constant 5 : index
    %get3A_63 = arith.constant 0 : index
    %get3A_64 = arith.constant 0 : index
    %get3A_65 = vector.load %arg1[%get3A_62, %get3A_63, %get3A_64] : memref<8x256x96xf32, #tpu.memory_space<vmem>>, vector<1x256x96xf32>
    %get3A_66 = vector.shape_cast %get3A_65 : vector<1x256x96xf32> to vector<256x96xf32>
    %get3A_67 = arith.constant 6 : index
    %get3A_68 = arith.constant 0 : index
    %get3A_69 = arith.constant 0 : index
    %get3A_70 = vector.load %arg1[%get3A_67, %get3A_68, %get3A_69] : memref<8x256x96xf32, #tpu.memory_space<vmem>>, vector<1x256x96xf32>
    %get3A_71 = vector.shape_cast %get3A_70 : vector<1x256x96xf32> to vector<256x96xf32>
    %get3A_72 = arith.constant 7 : index
    %get3A_73 = arith.constant 0 : index
    %get3A_74 = arith.constant 0 : index
    %get3A_75 = vector.load %arg1[%get3A_72, %get3A_73, %get3A_74] : memref<8x256x96xf32, #tpu.memory_space<vmem>>, vector<1x256x96xf32>
    %get3A_76 = vector.shape_cast %get3A_75 : vector<1x256x96xf32> to vector<256x96xf32>
    %get3A_77 = arith.constant 0 : index
    %get3A_78 = arith.constant 0 : index
    %get3A_79 = arith.constant 0 : index
    %get3A_80 = vector.load %arg3[%get3A_77, %get3A_78, %get3A_79] : memref<3x256x96xf32, #tpu.memory_space<vmem>>, vector<1x256x96xf32>
    %get3A_81 = vector.shape_cast %get3A_80 : vector<1x256x96xf32> to vector<256x96xf32>
    %get3A_82 = arith.constant 1 : index
    %get3A_83 = arith.constant 0 : index
    %get3A_84 = arith.constant 0 : index
    %get3A_85 = vector.load %arg3[%get3A_82, %get3A_83, %get3A_84] : memref<3x256x96xf32, #tpu.memory_space<vmem>>, vector<1x256x96xf32>
    %get3A_86 = vector.shape_cast %get3A_85 : vector<1x256x96xf32> to vector<256x96xf32>
    %get3A_87 = arith.constant 2 : index
    %get3A_88 = arith.constant 0 : index
    %get3A_89 = arith.constant 0 : index
    %get3A_90 = vector.load %arg3[%get3A_87, %get3A_88, %get3A_89] : memref<3x256x96xf32, #tpu.memory_space<vmem>>, vector<1x256x96xf32>
    %get3A_91 = vector.shape_cast %get3A_90 : vector<1x256x96xf32> to vector<256x96xf32>
    %gt3A_92 = arith.cmpf ogt, %get3A_66, %get3A_61 : vector<256x96xf32>
    %ge3A_93 = arith.cmpf oge, %get3A_66, %get3A_71 : vector<256x96xf32>
    %and3A_94 = arith.andi %gt3A_92, %ge3A_93 : vector<256x96xi1>
    %ge3A_95 = arith.cmpf oge, %get3A_66, %get3A_76 : vector<256x96xf32>
    %and3A_96 = arith.andi %and3A_94, %ge3A_95 : vector<256x96xi1>
    %gt3A_97 = arith.cmpf ogt, %get3A_71, %get3A_61 : vector<256x96xf32>
    %gt3A_98 = arith.cmpf ogt, %get3A_71, %get3A_66 : vector<256x96xf32>
    %and3A_99 = arith.andi %gt3A_97, %gt3A_98 : vector<256x96xi1>
    %ge3A_100 = arith.cmpf oge, %get3A_71, %get3A_76 : vector<256x96xf32>
    %and3A_101 = arith.andi %and3A_99, %ge3A_100 : vector<256x96xi1>
    %gt3A_102 = arith.cmpf ogt, %get3A_76, %get3A_61 : vector<256x96xf32>
    %gt3A_103 = arith.cmpf ogt, %get3A_76, %get3A_66 : vector<256x96xf32>
    %and3A_104 = arith.andi %gt3A_102, %gt3A_103 : vector<256x96xi1>
    %gt3A_105 = arith.cmpf ogt, %get3A_76, %get3A_71 : vector<256x96xf32>
    %and3A_106 = arith.andi %and3A_104, %gt3A_105 : vector<256x96xi1>
    %broadcast_in_dim3A_107 = arith.constant 0.000000e+00 : f32
    %broadcast_in_dim3A_108 = vector.broadcast %broadcast_in_dim3A_107 : f32 to vector<256x96xf32>
    %select_n3A_109 = arith.select %and3A_96, %get3A_81, %broadcast_in_dim3A_108 : vector<256x96xi1>, vector<256x96xf32>
    %select_n3A_110 = arith.select %and3A_101, %get3A_86, %broadcast_in_dim3A_108 : vector<256x96xi1>, vector<256x96xf32>
    %select_n3A_111 = arith.select %and3A_106, %get3A_91, %broadcast_in_dim3A_108 : vector<256x96xi1>, vector<256x96xf32>
    %convert_element_type3A_112 = arith.extui %and3A_96 : vector<256x96xi1> to vector<256x96xi32>
    %convert_element_type3A_113 = arith.sitofp %convert_element_type3A_112 : vector<256x96xi32> to vector<256x96xf32>
    %convert_element_type3A_114 = arith.extui %and3A_101 : vector<256x96xi1> to vector<256x96xi32>
    %convert_element_type3A_115 = arith.sitofp %convert_element_type3A_114 : vector<256x96xi32> to vector<256x96xf32>
    %convert_element_type3A_116 = arith.extui %and3A_106 : vector<256x96xi1> to vector<256x96xi32>
    %convert_element_type3A_117 = arith.sitofp %convert_element_type3A_116 : vector<256x96xi32> to vector<256x96xf32>
    %add3A = arith.addf %select_n3A, %select_n3A_109 : vector<256x96xf32>
    %reduce_sum3A = arith.constant dense<0.000000e+00> : vector<96xf32>
    %reduce_sum3A_118 = vector.multi_reduction <add>, %add3A, %reduce_sum3A [0] : vector<256x96xf32> to vector<96xf32>
    %broadcast_in_dim3A_119 = vector.shape_cast %reduce_sum3A_118 : vector<96xf32> to vector<1x96xf32>
    %get3A_120 = arith.constant 0 : index
    %get3A_121 = arith.constant 0 : index
    %get3A_122 = vector.load %arg4[%get3A_120, %get3A_121] : memref<16x96xf32, #tpu.memory_space<vmem>>, vector<1x96xf32>
    %add3A_123 = arith.addf %get3A_122, %broadcast_in_dim3A_119 : vector<1x96xf32>
    %swap3A = arith.constant 0 : index
    %swap3A_124 = arith.constant 0 : index
    %swap3A_125 = vector.load %arg4[%swap3A, %swap3A_124] : memref<16x96xf32, #tpu.memory_space<vmem>>, vector<1x96xf32>
    tpu.vector_store %arg4[%swap3A, %swap3A_124], %add3A_123 {strides = array<i32>} : memref<16x96xf32, #tpu.memory_space<vmem>>, vector<1x96xf32>,
    %add3A_126 = arith.addf %select_n3A_49, %select_n3A_110 : vector<256x96xf32>
    %reduce_sum3A_127 = arith.constant dense<0.000000e+00> : vector<96xf32>
    %reduce_sum3A_128 = vector.multi_reduction <add>, %add3A_126, %reduce_sum3A_127 [0] : vector<256x96xf32> to vector<96xf32>
    %broadcast_in_dim3A_129 = vector.shape_cast %reduce_sum3A_128 : vector<96xf32> to vector<1x96xf32>
    %get3A_130 = arith.constant 1 : index
    %get3A_131 = arith.constant 0 : index
    %get3A_132 = vector.load %arg4[%get3A_130, %get3A_131] : memref<16x96xf32, #tpu.memory_space<vmem>>, vector<1x96xf32>
    %add3A_133 = arith.addf %get3A_132, %broadcast_in_dim3A_129 : vector<1x96xf32>
    %swap3A_134 = arith.constant 1 : index
    %swap3A_135 = arith.constant 0 : index
    %swap3A_136 = vector.load %arg4[%swap3A_134, %swap3A_135] : memref<16x96xf32, #tpu.memory_space<vmem>>, vector<1x96xf32>
    tpu.vector_store %arg4[%swap3A_134, %swap3A_135], %add3A_133 {strides = array<i32>} : memref<16x96xf32, #tpu.memory_space<vmem>>, vector<1x96xf32>,
    %add3A_137 = arith.addf %select_n3A_50, %select_n3A_111 : vector<256x96xf32>
    %reduce_sum3A_138 = arith.constant dense<0.000000e+00> : vector<96xf32>
    %reduce_sum3A_139 = vector.multi_reduction <add>, %add3A_137, %reduce_sum3A_138 [0] : vector<256x96xf32> to vector<96xf32>
    %broadcast_in_dim3A_140 = vector.shape_cast %reduce_sum3A_139 : vector<96xf32> to vector<1x96xf32>
    %get3A_141 = arith.constant 2 : index
    %get3A_142 = arith.constant 0 : index
    %get3A_143 = vector.load %arg4[%get3A_141, %get3A_142] : memref<16x96xf32, #tpu.memory_space<vmem>>, vector<1x96xf32>
    %add3A_144 = arith.addf %get3A_143, %broadcast_in_dim3A_140 : vector<1x96xf32>
    %swap3A_145 = arith.constant 2 : index
    %swap3A_146 = arith.constant 0 : index
    %swap3A_147 = vector.load %arg4[%swap3A_145, %swap3A_146] : memref<16x96xf32, #tpu.memory_space<vmem>>, vector<1x96xf32>
    tpu.vector_store %arg4[%swap3A_145, %swap3A_146], %add3A_144 {strides = array<i32>} : memref<16x96xf32, #tpu.memory_space<vmem>>, vector<1x96xf32>,
    %add3A_148 = arith.addf %convert_element_type3A_52, %convert_element_type3A_113 : vector<256x96xf32>
    %reduce_sum3A_149 = arith.constant dense<0.000000e+00> : vector<96xf32>
    %reduce_sum3A_150 = vector.multi_reduction <add>, %add3A_148, %reduce_sum3A_149 [0] : vector<256x96xf32> to vector<96xf32>
    %broadcast_in_dim3A_151 = vector.shape_cast %reduce_sum3A_150 : vector<96xf32> to vector<1x96xf32>
    %get3A_152 = arith.constant 3 : index
    %get3A_153 = arith.constant 0 : index
    %get3A_154 = vector.load %arg4[%get3A_152, %get3A_153] : memref<16x96xf32, #tpu.memory_space<vmem>>, vector<1x96xf32>
    %add3A_155 = arith.addf %get3A_154, %broadcast_in_dim3A_151 : vector<1x96xf32>
    %swap3A_156 = arith.constant 3 : index
    %swap3A_157 = arith.constant 0 : index
    %swap3A_158 = vector.load %arg4[%swap3A_156, %swap3A_157] : memref<16x96xf32, #tpu.memory_space<vmem>>, vector<1x96xf32>
    tpu.vector_store %arg4[%swap3A_156, %swap3A_157], %add3A_155 {strides = array<i32>} : memref<16x96xf32, #tpu.memory_space<vmem>>, vector<1x96xf32>,
    %add3A_159 = arith.addf %convert_element_type3A_54, %convert_element_type3A_115 : vector<256x96xf32>
    %reduce_sum3A_160 = arith.constant dense<0.000000e+00> : vector<96xf32>
    %reduce_sum3A_161 = vector.multi_reduction <add>, %add3A_159, %reduce_sum3A_160 [0] : vector<256x96xf32> to vector<96xf32>
    %broadcast_in_dim3A_162 = vector.shape_cast %reduce_sum3A_161 : vector<96xf32> to vector<1x96xf32>
    %get3A_163 = arith.constant 4 : index
    %get3A_164 = arith.constant 0 : index
    %get3A_165 = vector.load %arg4[%get3A_163, %get3A_164] : memref<16x96xf32, #tpu.memory_space<vmem>>, vector<1x96xf32>
    %add3A_166 = arith.addf %get3A_165, %broadcast_in_dim3A_162 : vector<1x96xf32>
    %swap3A_167 = arith.constant 4 : index
    %swap3A_168 = arith.constant 0 : index
    %swap3A_169 = vector.load %arg4[%swap3A_167, %swap3A_168] : memref<16x96xf32, #tpu.memory_space<vmem>>, vector<1x96xf32>
    tpu.vector_store %arg4[%swap3A_167, %swap3A_168], %add3A_166 {strides = array<i32>} : memref<16x96xf32, #tpu.memory_space<vmem>>, vector<1x96xf32>,
    %add3A_170 = arith.addf %convert_element_type3A_56, %convert_element_type3A_117 : vector<256x96xf32>
    %reduce_sum3A_171 = arith.constant dense<0.000000e+00> : vector<96xf32>
    %reduce_sum3A_172 = vector.multi_reduction <add>, %add3A_170, %reduce_sum3A_171 [0] : vector<256x96xf32> to vector<96xf32>
    %broadcast_in_dim3A_173 = vector.shape_cast %reduce_sum3A_172 : vector<96xf32> to vector<1x96xf32>
    %get3A_174 = arith.constant 5 : index
    %get3A_175 = arith.constant 0 : index
    %get3A_176 = vector.load %arg4[%get3A_174, %get3A_175] : memref<16x96xf32, #tpu.memory_space<vmem>>, vector<1x96xf32>
    %add3A_177 = arith.addf %get3A_176, %broadcast_in_dim3A_173 : vector<1x96xf32>
    %swap3A_178 = arith.constant 5 : index
    %swap3A_179 = arith.constant 0 : index
    %swap3A_180 = vector.load %arg4[%swap3A_178, %swap3A_179] : memref<16x96xf32, #tpu.memory_space<vmem>>, vector<1x96xf32>
    tpu.vector_store %arg4[%swap3A_178, %swap3A_179], %add3A_177 {strides = array<i32>} : memref<16x96xf32, #tpu.memory_space<vmem>>, vector<1x96xf32>,
    %add3A_181 = arith.addf %get3A_25, %get3A_81 : vector<256x96xf32>
    %reduce_sum3A_182 = arith.constant dense<0.000000e+00> : vector<96xf32>
    %reduce_sum3A_183 = vector.multi_reduction <add>, %add3A_181, %reduce_sum3A_182 [0] : vector<256x96xf32> to vector<96xf32>
    %broadcast_in_dim3A_184 = vector.shape_cast %reduce_sum3A_183 : vector<96xf32> to vector<1x96xf32>
    %get3A_185 = arith.constant 6 : index
    %get3A_186 = arith.constant 0 : index
    %get3A_187 = vector.load %arg4[%get3A_185, %get3A_186] : memref<16x96xf32, #tpu.memory_space<vmem>>, vector<1x96xf32>
    %add3A_188 = arith.addf %get3A_187, %broadcast_in_dim3A_184 : vector<1x96xf32>
    %swap3A_189 = arith.constant 6 : index
    %swap3A_190 = arith.constant 0 : index
    %swap3A_191 = vector.load %arg4[%swap3A_189, %swap3A_190] : memref<16x96xf32, #tpu.memory_space<vmem>>, vector<1x96xf32>
    tpu.vector_store %arg4[%swap3A_189, %swap3A_190], %add3A_188 {strides = array<i32>} : memref<16x96xf32, #tpu.memory_space<vmem>>, vector<1x96xf32>,
    %add3A_192 = arith.addf %get3A_30, %get3A_86 : vector<256x96xf32>
    %reduce_sum3A_193 = arith.constant dense<0.000000e+00> : vector<96xf32>
    %reduce_sum3A_194 = vector.multi_reduction <add>, %add3A_192, %reduce_sum3A_193 [0] : vector<256x96xf32> to vector<96xf32>
    %broadcast_in_dim3A_195 = vector.shape_cast %reduce_sum3A_194 : vector<96xf32> to vector<1x96xf32>
    %get3A_196 = arith.constant 7 : index
    %get3A_197 = arith.constant 0 : index
    %get3A_198 = vector.load %arg4[%get3A_196, %get3A_197] : memref<16x96xf32, #tpu.memory_space<vmem>>, vector<1x96xf32>
    %add3A_199 = arith.addf %get3A_198, %broadcast_in_dim3A_195 : vector<1x96xf32>
    %swap3A_200 = arith.constant 7 : index
    %swap3A_201 = arith.constant 0 : index
    %swap3A_202 = vector.load %arg4[%swap3A_200, %swap3A_201] : memref<16x96xf32, #tpu.memory_space<vmem>>, vector<1x96xf32>
    tpu.vector_store %arg4[%swap3A_200, %swap3A_201], %add3A_199 {strides = array<i32>} : memref<16x96xf32, #tpu.memory_space<vmem>>, vector<1x96xf32>,
    %add3A_203 = arith.addf %get3A_35, %get3A_91 : vector<256x96xf32>
    %reduce_sum3A_204 = arith.constant dense<0.000000e+00> : vector<96xf32>
    %reduce_sum3A_205 = vector.multi_reduction <add>, %add3A_203, %reduce_sum3A_204 [0] : vector<256x96xf32> to vector<96xf32>
    %broadcast_in_dim3A_206 = vector.shape_cast %reduce_sum3A_205 : vector<96xf32> to vector<1x96xf32>
    %get3A_207 = arith.constant 8 : index
    %get3A_208 = arith.constant 0 : index
    %get3A_209 = vector.load %arg4[%get3A_207, %get3A_208] : memref<16x96xf32, #tpu.memory_space<vmem>>, vector<1x96xf32>
    %add3A_210 = arith.addf %get3A_209, %broadcast_in_dim3A_206 : vector<1x96xf32>
    %swap3A_211 = arith.constant 8 : index
    %swap3A_212 = arith.constant 0 : index
    %swap3A_213 = vector.load %arg4[%swap3A_211, %swap3A_212] : memref<16x96xf32, #tpu.memory_space<vmem>>, vector<1x96xf32>
    tpu.vector_store %arg4[%swap3A_211, %swap3A_212], %add3A_210 {strides = array<i32>} : memref<16x96xf32, #tpu.memory_space<vmem>>, vector<1x96xf32>,
    return
  }
  func.func @transform_0(%arg0: i32) -> (i32, i32, i32) {
    %c0_i32 = arith.constant 0 : i32
    %c0_i32_0 = arith.constant 0 : i32
    %c0_i32_1 = arith.constant 0 : i32
    return %c0_i32, %arg0, %c0_i32_0 : i32, i32, i32
  }
  func.func @transform_1(%arg0: i32) -> (i32, i32, i32) {
    %mul3A = arith.constant 256 : i32
    %mul3A_0 = arith.muli %arg0, %mul3A : i32
    %c1_i32 = arith.constant 1 : i32
    %c0_i32 = arith.constant 0 : i32
    %c0_i32_1 = arith.constant 0 : i32
    return %c1_i32, %mul3A_0, %c0_i32 : i32, i32, i32
  }
  func.func @transform_2(%arg0: i32) -> (i32, i32, i32) {
    %mul3A = arith.constant 256 : i32
    %mul3A_0 = arith.muli %arg0, %mul3A : i32
    %c5_i32 = arith.constant 5 : i32
    %c0_i32 = arith.constant 0 : i32
    %c0_i32_1 = arith.constant 0 : i32
    return %c5_i32, %mul3A_0, %c0_i32 : i32, i32, i32
  }
  func.func @transform_3(%arg0: i32) -> (i32, i32) {
    %c0_i32 = arith.constant 0 : i32
    %c0_i32_0 = arith.constant 0 : i32
    %c0_i32_1 = arith.constant 0 : i32
    return %c0_i32, %c0_i32_0 : i32, i32
  }
}

module attributes {stable_mosaic.version = 14 : i64} {
  func.func @_finalize_body(%arg0: memref<32x9x16xf32, #tpu.memory_space<vmem>>, %arg1: memref<16x96xf32, #tpu.memory_space<vmem>>, %arg2: memref<4x32xf32, #tpu.memory_space<vmem>>, %arg3: memref<1x32xi32, #tpu.memory_space<vmem>>, %arg4: memref<1x8xf32, #tpu.memory_space<vmem>>) attributes {dimension_semantics = [], scalar_prefetch = 0 : i64, scratch_operands = 0 : i64, tpu.core_type = #tpu.core_type<tc>} {
    %get3A = arith.constant 0 : index
    %get3A_0 = arith.constant 0 : index
    %get3A_1 = arith.constant 0 : index
    %get3A_2 = vector.load %arg0[%get3A, %get3A_0, %get3A_1] : memref<32x9x16xf32, #tpu.memory_space<vmem>>, vector<32x9x16xf32>
    %get3A_3 = arith.constant 0 : index
    %get3A_4 = arith.constant 0 : index
    %get3A_5 = vector.load %arg1[%get3A_3, %get3A_4] : memref<16x96xf32, #tpu.memory_space<vmem>>, vector<16x96xf32>
    %slice3A = vector.extract_strided_slice %get3A_2 {offsets = [0, 0, 0], sizes = [32, 1, 16], strides = [1, 1, 1]} : vector<32x9x16xf32> to vector<32x1x16xf32>
    %squeeze3A = vector.shape_cast %slice3A : vector<32x1x16xf32> to vector<32x16xf32>
    %reduce_sum3A = vector.shape_cast %squeeze3A : vector<32x16xf32> to vector<1x32x16xf32>
    %reduce_sum3A_6 = arith.constant dense<0.000000e+00> : vector<1xf32>
    %reduce_sum3A_7 = vector.multi_reduction <add>, %reduce_sum3A, %reduce_sum3A_6 [1, 2] : vector<1x32x16xf32> to vector<1xf32>
    %reduce_sum3A_8 = vector.shape_cast %reduce_sum3A_7 : vector<1xf32> to vector<1x1x1xf32>
    %reduce_sum3A_9 = vector.extract %reduce_sum3A_8[0, 0, 0] : f32 from vector<1x1x1xf32>
    %slice3A_10 = vector.extract_strided_slice %get3A_5 {offsets = [0, 0], sizes = [1, 96], strides = [1, 1]} : vector<16x96xf32> to vector<1x96xf32>
    %squeeze3A_11 = vector.shape_cast %slice3A_10 : vector<1x96xf32> to vector<96xf32>
    %reduce_sum3A_12 = vector.shape_cast %squeeze3A_11 : vector<96xf32> to vector<1x96xf32>
    %reduce_sum3A_13 = arith.constant dense<0.000000e+00> : vector<1xf32>
    %reduce_sum3A_14 = vector.multi_reduction <add>, %reduce_sum3A_12, %reduce_sum3A_13 [1] : vector<1x96xf32> to vector<1xf32>
    %reduce_sum3A_15 = vector.shape_cast %reduce_sum3A_14 : vector<1xf32> to vector<1x1xf32>
    %reduce_sum3A_16 = vector.extract %reduce_sum3A_15[0, 0] : f32 from vector<1x1xf32>
    %add3A = arith.addf %reduce_sum3A_9, %reduce_sum3A_16 : f32
    %slice3A_17 = vector.extract_strided_slice %get3A_2 {offsets = [0, 1, 0], sizes = [32, 1, 16], strides = [1, 1, 1]} : vector<32x9x16xf32> to vector<32x1x16xf32>
    %squeeze3A_18 = vector.shape_cast %slice3A_17 : vector<32x1x16xf32> to vector<32x16xf32>
    %reduce_sum3A_19 = vector.shape_cast %squeeze3A_18 : vector<32x16xf32> to vector<1x32x16xf32>
    %reduce_sum3A_20 = arith.constant dense<0.000000e+00> : vector<1xf32>
    %reduce_sum3A_21 = vector.multi_reduction <add>, %reduce_sum3A_19, %reduce_sum3A_20 [1, 2] : vector<1x32x16xf32> to vector<1xf32>
    %reduce_sum3A_22 = vector.shape_cast %reduce_sum3A_21 : vector<1xf32> to vector<1x1x1xf32>
    %reduce_sum3A_23 = vector.extract %reduce_sum3A_22[0, 0, 0] : f32 from vector<1x1x1xf32>
    %slice3A_24 = vector.extract_strided_slice %get3A_5 {offsets = [1, 0], sizes = [1, 96], strides = [1, 1]} : vector<16x96xf32> to vector<1x96xf32>
    %squeeze3A_25 = vector.shape_cast %slice3A_24 : vector<1x96xf32> to vector<96xf32>
    %reduce_sum3A_26 = vector.shape_cast %squeeze3A_25 : vector<96xf32> to vector<1x96xf32>
    %reduce_sum3A_27 = arith.constant dense<0.000000e+00> : vector<1xf32>
    %reduce_sum3A_28 = vector.multi_reduction <add>, %reduce_sum3A_26, %reduce_sum3A_27 [1] : vector<1x96xf32> to vector<1xf32>
    %reduce_sum3A_29 = vector.shape_cast %reduce_sum3A_28 : vector<1xf32> to vector<1x1xf32>
    %reduce_sum3A_30 = vector.extract %reduce_sum3A_29[0, 0] : f32 from vector<1x1xf32>
    %add3A_31 = arith.addf %reduce_sum3A_23, %reduce_sum3A_30 : f32
    %slice3A_32 = vector.extract_strided_slice %get3A_2 {offsets = [0, 2, 0], sizes = [32, 1, 16], strides = [1, 1, 1]} : vector<32x9x16xf32> to vector<32x1x16xf32>
    %squeeze3A_33 = vector.shape_cast %slice3A_32 : vector<32x1x16xf32> to vector<32x16xf32>
    %reduce_sum3A_34 = vector.shape_cast %squeeze3A_33 : vector<32x16xf32> to vector<1x32x16xf32>
    %reduce_sum3A_35 = arith.constant dense<0.000000e+00> : vector<1xf32>
    %reduce_sum3A_36 = vector.multi_reduction <add>, %reduce_sum3A_34, %reduce_sum3A_35 [1, 2] : vector<1x32x16xf32> to vector<1xf32>
    %reduce_sum3A_37 = vector.shape_cast %reduce_sum3A_36 : vector<1xf32> to vector<1x1x1xf32>
    %reduce_sum3A_38 = vector.extract %reduce_sum3A_37[0, 0, 0] : f32 from vector<1x1x1xf32>
    %slice3A_39 = vector.extract_strided_slice %get3A_5 {offsets = [2, 0], sizes = [1, 96], strides = [1, 1]} : vector<16x96xf32> to vector<1x96xf32>
    %squeeze3A_40 = vector.shape_cast %slice3A_39 : vector<1x96xf32> to vector<96xf32>
    %reduce_sum3A_41 = vector.shape_cast %squeeze3A_40 : vector<96xf32> to vector<1x96xf32>
    %reduce_sum3A_42 = arith.constant dense<0.000000e+00> : vector<1xf32>
    %reduce_sum3A_43 = vector.multi_reduction <add>, %reduce_sum3A_41, %reduce_sum3A_42 [1] : vector<1x96xf32> to vector<1xf32>
    %reduce_sum3A_44 = vector.shape_cast %reduce_sum3A_43 : vector<1xf32> to vector<1x1xf32>
    %reduce_sum3A_45 = vector.extract %reduce_sum3A_44[0, 0] : f32 from vector<1x1xf32>
    %add3A_46 = arith.addf %reduce_sum3A_38, %reduce_sum3A_45 : f32
    %slice3A_47 = vector.extract_strided_slice %get3A_2 {offsets = [0, 3, 0], sizes = [32, 1, 16], strides = [1, 1, 1]} : vector<32x9x16xf32> to vector<32x1x16xf32>
    %squeeze3A_48 = vector.shape_cast %slice3A_47 : vector<32x1x16xf32> to vector<32x16xf32>
    %reduce_sum3A_49 = vector.shape_cast %squeeze3A_48 : vector<32x16xf32> to vector<1x32x16xf32>
    %reduce_sum3A_50 = arith.constant dense<0.000000e+00> : vector<1xf32>
    %reduce_sum3A_51 = vector.multi_reduction <add>, %reduce_sum3A_49, %reduce_sum3A_50 [1, 2] : vector<1x32x16xf32> to vector<1xf32>
    %reduce_sum3A_52 = vector.shape_cast %reduce_sum3A_51 : vector<1xf32> to vector<1x1x1xf32>
    %reduce_sum3A_53 = vector.extract %reduce_sum3A_52[0, 0, 0] : f32 from vector<1x1x1xf32>
    %slice3A_54 = vector.extract_strided_slice %get3A_5 {offsets = [3, 0], sizes = [1, 96], strides = [1, 1]} : vector<16x96xf32> to vector<1x96xf32>
    %squeeze3A_55 = vector.shape_cast %slice3A_54 : vector<1x96xf32> to vector<96xf32>
    %reduce_sum3A_56 = vector.shape_cast %squeeze3A_55 : vector<96xf32> to vector<1x96xf32>
    %reduce_sum3A_57 = arith.constant dense<0.000000e+00> : vector<1xf32>
    %reduce_sum3A_58 = vector.multi_reduction <add>, %reduce_sum3A_56, %reduce_sum3A_57 [1] : vector<1x96xf32> to vector<1xf32>
    %reduce_sum3A_59 = vector.shape_cast %reduce_sum3A_58 : vector<1xf32> to vector<1x1xf32>
    %reduce_sum3A_60 = vector.extract %reduce_sum3A_59[0, 0] : f32 from vector<1x1xf32>
    %add3A_61 = arith.addf %reduce_sum3A_53, %reduce_sum3A_60 : f32
    %slice3A_62 = vector.extract_strided_slice %get3A_2 {offsets = [0, 4, 0], sizes = [32, 1, 16], strides = [1, 1, 1]} : vector<32x9x16xf32> to vector<32x1x16xf32>
    %squeeze3A_63 = vector.shape_cast %slice3A_62 : vector<32x1x16xf32> to vector<32x16xf32>
    %reduce_sum3A_64 = vector.shape_cast %squeeze3A_63 : vector<32x16xf32> to vector<1x32x16xf32>
    %reduce_sum3A_65 = arith.constant dense<0.000000e+00> : vector<1xf32>
    %reduce_sum3A_66 = vector.multi_reduction <add>, %reduce_sum3A_64, %reduce_sum3A_65 [1, 2] : vector<1x32x16xf32> to vector<1xf32>
    %reduce_sum3A_67 = vector.shape_cast %reduce_sum3A_66 : vector<1xf32> to vector<1x1x1xf32>
    %reduce_sum3A_68 = vector.extract %reduce_sum3A_67[0, 0, 0] : f32 from vector<1x1x1xf32>
    %slice3A_69 = vector.extract_strided_slice %get3A_5 {offsets = [4, 0], sizes = [1, 96], strides = [1, 1]} : vector<16x96xf32> to vector<1x96xf32>
    %squeeze3A_70 = vector.shape_cast %slice3A_69 : vector<1x96xf32> to vector<96xf32>
    %reduce_sum3A_71 = vector.shape_cast %squeeze3A_70 : vector<96xf32> to vector<1x96xf32>
    %reduce_sum3A_72 = arith.constant dense<0.000000e+00> : vector<1xf32>
    %reduce_sum3A_73 = vector.multi_reduction <add>, %reduce_sum3A_71, %reduce_sum3A_72 [1] : vector<1x96xf32> to vector<1xf32>
    %reduce_sum3A_74 = vector.shape_cast %reduce_sum3A_73 : vector<1xf32> to vector<1x1xf32>
    %reduce_sum3A_75 = vector.extract %reduce_sum3A_74[0, 0] : f32 from vector<1x1xf32>
    %add3A_76 = arith.addf %reduce_sum3A_68, %reduce_sum3A_75 : f32
    %slice3A_77 = vector.extract_strided_slice %get3A_2 {offsets = [0, 5, 0], sizes = [32, 1, 16], strides = [1, 1, 1]} : vector<32x9x16xf32> to vector<32x1x16xf32>
    %squeeze3A_78 = vector.shape_cast %slice3A_77 : vector<32x1x16xf32> to vector<32x16xf32>
    %reduce_sum3A_79 = vector.shape_cast %squeeze3A_78 : vector<32x16xf32> to vector<1x32x16xf32>
    %reduce_sum3A_80 = arith.constant dense<0.000000e+00> : vector<1xf32>
    %reduce_sum3A_81 = vector.multi_reduction <add>, %reduce_sum3A_79, %reduce_sum3A_80 [1, 2] : vector<1x32x16xf32> to vector<1xf32>
    %reduce_sum3A_82 = vector.shape_cast %reduce_sum3A_81 : vector<1xf32> to vector<1x1x1xf32>
    %reduce_sum3A_83 = vector.extract %reduce_sum3A_82[0, 0, 0] : f32 from vector<1x1x1xf32>
    %slice3A_84 = vector.extract_strided_slice %get3A_5 {offsets = [5, 0], sizes = [1, 96], strides = [1, 1]} : vector<16x96xf32> to vector<1x96xf32>
    %squeeze3A_85 = vector.shape_cast %slice3A_84 : vector<1x96xf32> to vector<96xf32>
    %reduce_sum3A_86 = vector.shape_cast %squeeze3A_85 : vector<96xf32> to vector<1x96xf32>
    %reduce_sum3A_87 = arith.constant dense<0.000000e+00> : vector<1xf32>
    %reduce_sum3A_88 = vector.multi_reduction <add>, %reduce_sum3A_86, %reduce_sum3A_87 [1] : vector<1x96xf32> to vector<1xf32>
    %reduce_sum3A_89 = vector.shape_cast %reduce_sum3A_88 : vector<1xf32> to vector<1x1xf32>
    %reduce_sum3A_90 = vector.extract %reduce_sum3A_89[0, 0] : f32 from vector<1x1xf32>
    %add3A_91 = arith.addf %reduce_sum3A_83, %reduce_sum3A_90 : f32
    %slice3A_92 = vector.extract_strided_slice %get3A_2 {offsets = [0, 6, 0], sizes = [32, 1, 16], strides = [1, 1, 1]} : vector<32x9x16xf32> to vector<32x1x16xf32>
    %squeeze3A_93 = vector.shape_cast %slice3A_92 : vector<32x1x16xf32> to vector<32x16xf32>
    %reduce_sum3A_94 = vector.shape_cast %squeeze3A_93 : vector<32x16xf32> to vector<1x32x16xf32>
    %reduce_sum3A_95 = arith.constant dense<0.000000e+00> : vector<1xf32>
    %reduce_sum3A_96 = vector.multi_reduction <add>, %reduce_sum3A_94, %reduce_sum3A_95 [1, 2] : vector<1x32x16xf32> to vector<1xf32>
    %reduce_sum3A_97 = vector.shape_cast %reduce_sum3A_96 : vector<1xf32> to vector<1x1x1xf32>
    %reduce_sum3A_98 = vector.extract %reduce_sum3A_97[0, 0, 0] : f32 from vector<1x1x1xf32>
    %slice3A_99 = vector.extract_strided_slice %get3A_5 {offsets = [6, 0], sizes = [1, 96], strides = [1, 1]} : vector<16x96xf32> to vector<1x96xf32>
    %squeeze3A_100 = vector.shape_cast %slice3A_99 : vector<1x96xf32> to vector<96xf32>
    %reduce_sum3A_101 = vector.shape_cast %squeeze3A_100 : vector<96xf32> to vector<1x96xf32>
    %reduce_sum3A_102 = arith.constant dense<0.000000e+00> : vector<1xf32>
    %reduce_sum3A_103 = vector.multi_reduction <add>, %reduce_sum3A_101, %reduce_sum3A_102 [1] : vector<1x96xf32> to vector<1xf32>
    %reduce_sum3A_104 = vector.shape_cast %reduce_sum3A_103 : vector<1xf32> to vector<1x1xf32>
    %reduce_sum3A_105 = vector.extract %reduce_sum3A_104[0, 0] : f32 from vector<1x1xf32>
    %add3A_106 = arith.addf %reduce_sum3A_98, %reduce_sum3A_105 : f32
    %slice3A_107 = vector.extract_strided_slice %get3A_2 {offsets = [0, 7, 0], sizes = [32, 1, 16], strides = [1, 1, 1]} : vector<32x9x16xf32> to vector<32x1x16xf32>
    %squeeze3A_108 = vector.shape_cast %slice3A_107 : vector<32x1x16xf32> to vector<32x16xf32>
    %reduce_sum3A_109 = vector.shape_cast %squeeze3A_108 : vector<32x16xf32> to vector<1x32x16xf32>
    %reduce_sum3A_110 = arith.constant dense<0.000000e+00> : vector<1xf32>
    %reduce_sum3A_111 = vector.multi_reduction <add>, %reduce_sum3A_109, %reduce_sum3A_110 [1, 2] : vector<1x32x16xf32> to vector<1xf32>
    %reduce_sum3A_112 = vector.shape_cast %reduce_sum3A_111 : vector<1xf32> to vector<1x1x1xf32>
    %reduce_sum3A_113 = vector.extract %reduce_sum3A_112[0, 0, 0] : f32 from vector<1x1x1xf32>
    %slice3A_114 = vector.extract_strided_slice %get3A_5 {offsets = [7, 0], sizes = [1, 96], strides = [1, 1]} : vector<16x96xf32> to vector<1x96xf32>
    %squeeze3A_115 = vector.shape_cast %slice3A_114 : vector<1x96xf32> to vector<96xf32>
    %reduce_sum3A_116 = vector.shape_cast %squeeze3A_115 : vector<96xf32> to vector<1x96xf32>
    %reduce_sum3A_117 = arith.constant dense<0.000000e+00> : vector<1xf32>
    %reduce_sum3A_118 = vector.multi_reduction <add>, %reduce_sum3A_116, %reduce_sum3A_117 [1] : vector<1x96xf32> to vector<1xf32>
    %reduce_sum3A_119 = vector.shape_cast %reduce_sum3A_118 : vector<1xf32> to vector<1x1xf32>
    %reduce_sum3A_120 = vector.extract %reduce_sum3A_119[0, 0] : f32 from vector<1x1xf32>
    %add3A_121 = arith.addf %reduce_sum3A_113, %reduce_sum3A_120 : f32
    %slice3A_122 = vector.extract_strided_slice %get3A_2 {offsets = [0, 8, 0], sizes = [32, 1, 16], strides = [1, 1, 1]} : vector<32x9x16xf32> to vector<32x1x16xf32>
    %squeeze3A_123 = vector.shape_cast %slice3A_122 : vector<32x1x16xf32> to vector<32x16xf32>
    %reduce_sum3A_124 = vector.shape_cast %squeeze3A_123 : vector<32x16xf32> to vector<1x32x16xf32>
    %reduce_sum3A_125 = arith.constant dense<0.000000e+00> : vector<1xf32>
    %reduce_sum3A_126 = vector.multi_reduction <add>, %reduce_sum3A_124, %reduce_sum3A_125 [1, 2] : vector<1x32x16xf32> to vector<1xf32>
    %reduce_sum3A_127 = vector.shape_cast %reduce_sum3A_126 : vector<1xf32> to vector<1x1x1xf32>
    %reduce_sum3A_128 = vector.extract %reduce_sum3A_127[0, 0, 0] : f32 from vector<1x1x1xf32>
    %slice3A_129 = vector.extract_strided_slice %get3A_5 {offsets = [8, 0], sizes = [1, 96], strides = [1, 1]} : vector<16x96xf32> to vector<1x96xf32>
    %squeeze3A_130 = vector.shape_cast %slice3A_129 : vector<1x96xf32> to vector<96xf32>
    %reduce_sum3A_131 = vector.shape_cast %squeeze3A_130 : vector<96xf32> to vector<1x96xf32>
    %reduce_sum3A_132 = arith.constant dense<0.000000e+00> : vector<1xf32>
    %reduce_sum3A_133 = vector.multi_reduction <add>, %reduce_sum3A_131, %reduce_sum3A_132 [1] : vector<1x96xf32> to vector<1xf32>
    %reduce_sum3A_134 = vector.shape_cast %reduce_sum3A_133 : vector<1xf32> to vector<1x1xf32>
    %reduce_sum3A_135 = vector.extract %reduce_sum3A_134[0, 0] : f32 from vector<1x1xf32>
    %add3A_136 = arith.addf %reduce_sum3A_128, %reduce_sum3A_135 : f32
    %gt3A = arith.constant 0.000000e+00 : f32
    %gt3A_137 = arith.cmpf ogt, %add3A_106, %gt3A : f32
    %convert_element_type3A = arith.extui %gt3A_137 : i1 to i32
    %convert_element_type3A_138 = arith.sitofp %convert_element_type3A : i32 to f32
    %gt3A_139 = arith.constant 0.000000e+00 : f32
    %gt3A_140 = arith.cmpf ogt, %add3A_61, %gt3A_139 : f32
    %convert_element_type3A_141 = arith.extui %gt3A_140 : i1 to i32
    %convert_element_type3A_142 = arith.sitofp %convert_element_type3A_141 : i32 to f32
    %add3A_143 = arith.constant 0.000000e+00 : f32
    %add3A_144 = arith.addf %add3A_143, %convert_element_type3A_138 : f32
    %add3A_145 = arith.constant 0.000000e+00 : f32
    %add3A_146 = arith.addf %add3A_145, %convert_element_type3A_142 : f32
    %mul3A = arith.constant 2.000000e+00 : f32
    %mul3A_147 = arith.mulf %mul3A, %add3A : f32
    %add3A_148 = arith.constant 9.99999974E-6 : f32
    %add3A_149 = arith.addf %mul3A_147, %add3A_148 : f32
    %mul3A_150 = arith.mulf %convert_element_type3A_138, %add3A_149 : f32
    %add3A_151 = arith.addf %add3A_61, %add3A_106 : f32
    %add3A_152 = arith.constant 9.99999974E-6 : f32
    %add3A_153 = arith.addf %add3A_151, %add3A_152 : f32
    %div3A = arith.divf %mul3A_150, %add3A_153 : f32
    %add3A_154 = arith.constant 0.000000e+00 : f32
    %add3A_155 = arith.addf %add3A_154, %div3A : f32
    %add3A_156 = arith.constant 1.000000e+00 : f32
    %add3A_157 = arith.addf %add3A, %add3A_156 : f32
    %mul3A_158 = arith.mulf %convert_element_type3A_142, %add3A_157 : f32
    %add3A_159 = arith.constant 1.000000e+00 : f32
    %add3A_160 = arith.addf %add3A_61, %add3A_159 : f32
    %div3A_161 = arith.divf %mul3A_158, %add3A_160 : f32
    %add3A_162 = arith.constant 0.000000e+00 : f32
    %add3A_163 = arith.addf %add3A_162, %div3A_161 : f32
    %add3A_164 = arith.constant 1.000000e+00 : f32
    %add3A_165 = arith.addf %add3A, %add3A_164 : f32
    %mul3A_166 = arith.mulf %convert_element_type3A_138, %add3A_165 : f32
    %add3A_167 = arith.constant 1.000000e+00 : f32
    %add3A_168 = arith.addf %add3A_106, %add3A_167 : f32
    %div3A_169 = arith.divf %mul3A_166, %add3A_168 : f32
    %add3A_170 = arith.constant 0.000000e+00 : f32
    %add3A_171 = arith.addf %add3A_170, %div3A_169 : f32
    %gt3A_172 = arith.constant 0.000000e+00 : f32
    %gt3A_173 = arith.cmpf ogt, %add3A_121, %gt3A_172 : f32
    %convert_element_type3A_174 = arith.extui %gt3A_173 : i1 to i32
    %convert_element_type3A_175 = arith.sitofp %convert_element_type3A_174 : i32 to f32
    %gt3A_176 = arith.constant 0.000000e+00 : f32
    %gt3A_177 = arith.cmpf ogt, %add3A_76, %gt3A_176 : f32
    %convert_element_type3A_178 = arith.extui %gt3A_177 : i1 to i32
    %convert_element_type3A_179 = arith.sitofp %convert_element_type3A_178 : i32 to f32
    %add3A_180 = arith.addf %add3A_144, %convert_element_type3A_175 : f32
    %add3A_181 = arith.addf %add3A_146, %convert_element_type3A_179 : f32
    %mul3A_182 = arith.constant 2.000000e+00 : f32
    %mul3A_183 = arith.mulf %mul3A_182, %add3A_31 : f32
    %add3A_184 = arith.constant 9.99999974E-6 : f32
    %add3A_185 = arith.addf %mul3A_183, %add3A_184 : f32
    %mul3A_186 = arith.mulf %convert_element_type3A_175, %add3A_185 : f32
    %add3A_187 = arith.addf %add3A_76, %add3A_121 : f32
    %add3A_188 = arith.constant 9.99999974E-6 : f32
    %add3A_189 = arith.addf %add3A_187, %add3A_188 : f32
    %div3A_190 = arith.divf %mul3A_186, %add3A_189 : f32
    %add3A_191 = arith.addf %add3A_155, %div3A_190 : f32
    %add3A_192 = arith.constant 1.000000e+00 : f32
    %add3A_193 = arith.addf %add3A_31, %add3A_192 : f32
    %mul3A_194 = arith.mulf %convert_element_type3A_179, %add3A_193 : f32
    %add3A_195 = arith.constant 1.000000e+00 : f32
    %add3A_196 = arith.addf %add3A_76, %add3A_195 : f32
    %div3A_197 = arith.divf %mul3A_194, %add3A_196 : f32
    %add3A_198 = arith.addf %add3A_163, %div3A_197 : f32
    %add3A_199 = arith.constant 1.000000e+00 : f32
    %add3A_200 = arith.addf %add3A_31, %add3A_199 : f32
    %mul3A_201 = arith.mulf %convert_element_type3A_175, %add3A_200 : f32
    %add3A_202 = arith.constant 1.000000e+00 : f32
    %add3A_203 = arith.addf %add3A_121, %add3A_202 : f32
    %div3A_204 = arith.divf %mul3A_201, %add3A_203 : f32
    %add3A_205 = arith.addf %add3A_171, %div3A_204 : f32
    %gt3A_206 = arith.constant 0.000000e+00 : f32
    %gt3A_207 = arith.cmpf ogt, %add3A_136, %gt3A_206 : f32
    %convert_element_type3A_208 = arith.extui %gt3A_207 : i1 to i32
    %convert_element_type3A_209 = arith.sitofp %convert_element_type3A_208 : i32 to f32
    %gt3A_210 = arith.constant 0.000000e+00 : f32
    %gt3A_211 = arith.cmpf ogt, %add3A_91, %gt3A_210 : f32
    %convert_element_type3A_212 = arith.extui %gt3A_211 : i1 to i32
    %convert_element_type3A_213 = arith.sitofp %convert_element_type3A_212 : i32 to f32
    %add3A_214 = arith.addf %add3A_180, %convert_element_type3A_209 : f32
    %add3A_215 = arith.addf %add3A_181, %convert_element_type3A_213 : f32
    %mul3A_216 = arith.constant 2.000000e+00 : f32
    %mul3A_217 = arith.mulf %mul3A_216, %add3A_46 : f32
    %add3A_218 = arith.constant 9.99999974E-6 : f32
    %add3A_219 = arith.addf %mul3A_217, %add3A_218 : f32
    %mul3A_220 = arith.mulf %convert_element_type3A_209, %add3A_219 : f32
    %add3A_221 = arith.addf %add3A_91, %add3A_136 : f32
    %add3A_222 = arith.constant 9.99999974E-6 : f32
    %add3A_223 = arith.addf %add3A_221, %add3A_222 : f32
    %div3A_224 = arith.divf %mul3A_220, %add3A_223 : f32
    %add3A_225 = arith.addf %add3A_191, %div3A_224 : f32
    %add3A_226 = arith.constant 1.000000e+00 : f32
    %add3A_227 = arith.addf %add3A_46, %add3A_226 : f32
    %mul3A_228 = arith.mulf %convert_element_type3A_213, %add3A_227 : f32
    %add3A_229 = arith.constant 1.000000e+00 : f32
    %add3A_230 = arith.addf %add3A_91, %add3A_229 : f32
    %div3A_231 = arith.divf %mul3A_228, %add3A_230 : f32
    %add3A_232 = arith.addf %add3A_198, %div3A_231 : f32
    %add3A_233 = arith.constant 1.000000e+00 : f32
    %add3A_234 = arith.addf %add3A_46, %add3A_233 : f32
    %mul3A_235 = arith.mulf %convert_element_type3A_209, %add3A_234 : f32
    %add3A_236 = arith.constant 1.000000e+00 : f32
    %add3A_237 = arith.addf %add3A_136, %add3A_236 : f32
    %div3A_238 = arith.divf %mul3A_235, %add3A_237 : f32
    %add3A_239 = arith.addf %add3A_205, %div3A_238 : f32
    %gt3A_240 = arith.constant 0.000000e+00 : f32
    %gt3A_241 = arith.cmpf ogt, %add3A_214, %gt3A_240 : f32
    %max3A = arith.constant 1.000000e+00 : f32
    %max3A_242 = arith.maximumf %add3A_214, %max3A : f32
    %div3A_243 = arith.divf %add3A_225, %max3A_242 : f32
    %select_n3A = arith.select %gt3A_241, %div3A_243, %add3A_225 : f32
    %gt3A_244 = arith.constant 0.000000e+00 : f32
    %gt3A_245 = arith.cmpf ogt, %add3A_215, %gt3A_244 : f32
    %max3A_246 = arith.constant 1.000000e+00 : f32
    %max3A_247 = arith.maximumf %add3A_215, %max3A_246 : f32
    %div3A_248 = arith.divf %add3A_232, %max3A_247 : f32
    %select_n3A_249 = arith.select %gt3A_245, %div3A_248, %add3A_232 : f32
    %gt3A_250 = arith.constant 0.000000e+00 : f32
    %gt3A_251 = arith.cmpf ogt, %add3A_214, %gt3A_250 : f32
    %max3A_252 = arith.constant 1.000000e+00 : f32
    %max3A_253 = arith.maximumf %add3A_214, %max3A_252 : f32
    %div3A_254 = arith.divf %add3A_239, %max3A_253 : f32
    %select_n3A_255 = arith.select %gt3A_251, %div3A_254, %add3A_239 : f32
    %get3A_256 = arith.constant 0 : index
    %get3A_257 = arith.constant 0 : index
    %get3A_258 = vector.load %arg2[%get3A_256, %get3A_257] : memref<4x32xf32, #tpu.memory_space<vmem>>, vector<4x32xf32>
    %slice3A_259 = vector.extract_strided_slice %get3A_258 {offsets = [0, 0], sizes = [1, 32], strides = [1, 1]} : vector<4x32xf32> to vector<1x32xf32>
    %broadcast_in_dim3A = arith.constant 0 : i32
    %broadcast_in_dim3A_260 = vector.broadcast %broadcast_in_dim3A : i32 to vector<1x32xi32>
    %slice3A_261 = vector.extract_strided_slice %get3A_258 {offsets = [1, 0], sizes = [1, 32], strides = [1, 1]} : vector<4x32xf32> to vector<1x32xf32>
    %gt3A_262 = arith.cmpf ogt, %slice3A_261, %slice3A_259 : vector<1x32xf32>
    %jit3A = arith.constant 1 : i32
    %broadcast_in_dim3A_263 = vector.broadcast %jit3A : i32 to vector<1x32xi32>
    %select_n3A_264 = arith.select %gt3A_262, %broadcast_in_dim3A_263, %broadcast_in_dim3A_260 : vector<1x32xi1>, vector<1x32xi32>
    %select_n3A_265 = arith.select %gt3A_262, %slice3A_261, %slice3A_259 : vector<1x32xi1>, vector<1x32xf32>
    %slice3A_266 = vector.extract_strided_slice %get3A_258 {offsets = [2, 0], sizes = [1, 32], strides = [1, 1]} : vector<4x32xf32> to vector<1x32xf32>
    %gt3A_267 = arith.cmpf ogt, %slice3A_266, %select_n3A_265 : vector<1x32xf32>
    %jit3A_268 = arith.constant 2 : i32
    %broadcast_in_dim3A_269 = vector.broadcast %jit3A_268 : i32 to vector<1x32xi32>
    %select_n3A_270 = arith.select %gt3A_267, %broadcast_in_dim3A_269, %select_n3A_264 : vector<1x32xi1>, vector<1x32xi32>
    %select_n3A_271 = arith.select %gt3A_267, %slice3A_266, %select_n3A_265 : vector<1x32xi1>, vector<1x32xf32>
    %slice3A_272 = vector.extract_strided_slice %get3A_258 {offsets = [3, 0], sizes = [1, 32], strides = [1, 1]} : vector<4x32xf32> to vector<1x32xf32>
    %gt3A_273 = arith.cmpf ogt, %slice3A_272, %select_n3A_271 : vector<1x32xf32>
    %jit3A_274 = arith.constant 3 : i32
    %broadcast_in_dim3A_275 = vector.broadcast %jit3A_274 : i32 to vector<1x32xi32>
    %select_n3A_276 = arith.select %gt3A_273, %broadcast_in_dim3A_275, %select_n3A_270 : vector<1x32xi1>, vector<1x32xi32>
    %get3A_277 = arith.constant 0 : index
    %get3A_278 = arith.constant 0 : index
    %get3A_279 = vector.load %arg3[%get3A_277, %get3A_278] : memref<1x32xi32, #tpu.memory_space<vmem>>, vector<1x32xi32>
    %eq3A = arith.cmpi eq, %select_n3A_276, %get3A_279 : vector<1x32xi32>
    %convert_element_type3A_280 = arith.extui %eq3A : vector<1x32xi1> to vector<1x32xi32>
    %convert_element_type3A_281 = arith.sitofp %convert_element_type3A_280 : vector<1x32xi32> to vector<1x32xf32>
    %iota3A = tpu.iota {dimensions = array<i32: 1>} : vector<1x32xi32>
    %lt3A = arith.constant 2 : i32
    %lt3A_282 = vector.broadcast %lt3A : i32 to vector<1x32xi32>
    %lt3A_283 = arith.cmpi slt, %iota3A, %lt3A_282 : vector<1x32xi32>
    %jit3A_284 = arith.constant 0.000000e+00 : f32
    %broadcast_in_dim3A_285 = vector.broadcast %jit3A_284 : f32 to vector<1x32xf32>
    %select_n3A_286 = arith.select %lt3A_283, %convert_element_type3A_281, %broadcast_in_dim3A_285 : vector<1x32xi1>, vector<1x32xf32>
    %reduce_sum3A_287 = vector.shape_cast %select_n3A_286 : vector<1x32xf32> to vector<1x1x32xf32>
    %reduce_sum3A_288 = arith.constant dense<0.000000e+00> : vector<1xf32>
    %reduce_sum3A_289 = vector.multi_reduction <add>, %reduce_sum3A_287, %reduce_sum3A_288 [1, 2] : vector<1x1x32xf32> to vector<1xf32>
    %reduce_sum3A_290 = vector.shape_cast %reduce_sum3A_289 : vector<1xf32> to vector<1x1x1xf32>
    %reduce_sum3A_291 = vector.extract %reduce_sum3A_290[0, 0, 0] : f32 from vector<1x1x1xf32>
    %div3A_292 = arith.constant 2.000000e+00 : f32
    %div3A_293 = arith.divf %reduce_sum3A_291, %div3A_292 : f32
    %ge3A = arith.constant 2 : i32
    %ge3A_294 = vector.broadcast %ge3A : i32 to vector<1x32xi32>
    %ge3A_295 = arith.cmpi sge, %iota3A, %ge3A_294 : vector<1x32xi32>
    %jit3A_296 = arith.constant 0.000000e+00 : f32
    %broadcast_in_dim3A_297 = vector.broadcast %jit3A_296 : f32 to vector<1x32xf32>
    %select_n3A_298 = arith.select %ge3A_295, %convert_element_type3A_281, %broadcast_in_dim3A_297 : vector<1x32xi1>, vector<1x32xf32>
    %reduce_sum3A_299 = vector.shape_cast %select_n3A_298 : vector<1x32xf32> to vector<1x1x32xf32>
    %reduce_sum3A_300 = arith.constant dense<0.000000e+00> : vector<1xf32>
    %reduce_sum3A_301 = vector.multi_reduction <add>, %reduce_sum3A_299, %reduce_sum3A_300 [1, 2] : vector<1x1x32xf32> to vector<1xf32>
    %reduce_sum3A_302 = vector.shape_cast %reduce_sum3A_301 : vector<1xf32> to vector<1x1x1xf32>
    %reduce_sum3A_303 = vector.extract %reduce_sum3A_302[0, 0, 0] : f32 from vector<1x1x1xf32>
    %div3A_304 = arith.constant 3.000000e+01 : f32
    %div3A_305 = arith.divf %reduce_sum3A_303, %div3A_304 : f32
    %iota3A_306 = tpu.iota {dimensions = array<i32: 1>} : vector<1x8xi32>
    %eq3A_307 = arith.constant 0 : i32
    %eq3A_308 = vector.broadcast %eq3A_307 : i32 to vector<1x8xi32>
    %eq3A_309 = arith.cmpi eq, %iota3A_306, %eq3A_308 : vector<1x8xi32>
    %jit3A_310 = arith.constant 0.000000e+00 : f32
    %broadcast_in_dim3A_311 = vector.broadcast %select_n3A : f32 to vector<1x8xf32>
    %broadcast_in_dim3A_312 = vector.broadcast %jit3A_310 : f32 to vector<1x8xf32>
    %select_n3A_313 = arith.select %eq3A_309, %broadcast_in_dim3A_311, %broadcast_in_dim3A_312 : vector<1x8xi1>, vector<1x8xf32>
    %eq3A_314 = arith.constant 1 : i32
    %eq3A_315 = vector.broadcast %eq3A_314 : i32 to vector<1x8xi32>
    %eq3A_316 = arith.cmpi eq, %iota3A_306, %eq3A_315 : vector<1x8xi32>
    %jit3A_317 = arith.constant 0.000000e+00 : f32
    %broadcast_in_dim3A_318 = vector.broadcast %select_n3A_249 : f32 to vector<1x8xf32>
    %broadcast_in_dim3A_319 = vector.broadcast %jit3A_317 : f32 to vector<1x8xf32>
    %select_n3A_320 = arith.select %eq3A_316, %broadcast_in_dim3A_318, %broadcast_in_dim3A_319 : vector<1x8xi1>, vector<1x8xf32>
    %add3A_321 = arith.addf %select_n3A_313, %select_n3A_320 : vector<1x8xf32>
    %eq3A_322 = arith.constant 2 : i32
    %eq3A_323 = vector.broadcast %eq3A_322 : i32 to vector<1x8xi32>
    %eq3A_324 = arith.cmpi eq, %iota3A_306, %eq3A_323 : vector<1x8xi32>
    %jit3A_325 = arith.constant 0.000000e+00 : f32
    %broadcast_in_dim3A_326 = vector.broadcast %select_n3A_255 : f32 to vector<1x8xf32>
    %broadcast_in_dim3A_327 = vector.broadcast %jit3A_325 : f32 to vector<1x8xf32>
    %select_n3A_328 = arith.select %eq3A_324, %broadcast_in_dim3A_326, %broadcast_in_dim3A_327 : vector<1x8xi1>, vector<1x8xf32>
    %add3A_329 = arith.addf %add3A_321, %select_n3A_328 : vector<1x8xf32>
    %eq3A_330 = arith.constant 3 : i32
    %eq3A_331 = vector.broadcast %eq3A_330 : i32 to vector<1x8xi32>
    %eq3A_332 = arith.cmpi eq, %iota3A_306, %eq3A_331 : vector<1x8xi32>
    %jit3A_333 = arith.constant 0.000000e+00 : f32
    %broadcast_in_dim3A_334 = vector.broadcast %div3A_293 : f32 to vector<1x8xf32>
    %broadcast_in_dim3A_335 = vector.broadcast %jit3A_333 : f32 to vector<1x8xf32>
    %select_n3A_336 = arith.select %eq3A_332, %broadcast_in_dim3A_334, %broadcast_in_dim3A_335 : vector<1x8xi1>, vector<1x8xf32>
    %add3A_337 = arith.addf %add3A_329, %select_n3A_336 : vector<1x8xf32>
    %eq3A_338 = arith.constant 4 : i32
    %eq3A_339 = vector.broadcast %eq3A_338 : i32 to vector<1x8xi32>
    %eq3A_340 = arith.cmpi eq, %iota3A_306, %eq3A_339 : vector<1x8xi32>
    %jit3A_341 = arith.constant 0.000000e+00 : f32
    %broadcast_in_dim3A_342 = vector.broadcast %div3A_305 : f32 to vector<1x8xf32>
    %broadcast_in_dim3A_343 = vector.broadcast %jit3A_341 : f32 to vector<1x8xf32>
    %select_n3A_344 = arith.select %eq3A_340, %broadcast_in_dim3A_342, %broadcast_in_dim3A_343 : vector<1x8xi1>, vector<1x8xf32>
    %add3A_345 = arith.addf %add3A_337, %select_n3A_344 : vector<1x8xf32>
    %swap3A = arith.constant 0 : index
    %swap3A_346 = arith.constant 0 : index
    %swap3A_347 = vector.load %arg4[%swap3A, %swap3A_346] : memref<1x8xf32, #tpu.memory_space<vmem>>, vector<1x8xf32>
    tpu.vector_store %arg4[%swap3A, %swap3A_346], %add3A_345 {strides = array<i32>} : memref<1x8xf32, #tpu.memory_space<vmem>>, vector<1x8xf32>,
    return
  }
}

</mosaic_0001>

<sc_bundles>
// kernel: kernel.5.cloned.1.call-start
scs
__scs_entry_jumppad:
0x0: {  	(pc) =	sbr.rel $0x88, $3  }
0x1: {  	(tag) =	ssettag $0x0;
	lr =	simm.s32 $0x1  }
0x2: {  	[smem:$0x3F9D] =	sst lr;
	_ =	strace $0xD0000000  }
0x3: {  	_ = 	snop  }
0x4: {  	_ = 	snop  }
0x5: {  	_ = 	snop  }
0x6: {  	_ = 	snop  }
0x7: {  	_ = 	snop  }
__scs_overlays_trampoline_lowered:
0x8: {  	[smem:$0x3FAC] =	sst s0  }
0x9: {  	[smem:$0x3FAD] =	sst s1  }
0xa: {  	[smem:$0x3FAE] =	sst s2  }
0xb: {  	[smem:$0x3FAF] =	sst s3  }
0xc: {  	[smem:$0x3FB0] =	sst s4  }
0xd: {  	[smem:$0x3FB1] =	sst s5  }
0xe: {  	[smem:$0x3FB2] =	sst s6  }
0xf: {  	[smem:$0x3FB3] =	sst s7  }
0x10: {  	[smem:$0x3FB4] =	sst s8  }
0x11: {  	[smem:$0x3FB5] =	sst s9;
	s0 =	simm.s32 @!p0 $0x0  }
0x12: {  	s1 =	sld [smem:$0x3F9B];
	s0 =	simm.s32 @p0 $0x1  }
0x13: {  	[smem:$0x3FB6] =	sst s0;
	s0 =	simm.s32 @!p1 $0x0  }
0x14: {  	s2 =	sld [smem:$0x3F9A];
	s0 =	simm.s32 @p1 $0x1  }
0x15: {  	[smem:$0x3FB7] =	sst s0;
	s0 =	simm.s32 @!p2 $0x0  }
0x16: {  	s3 =	sld [smem:$0x3FDB];
	s0 =	simm.s32 @p2 $0x1  }
0x17: {  	s4 =	simm.s32 $0x1BF5;
	[smem:$0x3FB9] =	sst s0  }
0x18: {  	s0 =	sld [smem:$0x3F9C];
	_ =	swait.ge [sflag:s4], $0x0  }
0x19: {  	s7 =	sld [smem:$0x3F9D]  }
0x1a: {  	s8 =	sadd.s32 $0xFFFFE003, lr  }
0x1b: {  	s9 =	sadd.s32 $0xFFFFFEF7, lr;
	s5 =	simm.s32 $0xFFFFFFFF;
	p2 =	slt.u32 s8, $0xFFFFF086  }
0x1c: {  	p1 =	slt.u32 s9, $0xF7A;
	s5 =	simm.s32 @!p2 $0x0  }
0x1d: {  	s5 =	simm.s32 @p1 $0x1;
	p0 =	seq.s32 s7, s2  }
0x1e: {  	s7 =	smul.u32 @!p0 $0xF7A, s2;
	p2 =	seq.s32 @!p0 s5, $0x0  }
0x1f: {  	s9 =	smul.u32 $0xF7A, s1;
	s8 =	simm.s32 @!p0 $0x1BF5;
	p2 =	por !p2, p0  }
0x20: {  	[sflag:s8] =	ssyncset.s32 @!p0 $0xFFFFF086;
	s6 =	sadd.s32 @!p0 s3, s7;
	s7 =	simm.s32 @!p0 $0x108  }
0x21: {  	s3 =	sadd.s32 s3, s9;
	s6 =	sadd.s32 @!p0 $0x88, s6;
	s7 =	simm.s32 @p2 $0x1082  }
0x22: {  	[simem:s7], [sflag:s8] =	dma.local @!p0 [hbm:s6], $0xF7A  }
0x23: {  	s9 =	sor.u32 $0xD0000000, s2;
	s6 =	simm.s32 $0x108;
	_ =	swait.ge @!p0 [sflag:s8], $0x0  }
0x24: {  	s3 =	sadd.s32 $0x88, s3;
	s6 =	simm.s32 @!p1 $0x1082;
	[sflag:s4] =	ssyncset.s32 $0xFFFFF086  }
0x25: {  	[simem:s6], [sflag:s4] =	dma.local [hbm:s3], $0xF7A  }
0x26: {  	[smem:$0x3F9D] =	sst s1;
	(tag) =	ssettag s2;
	_ =	strace s9  }
0x27: {  	s1 =	sld [smem:$0x3FAD]  }
0x28: {  	s2 =	sld [smem:$0x3FAE]  }
0x29: {  	s4 =	sld [smem:$0x3FB0]  }
0x2a: {  	p0 =	seq.s32 s5, $0x0;
	s5 =	sld [smem:$0x3FB1]  }
0x2b: {  	s6 =	sld [smem:$0x3FB2]  }
0x2c: {  	s7 =	sld [smem:$0x3FB3]  }
0x2d: {  	s3 =	simm.s32 $0x108;
	s8 =	sld [smem:$0x3FB4]  }
0x2e: {  	s3 =	simm.s32 @!p0 $0x1082;
	s9 =	sld [smem:$0x3FB5]  }
0x2f: {  	lr =	sadd.s32 s0, s3;
	s0 =	sld [smem:$0x3FAC]  }
0x30: {  	s3 =	sld [smem:$0x3FAF]  }
0x31: {  	[smem:$0x3FB8] =	sst s10  }
0x32: {  	s10 =	sld [smem:$0x3FB6];
	_ =	sdelay $0x3  }
0x33: {  	p0 =	seq.s32 s10, $0x1;
	s10 =	sld [smem:$0x3FB8];
	_ =	sdelay $0x3  }
0x34: {  	[smem:$0x3FB8] =	sst s10  }
0x35: {  	s10 =	sld [smem:$0x3FB7];
	_ =	sdelay $0x3  }
0x36: {  	p1 =	seq.s32 s10, $0x1;
	s10 =	sld [smem:$0x3FB8];
	_ =	sdelay $0x3  }
0x37: {  	[smem:$0x3FB8] =	sst s10  }
0x38: {  	s10 =	sld [smem:$0x3FB9]  }
0x39: {  	_ = 	snop;
	(pc) =	sbr.ind lr, $3  }
0x3a: {  	_ = 	snop  }
0x3b: {  	_ = 	snop  }
0x3c: {  	p2 =	seq.s32 s10, $0x1;
	s10 =	sld [smem:$0x3FB8]  }
0x3d: {  	_ =	shalt  }
0x3e: {  	_ =	shalt  }
0x3f: {  	_ =	shalt  }
0x40: {  	_ =	shalt  }
0x41: {  	_ =	shalt  }
0x42: {  	_ =	shalt  }
0x43: {  	_ =	shalt  }
0x44: {  	_ =	shalt  }
0x45: {  	_ =	shalt  }
0x46: {  	_ =	shalt  }
0x47: {  	_ =	shalt  }
0x48: {  	_ =	shalt  }
0x49: {  	_ =	shalt  }
0x4a: {  	_ =	shalt  }
0x4b: {  	_ =	shalt  }
0x4c: {  	_ =	shalt  }
0x4d: {  	_ =	shalt  }
0x4e: {  	_ =	shalt  }
0x4f: {  	_ =	shalt  }
0x50: {  	_ =	shalt  }
0x51: {  	_ =	shalt  }
0x52: {  	_ =	shalt  }
0x53: {  	_ =	shalt  }
0x54: {  	_ =	shalt  }
0x55: {  	_ =	shalt  }
0x56: {  	_ =	shalt  }
0x57: {  	_ =	shalt  }
0x58: {  	_ =	shalt  }
0x59: {  	_ =	shalt  }
0x5a: {  	_ =	shalt  }
0x5b: {  	_ =	shalt  }
0x5c: {  	_ =	shalt  }
0x5d: {  	_ =	shalt  }
0x5e: {  	_ =	shalt  }
0x5f: {  	_ =	shalt  }
0x60: {  	_ =	shalt  }
0x61: {  	_ =	shalt  }
0x62: {  	_ =	shalt  }
0x63: {  	_ =	shalt  }
0x64: {  	_ =	shalt  }
0x65: {  	_ =	shalt  }
0x66: {  	_ =	shalt  }
0x67: {  	_ =	shalt  }
0x68: {  	_ =	shalt  }
0x69: {  	_ =	shalt  }
0x6a: {  	_ =	shalt  }
0x6b: {  	_ =	shalt  }
0x6c: {  	_ =	shalt  }
0x6d: {  	_ =	shalt  }
0x6e: {  	_ =	shalt  }
0x6f: {  	_ =	shalt  }
0x70: {  	_ =	shalt  }
0x71: {  	_ =	shalt  }
0x72: {  	_ =	shalt  }
0x73: {  	_ =	shalt  }
0x74: {  	_ =	shalt  }
0x75: {  	_ =	shalt  }
0x76: {  	_ =	shalt  }
0x77: {  	_ =	shalt  }
0x78: {  	_ =	shalt  }
0x79: {  	_ =	shalt  }
0x7a: {  	_ =	shalt  }
0x7b: {  	_ =	shalt  }
0x7c: {  	_ =	shalt  }
0x7d: {  	_ =	shalt  }
0x7e: {  	_ =	shalt  }
0x7f: {  	_ =	shalt  }
0x80: {  	_ =	shalt  }
0x81: {  	_ =	shalt  }
0x82: {  	_ =	shalt  }
0x83: {  	_ =	shalt  }
0x84: {  	_ =	shalt  }
0x85: {  	_ =	shalt  }
0x86: {  	_ =	shalt  }
0x87: {  	_ =	shalt  }
.Lfunc_end0:
.L_simem_size_0:
called_computation_lowered:
.L_overlay_start_0:
0x88: {  	s2 =	sld [smem:$0x3FD9]  }
0x89: {  	s3 =	sld [smem:$0x3FFE];
	_ =	sdelay $0x1  }
0x8a: {  	s1 =	srdreg.scid  }
0x8b: {  	s0 =	sand.u32 $0x1, s1  }
0x8c: {  	s17 =	sshll.u32 s0, $0xA;
	s2 =	sadd.s32 s3, s2  }
0x8d: {  	s2 =	sadd.s32 s2, s17  }
0x8e: {  	[smem:$0x3FC4] =	sst s2  }
0x8f: {  	_ = 	snop  }
0x90: {  	s2 =	sld [smem:$0x3FC9]  }
0x91: {  	s18 =	sld [smem:$0x3FC7];
	(tm) =	ssettm $0x1  }
0x92: {  	s4 =	sld [smem:$0x3FFB];
	_ =	sdelay $0x3  }
0x93: {  	_ =	strace s4  }
0x94: {  	s4 =	sld [smem:$0x3FFC];
	_ =	sdelay $0x3  }
0x95: {  	_ =	strace s4  }
0x96: {  	s4 =	sld [smem:$0x3FFD];
	_ =	sdelay $0x3  }
0x97: {  	_ =	strace s4  }
0x98: {  	_ =	strace $0x8FFFFFFF  }
0x99: {  	s19 =	sld [smem:$0x3FDB];
	_ =	sdelay $0x1  }
0x9a: {  	s5 =	simm.s32 $_scs_section_size  }
0x9b: {  	s6 =	simm.s32 $_size__tile_overlayer_lowered;
	s7 =	simm.s32 $_tile_overlayer_lowered  }
0x9c: {  	s22 =	simm.s32 $0x1BFF;
	s21 =	sshll.u32 s7, $0x1;
	s4 =	sadd.s32 s5, s19  }
0x9d: {  	s8 =	simm.s32 $0x0;
	s20 =	sshll.u32 s6, $0x1;
	s6 =	sadd.s32 s21, s4  }
0x9e: {  	[timem:s8], [sflag:s22] =	dma.local [hbm:s6], s20  }
0x9f: {  	_ =	swait.ge [sflag:s22], s20  }
0xa0: {  	s5 =	ssub.s32 $0x0, s20;
	[sflag:s22] =	ssyncset.done $0x0  }
0xa1: {  	[sflag:s22] =	ssyncadd.s32 s5;
	_ =	sdelay $0x1  }
0xa2: {  	s23 =	simm.s32 $0x1B8B  }
0xa3: {  	_ =	swait.ge [sflag:s23], $0x1  }
0xa4: {  	[sflag:s23] =	ssyncset.done $0x0  }
0xa5: {  	s25 =	simm.s32 $0x1B8E;
	s24 =	sld [smem:$0x3FFE];
	[sflag:s23] =	ssyncadd.s32 $0xFFFFFFFF  }
0xa6: {  	s26 =	simm.s32 $execute0_lowered;
	[smem:$0x3FD2] =	sst s25  }
0xa7: {  	s6 =	sshll.u32 s26, $0x1;
	_ =	strace $0x80000046;
	[dreg:$0x1] =	wrdreg $0xFFFFFFFF  }
0xa8: {  	s28 =	simm.s32 $_size_execute0_lowered;
	s4 =	sadd.s32 s4, s6;
	[dreg:$0x0] =	wrdreg $0x0  }
0xa9: {  	s6 =	sshll.u32 s28, $0x1;
	[dreg:$0x2] =	wrdreg s4  }
0xaa: {  	[dreg:$0x3] =	wrdreg s6  }
0xab: {  	[dreg:$0x4] =	wrdreg $0xC0  }
0xac: {  	_ =	task [dreg:s8], $0x5FFFF  }
0xad: {  	[dreg:$0x1] =	wrdreg $0xFFFFFFFF  }
0xae: {  	[dreg:$0x0] =	wrdreg $0x60  }
0xaf: {  	[dreg:$0x2] =	wrdreg s2  }
0xb0: {  	[dreg:$0x3] =	wrdreg s18  }
0xb1: {  	[dreg:$0x4] =	wrdreg s24  }
0xb2: {  	[dreg:$0x5] =	wrdreg $0x9  }
0xb3: {  	_ =	task.clear_ibuf [dreg:s8], $0x6FFFF;
	_ =	strace $0x90000046  }
0xb4: {  	s29 =	simm.s32 $0x9;
	_ =	strace $0x80000048  }
0xb5: {  	_ =	swait.ge [sflag:s29], $0x1  }
0xb6: {  	[sflag:s29] =	ssyncadd.s32 $0xFFFFFFFF  }
0xb7: {  	_ =	strace $0x90000048  }
0xb8: {  	_ =	sfence  }
0xb9: {  	s30 =	sld [smem:$0x0];
	_ =	sdelay $0x2  }
0xba: {  	s31 =	sshll.u32 s1, $0xD;
	s1 =	sshrl.u32 s1, $0x2  }
0xbb: {  	s3 =	sand.u32 $0x4000, s31;
	s1 =	sadd.s32 s1, s30  }
0xbc: {  	s0 =	sor.u32 s3, s0;
	s1 =	sshll.u32 s1, $0x11  }
0xbd: {  	s0 =	sor.u32 s1, s0  }
0xbe: {  	s0 =	sadd.s32 $0x8F2B, s0  }
0xbf: {  	[sflag:s0] =	ssyncadd.remote.s32 $0x1  }
0xc0: {  	_ =	sfence.sel $0xFFFF  }
0xc1: {  	[dreg:$0x0] =	wrdreg $0xFFFFFFFF;
	(pc) =	sbr.abs _section_cstart, $3  }
0xc2: {  	[dreg:$0x1] =	wrdreg $0xFFFFFFFF  }
0xc3: {  	_ =	task.clear_ibuf [dreg:s8], $0x2FFFF;
	_ =	strace $0x9FFFFFFF  }
0xc4: {  	(tm) =	ssettm $0x7FFFFFFF  }
0xc5: {  	_ =	shalt  }
tec
execute0_lowered:
.L_overlay_start_1:
0x0: {  	(tag) =	ssettag $0x1  }
0x1: {  	s0 =	rddreg [dreg:$0x0]  }
0x2: {  	s1 =	rddreg [dreg:$0x1];
	s2 =	srdreg.scid  }
0x3: {  	s6 =	stileid.u32;
	s3 =	rddreg [dreg:$0x2];
	s28 =	simm.s32 $0x12000  }
0x4: {  	s29 =	simm.s32 $0x14000;
	s30 =	simm.s32 $0x16000;
	s31 =	simm.s32 $0x18000  }
0x5: {  	s4 =	sand.u32 $0x1, s2;
	s5 =	sshll.u32 s6, $0x1;
	s2 =	simm.s32 $0x0  }
0x6: {  	s6 =	sshrl.u32 s6, $0x3;
	s5 =	sor.u32 s4, s5;
	[smem:$0x7FF] =	sst s2  }
0x7: {  	s8 =	smul.u32 $0x480000, s6;
	s4 =	ssub.s32 $0x2, s4;
	s7 =	sshll.u32 s5, $0xE  }
0x8: {  	_ =	strace $0x80000047;
	s5 =	sshll.u32 s5, $0x8;
	s19 =	sshrl.u32 s4, $0x1  }
0x9: {  	s7 =	sand.u32 $0x3C000, s7;
	s17 =	sadd.s32 s5, s3;
	s18 =	ssub.s32 s4, s19  }
0xa: {  	s11 =	sadd.s32 $0x120000, s8;
	s12 =	sadd.s32 $0x240000, s8;
	s13 =	sadd.s32 $0x360000, s8  }
0xb: {  	s16 =	sadd.s32 $0xE0000, s7;
	s15 =	sadd.s32 $0xE2000, s7;
	s17 =	sadd.s32 $0xA00, s17  }
0xc: {  	s18 =	smax.u32 s18, $0x1;
	s20 =	sadd.s32 s8, s16;
	s22 =	sadd.s32 s11, s16  }
0xd: {  	s23 =	sadd.s32 s12, s16;
	s6 =	sadd.s32 s13, s16;
	s16 =	sadd.s32 s8, s15  }
0xe: {  	s11 =	sadd.s32 s11, s15;
	s12 =	sadd.s32 s12, s15;
	s13 =	sadd.s32 s13, s15  }
0xf: {  	s21 =	sshrl.u32 s20, $0x3;
	s9 =	sshrl.u32 s22, $0x3;
	s10 =	sshrl.u32 s23, $0x3  }
0x10: {  	s14 =	sshrl.u32 s6, $0x3;
	s24 =	sshrl.u32 s16, $0x3;
	s25 =	sshrl.u32 s11, $0x3  }
0x11: {  	s26 =	sshrl.u32 s12, $0x3;
	s19 =	sshrl.u32 s13, $0x3;
	s20 =	simm.s32 $0x1C000  }
0x12: {  	s22 =	simm.s32 $0x0;
	s3 =	sadd.s32 s0, s21;
	s4 =	sadd.s32 s0, s9  }
0x13: {  	s5 =	sadd.s32 s0, s10;
	s6 =	sadd.s32 s0, s14;
	s7 =	sadd.s32 s1, s9  }
0x14: {  	s8 =	sadd.s32 s1, s10;
	s9 =	sadd.s32 s1, s14;
	s10 =	sadd.s32 s0, s24  }
0x15: {  	s11 =	sadd.s32 s0, s25;
	s12 =	sadd.s32 s0, s26;
	s13 =	sadd.s32 s0, s19  }
0x16: {  	s14 =	sadd.s32 s1, s25;
	s15 =	sadd.s32 s1, s26;
	s16 =	sadd.s32 s1, s19  }
0x17: {  	s25 =	simm.s32 $0xE000;
	s26 =	simm.s32 $0x10000;
	s1 =	simm.s32 $0x1A000  }
0x18: {  	v0 =	vimm.f32 $0.0e+00;
	s0 =	simm.s32 $0x1;
	s19 =	simm.s32 $0x2;
	s21 =	simm.s32 $0x3  }
.LBB2_1:
0x19: {  	[tilespmem:s2], [sflag:$0x1] =	stream.linear.gather [hbm4b:s3+s2], $0x2000, $0x38;
	[tilespmem:$0x1C800] =	vst v63  }
0x1a: {  	s23 =	simm.s32 $0x2000  }
0x1b: {  	[tilespmem:s23], [sflag:$0x1] =	stream.linear.gather [hbm4b:s4+s2], $0x2000, $0x38;
	[tilespmem:$0x1C800] =	vst v63  }
0x1c: {  	s24 =	simm.s32 $0x4000  }
0x1d: {  	[tilespmem:s24], [sflag:$0x1] =	stream.linear.gather [hbm4b:s5+s2], $0x2000, $0x38;
	[tilespmem:$0x1C800] =	vst v63  }
0x1e: {  	s24 =	simm.s32 $0x6000  }
0x1f: {  	[tilespmem:s24], [sflag:$0x1] =	stream.linear.gather [hbm4b:s6+s2], $0x2000, $0x38;
	[tilespmem:$0x1C800] =	vst v63  }
0x20: {  	s24 =	simm.s32 $0x8000  }
0x21: {  	[tilespmem:s24], [sflag:$0x1] =	stream.linear.gather [hbm4b:s7+s2], $0x2000, $0x38;
	[tilespmem:$0x1C800] =	vst v63  }
0x22: {  	s24 =	simm.s32 $0xA000  }
0x23: {  	[tilespmem:s24], [sflag:$0x1] =	stream.linear.gather [hbm4b:s8+s2], $0x2000, $0x38;
	[tilespmem:$0x1C800] =	vst v63  }
0x24: {  	s24 =	simm.s32 $0xC000  }
0x25: {  	[tilespmem:s24], [sflag:$0x1] =	stream.linear.gather [hbm4b:s9+s2], $0x2000, $0x38;
	[tilespmem:$0x1C800] =	vst v63  }
0x26: {  	_ = 	snop  }
0x27: {  	[tilespmem:s25], [sflag:$0x2] =	stream.linear.gather [hbm4b:s10+s2], $0x2000, $0x38;
	[tilespmem:$0x1C800] =	vst v63  }
0x28: {  	_ = 	snop  }
0x29: {  	[tilespmem:s26], [sflag:$0x2] =	stream.linear.gather [hbm4b:s11+s2], $0x2000, $0x38;
	[tilespmem:$0x1C800] =	vst v63  }
0x2a: {  	_ = 	snop  }
0x2b: {  	[tilespmem:s28], [sflag:$0x2] =	stream.linear.gather [hbm4b:s12+s2], $0x2000, $0x38;
	[tilespmem:$0x1C800] =	vst v63  }
0x2c: {  	_ = 	snop  }
0x2d: {  	[tilespmem:s29], [sflag:$0x2] =	stream.linear.gather [hbm4b:s13+s2], $0x2000, $0x38;
	[tilespmem:$0x1C800] =	vst v63  }
0x2e: {  	_ = 	snop  }
0x2f: {  	[tilespmem:s30], [sflag:$0x2] =	stream.linear.gather [hbm4b:s14+s2], $0x2000, $0x38;
	[tilespmem:$0x1C800] =	vst v63  }
0x30: {  	_ = 	snop  }
0x31: {  	[tilespmem:s31], [sflag:$0x2] =	stream.linear.gather [hbm4b:s15+s2], $0x2000, $0x38;
	[tilespmem:$0x1C800] =	vst v63  }
0x32: {  	_ = 	snop  }
0x33: {  	[tilespmem:s1], [sflag:$0x2] =	stream.linear.gather [hbm4b:s16+s2], $0x2000, $0x38;
	[tilespmem:$0x1C800] =	vst v63  }
0x34: {  	_ =	swait.ge [sflag:s0], $0x2000  }
0x35: {  	[sflag:s0] =	ssyncset.done $0x0  }
0x36: {  	[sflag:s0] =	ssyncadd.s32 $0xFFFFE000  }
0x37: {  	_ =	swait.ge [sflag:s0], $0x2000  }
0x38: {  	[sflag:s0] =	ssyncset.done $0x0  }
0x39: {  	[sflag:s0] =	ssyncadd.s32 $0xFFFFE000  }
0x3a: {  	_ =	swait.ge [sflag:s0], $0x2000  }
0x3b: {  	[sflag:s0] =	ssyncset.done $0x0  }
0x3c: {  	[sflag:s0] =	ssyncadd.s32 $0xFFFFE000  }
0x3d: {  	_ =	swait.ge [sflag:s0], $0x2000  }
0x3e: {  	[sflag:s0] =	ssyncset.done $0x0  }
0x3f: {  	[sflag:s0] =	ssyncadd.s32 $0xFFFFE000  }
0x40: {  	_ =	swait.ge [sflag:s0], $0x2000  }
0x41: {  	[sflag:s0] =	ssyncset.done $0x0  }
0x42: {  	[sflag:s0] =	ssyncadd.s32 $0xFFFFE000  }
0x43: {  	_ =	swait.ge [sflag:s0], $0x2000  }
0x44: {  	[sflag:s0] =	ssyncset.done $0x0  }
0x45: {  	[sflag:s0] =	ssyncadd.s32 $0xFFFFE000  }
0x46: {  	_ =	swait.ge [sflag:s0], $0x2000  }
0x47: {  	[sflag:s0] =	ssyncset.done $0x0  }
0x48: {  	s24 =	simm.s32 $0x0;
	[sflag:s0] =	ssyncadd.s32 $0xFFFFE000  }
0x49: {  	v1 =	vld [tilespmem:s24+$0x50]  }
0x4a: {  	v2 =	vld [tilespmem:s24+$0x2050]  }
0x4b: {  	v3 =	vld [tilespmem:s24+$0x4050]  }
0x4c: {  	v4 =	vld [tilespmem:s24+$0x6050]  }
0x4d: {  	v5 =	vld [tilespmem:s24+$0x40]  }
0x4e: {  	v6 =	vld [tilespmem:s24+$0x2040]  }
0x4f: {  	v7 =	vld [tilespmem:s24+$0x4040]  }
0x50: {  	v8 =	vld [tilespmem:s24+$0x6040]  }
0x51: {  	v9 =	vld [tilespmem:s24+$0x30]  }
0x52: {  	v14 =	vimm.s32 $0x0;
	v10 =	vld [tilespmem:s24+$0x2030];
	vm0 =	vge.f32 v2, v3;
	vm2 =	vgt.f32 v4, v1  }
0x53: {  	v11 =	vld [tilespmem:s24+$0x4030];
	vm1 =	vge.f32 v2, v4;
	vm14 =	vgt.f32 v3, v1;
	v14 =	vsel vm2, $0xFFFFFFFF, v14  }
0x54: {  	v12 =	vld [tilespmem:s24+$0x6030];
	vm15 =	vgt.f32 v3, v2;
	vm0 =	vmand vm0, vm1;
	[tilespmem:$0x1FEE0] =	vst v14;
	v14 =	vimm.s32 $0x0  }
0x55: {  	v16 =	vimm.s32 $0x0;
	v13 =	vld [tilespmem:s24+$0x20];
	v14 =	vsel vm0, $0xFFFFFFFF, v14;
	vm0 =	vmand vm14, vm15  }
0x56: {  	v15 =	vld [tilespmem:s24+$0x2020];
	v16 =	vsel vm0, $0xFFFFFFFF, v16  }
0x57: {  	v25 =	vimm.s32 $0x0;
	[tilespmem:$0x1FF00] =	vst v16;
	v16 =	vld [tilespmem:$0x1FEE0]  }
0x58: {  	v17 =	vld [tilespmem:s24+$0x4020];
	vm5 =	vgt.f32 v4, v2;
	vm6 =	vge.f32 v6, v7;
	vm7 =	vge.f32 v6, v8  }
0x59: {  	v18 =	vld [tilespmem:s24+$0x6020];
	vm10 =	vgt.f32 v7, v5;
	vm11 =	vgt.f32 v7, v6;
	vm12 =	vgt.f32 v8, v5  }
0x5a: {  	vm13 =	vgt.f32 v8, v6;
	vm3 =	vge.f32 v10, v12;
	vm9 =	vgt.f32 v11, v9  }
0x5b: {  	v19 =	vld [tilespmem:s24+$0x2010];
	vm8 =	vgt.f32 v11, v10;
	vm4 =	vgt.f32 v12, v9;
	vm2 =	vge.f32 v10, v11  }
0x5c: {  	v20 =	vld [tilespmem:s24+$0x4010];
	vm6 =	vmand vm6, vm7;
	vm7 =	vgt.f32 v12, v10;
	vm0 =	vnez.u8 v16  }
0x5d: {  	vm1 =	vgt.f32 v17, v13;
	v16 =	vimm.s32 $0x0;
	vm0 =	vmand vm0, vm5  }
0x5e: {  	v22 =	vld [tilespmem:s24+$0x6010];
	vm14 =	vge.f32 v15, v17;
	vm5 =	vge.f32 v15, v18;
	v16 =	vsel vm0, $0xFFFFFFFF, v16  }
0x5f: {  	v23 =	vld [tilespmem:s24+$0x4000];
	vm0 =	vmand vm2, vm3;
	vm2 =	vmand vm10, vm11;
	[tilespmem:$0x1FF10] =	vst v16;
	v16 =	vimm.s32 $0x0  }
0x60: {  	[tilespmem:$0x1FEF0] =	vst v14;
	v14 =	vld [tilespmem:s24+$0x2000];
	vm11 =	vgt.f32 v17, v15;
	vm3 =	vmand vm14, vm5;
	v16 =	vsel vm0, $0xFFFFFFFF, v16  }
0x61: {  	v21 =	vld [tilespmem:s24+$0x10];
	vm5 =	vge.f32 v19, v20;
	vm0 =	vmand vm12, vm13;
	[tilespmem:$0x1FF30] =	vst v16;
	v16 =	vimm.s32 $0x0  }
0x62: {  	vm1 =	vmand vm1, vm11;
	vm12 =	vmand vm9, vm8;
	v16 =	vsel vm0, $0xFFFFFFFF, v16  }
0x63: {  	v24 =	vld [tilespmem:s24+$0x6000];
	vm8 =	vge.f32 v19, v22;
	vm0 =	vgt.f32 v18, v13;
	[tilespmem:$0x1FF20] =	vst v16;
	v16 =	vimm.s32 $0x0  }
0x64: {  	v16 =	vsel vm3, $0xFFFFFFFF, v16;
	vm3 =	vmand vm4, vm7;
	vm4 =	vgt.f32 v18, v15  }
0x65: {  	vm7 =	vge.f32 v14, v23;
	[tilespmem:$0x1FF50] =	vst v16;
	v16 =	vld [tilespmem:s24+$0x0];
	v25 =	vsel vm3, $0xFFFFFFFF, v25;
	vm3 =	vmand vm5, vm8  }
0x66: {  	vm14 =	vmand vm0, vm4;
	vm0 =	vgt.f32 v20, v21;
	vm4 =	vgt.f32 v20, v19  }
0x67: {  	[tilespmem:$0x1FF40] =	vst v25;
	v25 =	vimm.s32 $0x0;
	vm5 =	vmand vm0, vm4;
	vm0 =	vgt.f32 v22, v21  }
0x68: {  	vm4 =	vgt.f32 v22, v19;
	v25 =	vsel vm1, $0xFFFFFFFF, v25;
	vm1 =	vge.f32 v14, v24  }
0x69: {  	vm0 =	vmand vm0, vm4;
	vm4 =	vgt.f32 v23, v14;
	[tilespmem:$0x1FF60] =	vst v25;
	v25 =	vimm.s32 $0x0  }
0x6a: {  	vm1 =	vmand vm7, vm1;
	v25 =	vsel vm0, $0xFFFFFFFF, v25;
	vm0 =	vgt.f32 v23, v16  }
0x6b: {  	vm7 =	vmand vm0, vm4;
	vm0 =	vgt.f32 v24, v16;
	vm4 =	vgt.f32 v24, v14  }
0x6c: {  	[tilespmem:$0x1FF70] =	vst v25;
	v25 =	vimm.s32 $0x0;
	vm0 =	vmand vm0, vm4  }
0x6d: {  	v25 =	vsel vm0, $0xFFFFFFFF, v25;
	vm0 =	vgt.f32 v2, v1;
	v1 =	vld [tilespmem:$0x1FEF0];
	_ =	sdelay $0x1  }
0x6e: {  	v2 =	vld [tilespmem:$0x1FF00];
	_ =	sdelay $0x2  }
0x6f: {  	vm4 =	vnez.u8 v1  }
0x70: {  	v1 =	vimm.s32 $0x0;
	vm0 =	vmand vm4, vm0  }
0x71: {  	vm4 =	vnez.u8 v2;
	v1 =	vsel vm0, $0xFFFFFFFF, v1;
	vm0 =	vge.f32 v3, v4  }
0x72: {  	v2 =	vimm.s32 $0x0;
	vm0 =	vmand vm4, vm0  }
0x73: {  	v2 =	vsel vm0, $0xFFFFFFFF, v2;
	vm0 =	vgt.f32 v4, v3;
	v3 =	vld [tilespmem:$0x1FF10];
	_ =	sdelay $0x1  }
0x74: {  	v4 =	vld [tilespmem:$0x1FF20];
	_ =	sdelay $0x2  }
0x75: {  	vm4 =	vnez.u8 v3  }
0x76: {  	vm13 =	vmand vm0, vm4;
	vm0 =	vge.f32 v7, v8  }
0x77: {  	vm10 =	vmand vm2, vm0;
	vm0 =	vgt.f32 v8, v7;
	vm2 =	vnez.u8 v4  }
0x78: {  	v4 =	vimm.s32 $0x0;
	vm0 =	vmand vm0, vm2  }
0x79: {  	v4 =	vsel vm0, $0xFFFFFFFF, v4  }
0x7a: {  	[tilespmem:$0x1FFB0] =	vst v4;
	v4 =	vld [tilespmem:$0x1FF30]  }
0x7b: {  	vm8 =	vgt.f32 v6, v5;
	v5 =	vld [tilespmem:$0x1FF40]  }
0x7c: {  	v6 =	vld [tilespmem:$0x1FF50]  }
0x7d: {  	vm15 =	vmand vm6, vm8;
	vm6 =	vgt.f32 v14, v16  }
0x7e: {  	vm9 =	vmand vm1, vm6  }
0x7f: {  	vm1 =	vgt.f32 v10, v9;
	vm2 =	vgt.f32 v12, v11;
	vm0 =	vnez.u8 v4  }
0x80: {  	vm4 =	vmand vm0, vm1;
	vm0 =	vge.f32 v11, v12;
	vm1 =	vnez.u8 v5  }
0x81: {  	vm11 =	vmand vm12, vm0;
	vm12 =	vmand vm2, vm1;
	vm1 =	vnez.u8 v6;
	v6 =	vld [tilespmem:$0x1FF60];
	_ =	sdelay $0x2  }
0x82: {  	v14 =	vld [tilespmem:s24+$0x8000];
	vm0 =	vgt.f32 v19, v21  }
0x83: {  	vm2 =	vgt.f32 v15, v13;
	vm0 =	vmand vm3, vm0  }
0x84: {  	v16 =	vld [tilespmem:s24+$0x8010];
	vm1 =	vmand vm1, vm2;
	vm2 =	vge.f32 v17, v18;
	vm3 =	vnez.u8 v6  }
0x85: {  	v6 =	vimm.s32 $0x0;
	vm2 =	vmand vm3, vm2  }
0x86: {  	v6 =	vsel vm2, $0xFFFFFFFF, v6  }
0x87: {  	[tilespmem:$0x1FFF0] =	vst v6;
	v6 =	vnsel vm9, $0x0, v14  }
0x88: {  	v6 =	vadd.f32 v6, v0  }
0x89: {  	v9 =	vnsel vm0, $0x0, v16  }
0x8a: {  	v6 =	vadd.f32 v9, v6;
	v9 =	vld [tilespmem:$0x1FF70];
	_ =	sdelay $0x2  }
0x8b: {  	v8 =	vld [tilespmem:s24+$0x8030]  }
0x8c: {  	[tilespmem:$0x1FF80] =	vst v1;
	v4 =	vld [tilespmem:s24+$0x8040]  }
0x8d: {  	vm3 =	vnez.u8 v9;
	v9 =	vld [tilespmem:$0x1FF80]  }
0x8e: {  	[tilespmem:$0x1FFA0] =	vst v2;
	v5 =	vld [tilespmem:s24+$0xA040]  }
0x8f: {  	vm6 =	vge.f32 v20, v22;
	v11 =	vld [tilespmem:$0x1FFA0]  }
0x90: {  	v15 =	vld [tilespmem:s24+$0x8020];
	vm2 =	vmand vm5, vm6;
	vm5 =	vgt.f32 v18, v17;
	vm6 =	vge.f32 v23, v24  }
0x91: {  	[tilespmem:$0x1FF90] =	vst v25;
	v13 =	vld [tilespmem:s24+$0xA030];
	vm14 =	vmand vm5, vm14;
	vm5 =	vmand vm7, vm6;
	vm6 =	vgt.f32 v22, v20  }
0x92: {  	vm8 =	vmand vm6, vm3;
	vm6 =	vnez.u8 v9;
	v9 =	vld [tilespmem:$0x1FF90]  }
0x93: {  	v10 =	vsel vm9, $0x3F800000, v0;
	v19 =	vld [tilespmem:s24+$0xA010]  }
0x94: {  	v10 =	vadd.f32 v10, v0;
	v2 =	vld [tilespmem:s24+$0xA050];
	v12 =	vsel vm0, $0x3F800000, v0  }
0x95: {  	v3 =	vld [tilespmem:s24+$0xC050];
	v26 =	vsel vm1, $0x3F800000, v0;
	v29 =	vnsel vm15, $0x0, v4;
	v30 =	vnsel vm10, $0x0, v5  }
0x96: {  	v33 =	vnsel vm11, $0x0, v13;
	v18 =	vld [tilespmem:$0x1FFB0];
	vm7 =	vgt.f32 v24, v23;
	vm9 =	vnez.u8 v11  }
0x97: {  	v17 =	vld [tilespmem:s24+$0xC030];
	v20 =	vnsel vm4, $0x0, v8;
	vm3 =	vnez.u8 v9;
	v9 =	vnsel vm1, $0x0, v15  }
0x98: {  	v21 =	vld [tilespmem:s24+$0xA000];
	v27 =	vnsel vm2, $0x0, v19;
	v37 =	vsel vm2, $0x3F800000, v0;
	v6 =	vadd.f32 v9, v6  }
0x99: {  	v7 =	vld [tilespmem:s24+$0xC040];
	v24 =	vimm.s32 $0x0;
	v11 =	vsel vm5, $0x3F800000, v0;
	v25 =	vnsel vm9, $0x0, v2  }
0x9a: {  	v1 =	vld [tilespmem:s24+$0x8050];
	v24 =	vsel vm13, $0xFFFFFFFF, v24;
	vm9 =	vmmov vm12;
	v6 =	vadd.f32 v20, v6  }
0x9b: {  	v23 =	vld [tilespmem:s24+$0xC000];
	[tilespmem:$0x1FFE0] =	vst v24;
	v24 =	vnsel vm13, $0x0, v3;
	v11 =	vadd.f32 v11, v0;
	vm0 =	vnez.u8 v18  }
0x9c: {  	v18 =	vimm.s32 $0x0;
	v32 =	vnsel vm12, $0x0, v17;
	v6 =	vadd.f32 v29, v6;
	v29 =	vld [tilespmem:$0x1FFF0]  }
0x9d: {  	v22 =	vld [tilespmem:s24+$0xC010];
	v18 =	vsel vm4, $0xFFFFFFFF, v18;
	v9 =	vnsel vm5, $0x0, v21;
	v20 =	vimm.s32 $0x0  }
0x9e: {  	v31 =	vnsel vm0, $0x0, v7;
	[tilespmem:$0x1FFC0] =	vst v18;
	v18 =	vld [tilespmem:s24+$0xA020];
	v9 =	vadd.f32 v9, v0;
	v20 =	vsel vm15, $0xFFFFFFFF, v20  }
0x9f: {  	vm2 =	vmmov vm8;
	v28 =	vnsel vm6, $0x0, v1;
	vm3 =	vmand vm7, vm3;
	[tilespmem:$0x1FFD0] =	vst v20;
	v20 =	vld [tilespmem:s24+$0xC020]  }
0xa0: {  	vm5 =	vmmov vm11;
	vm15 =	vmmov vm10;
	v36 =	vadd.f32 v27, v9  }
0xa1: {  	v27 =	vadd.f32 v37, v11;
	vm4 =	vnez.u8 v29;
	v29 =	vnsel vm3, $0x0, v23  }
0xa2: {  	vm10 =	vmmov vm0;
	v6 =	vadd.f32 v28, v6;
	v28 =	vadd.f32 v29, v0  }
0xa3: {  	v9 =	vimm.f32 $0.0e+00;
	v11 =	vimm.f32 $0.0e+00;
	v29 =	vnsel vm8, $0x0, v22  }
0xa4: {  	v35 =	vnsel vm14, $0x0, v20;
	v34 =	vnsel vm4, $0x0, v18;
	v29 =	vadd.f32 v29, v28  }
0xa5: {  	s23 =	simm.s32 $0x200;
	v28 =	vadd.f32 v12, v10;
	v12 =	vimm.f32 $0.0e+00;
	v10 =	vimm.f32 $0.0e+00  }
.LBB2_2:
0xa6: {  	_ = 	snop  }
0xa7: {  	v26 =	vadd.f32 v26, v28;
	v28 =	vld [tilespmem:$0x1FFC0];
	_ =	sdelay $0x4  }
0xa8: {  	vm0 =	vnez.u8 v28  }
0xa9: {  	v28 =	vsel vm0, $0x3F800000, v0  }
0xaa: {  	v26 =	vadd.f32 v28, v26;
	v28 =	vld [tilespmem:$0x1FFD0]  }
0xab: {  	v34 =	vadd.f32 v34, v36;
	v9 =	vadd.f32 v14, v9  }
0xac: {  	v52 =	vsel vm4, $0x3F800000, v0;
	v11 =	vadd.f32 v21, v11;
	v10 =	vadd.f32 v23, v10  }
0xad: {  	v29 =	vadd.f32 v35, v29;
	v27 =	vadd.f32 v52, v27  }
0xae: {  	v54 =	vsel vm5, $0x3F800000, v0;
	v33 =	vadd.f32 v33, v34;
	v9 =	vadd.f32 v16, v9  }
0xaf: {  	v11 =	vadd.f32 v19, v11;
	v29 =	vadd.f32 v32, v29;
	vm0 =	vnez.u8 v28  }
0xb0: {  	v10 =	vadd.f32 v22, v10;
	v27 =	vadd.f32 v54, v27;
	v28 =	vsel vm0, $0x3F800000, v0  }
0xb1: {  	s24 =	sshra.s32 s23, $0x2;
	v21 =	vsel vm2, $0x3F800000, v0;
	v29 =	vadd.f32 v31, v29;
	v28 =	vadd.f32 v28, v26;
	v26 =	vld [tilespmem:$0x1FF80]  }
0xb2: {  	v53 =	vld [tilespmem:s24+$0x50];
	v9 =	vadd.f32 v15, v9;
	v11 =	vadd.f32 v18, v11;
	v31 =	vsel vm15, $0x3F800000, v0  }
0xb3: {  	v19 =	vsel vm14, $0x3F800000, v0;
	v31 =	vadd.f32 v31, v27;
	v27 =	vadd.f32 v24, v29;
	v24 =	vld [tilespmem:$0x1FFA0]  }
0xb4: {  	v55 =	vld [tilespmem:s24+$0x2050];
	v22 =	vimm.s32 $0x0;
	v30 =	vadd.f32 v30, v33;
	v10 =	vadd.f32 v20, v10  }
0xb5: {  	v56 =	vld [tilespmem:s24+$0x4050];
	v18 =	vsel vm9, $0x3F800000, v0;
	v8 =	vadd.f32 v8, v9;
	v9 =	vadd.f32 v13, v11  }
0xb6: {  	v57 =	vld [tilespmem:s24+$0x6050];
	vm0 =	vnez.u8 v26;
	v26 =	vadd.f32 v25, v30;
	v25 =	vsel vm3, $0x3F800000, v0  }
0xb7: {  	v14 =	vld [tilespmem:s24+$0x40];
	v10 =	vadd.f32 v17, v10;
	v11 =	vsel vm10, $0x3F800000, v0;
	v12 =	vadd.f32 v25, v12  }
0xb8: {  	v23 =	vld [tilespmem:s24+$0x2040];
	v5 =	vadd.f32 v5, v9;
	v58 =	vsel vm0, $0x3F800000, v0;
	vm0 =	vnez.u8 v24  }
0xb9: {  	v7 =	vadd.f32 v7, v10;
	v9 =	vld [tilespmem:$0x1FFE0];
	v24 =	vsel vm0, $0x3F800000, v0;
	v12 =	vadd.f32 v21, v12  }
0xba: {  	v16 =	vld [tilespmem:s24+$0x4040];
	vm0 =	vgt.f32 v55, v53;
	v29 =	vadd.f32 v24, v31;
	v24 =	vimm.s32 $0x0  }
0xbb: {  	v4 =	vadd.f32 v4, v8;
	v21 =	vld [tilespmem:s24+$0x6040];
	v24 =	vsel vm0, $0xFFFFFFFF, v24;
	v12 =	vadd.f32 v19, v12  }
0xbc: {  	v10 =	vadd.f32 v3, v7;
	vm0 =	vge.f32 v56, v57;
	[tilespmem:$0x1FD20] =	vst v24;
	v24 =	vimm.s32 $0x0  }
0xbd: {  	v24 =	vsel vm0, $0xFFFFFFFF, v24;
	vm0 =	vgt.f32 v57, v56;
	v12 =	vadd.f32 v18, v12  }
0xbe: {  	v3 =	vimm.s32 $0x0;
	v22 =	vsel vm0, $0xFFFFFFFF, v22;
	vm0 =	vnez.u8 v9  }
0xbf: {  	v9 =	vsel vm0, $0x3F800000, v0;
	vm0 =	vgt.f32 v23, v14;
	v11 =	vadd.f32 v11, v12  }
0xc0: {  	v3 =	vsel vm0, $0xFFFFFFFF, v3;
	vm0 =	vge.f32 v16, v21  }
0xc1: {  	v12 =	vadd.f32 v9, v11;
	v9 =	vadd.f32 v1, v4;
	v4 =	vimm.s32 $0x0  }
0xc2: {  	v4 =	vsel vm0, $0xFFFFFFFF, v4  }
0xc3: {  	v15 =	vld [tilespmem:s24+$0x30];
	v11 =	vadd.f32 v2, v5;
	vm0 =	vgt.f32 v21, v16;
	[tilespmem:$0x1FD70] =	vst v4;
	v4 =	vimm.s32 $0x0  }
0xc4: {  	v19 =	vld [tilespmem:s24+$0x2030];
	v5 =	vimm.s32 $0x0;
	v4 =	vsel vm0, $0xFFFFFFFF, v4;
	vm0 =	vge.f32 v23, v21  }
0xc5: {  	v5 =	vsel vm0, $0xFFFFFFFF, v5  }
0xc6: {  	vm0 =	vgt.f32 v16, v14;
	[tilespmem:$0x1FBE0] =	vst v5;
	v5 =	vimm.s32 $0x0  }
0xc7: {  	v5 =	vsel vm0, $0xFFFFFFFF, v5  }
0xc8: {  	vm0 =	vgt.f32 v16, v23;
	[tilespmem:$0x1FC00] =	vst v5;
	v5 =	vimm.s32 $0x0  }
0xc9: {  	v7 =	vimm.s32 $0x0;
	v18 =	vld [tilespmem:s24+$0x4030];
	v5 =	vsel vm0, $0xFFFFFFFF, v5;
	vm0 =	vgt.f32 v19, v15  }
0xca: {  	v7 =	vsel vm0, $0xFFFFFFFF, v7  }
0xcb: {  	v13 =	vld [tilespmem:s24+$0x6030];
	vm0 =	vgt.f32 v21, v14;
	[tilespmem:$0x1FD90] =	vst v7;
	v7 =	vimm.s32 $0x0  }
0xcc: {  	v7 =	vsel vm0, $0xFFFFFFFF, v7  }
0xcd: {  	vm0 =	vgt.f32 v21, v23;
	[tilespmem:$0x1FC20] =	vst v7;
	v7 =	vimm.s32 $0x0  }
0xce: {  	v14 =	vimm.s32 $0x0;
	v7 =	vsel vm0, $0xFFFFFFFF, v7;
	vm0 =	vge.f32 v19, v18  }
0xcf: {  	v14 =	vsel vm0, $0xFFFFFFFF, v14  }
0xd0: {  	v17 =	vld [tilespmem:s24+$0x2020];
	vm0 =	vge.f32 v18, v13;
	[tilespmem:$0x1FBF0] =	vst v14;
	v14 =	vimm.s32 $0x0  }
0xd1: {  	v8 =	vld [tilespmem:s24+$0x20];
	v14 =	vsel vm0, $0xFFFFFFFF, v14  }
0xd2: {  	vm11 =	vge.f32 v23, v16;
	vm0 =	vgt.f32 v13, v18;
	[tilespmem:$0x1FDB0] =	vst v14;
	v14 =	vimm.s32 $0x0  }
0xd3: {  	v16 =	vimm.s32 $0x0;
	v14 =	vsel vm0, $0xFFFFFFFF, v14;
	vm0 =	vgt.f32 v18, v15  }
0xd4: {  	v1 =	vld [tilespmem:s24+$0x4020];
	v16 =	vsel vm0, $0xFFFFFFFF, v16  }
0xd5: {  	vm6 =	vge.f32 v19, v13;
	vm0 =	vgt.f32 v18, v19;
	[tilespmem:$0x1FC50] =	vst v16;
	v16 =	vimm.s32 $0x0  }
0xd6: {  	v2 =	vld [tilespmem:s24+$0x6020];
	v18 =	vimm.s32 $0x0;
	v16 =	vsel vm0, $0xFFFFFFFF, v16;
	vm0 =	vgt.f32 v17, v8  }
0xd7: {  	v18 =	vsel vm0, $0xFFFFFFFF, v18;
	vm0 =	vgt.f32 v13, v15;
	v15 =	vimm.s32 $0x0  }
0xd8: {  	v15 =	vsel vm0, $0xFFFFFFFF, v15;
	vm0 =	vgt.f32 v13, v19;
	v13 =	vimm.s32 $0x0  }
0xd9: {  	[tilespmem:$0x1FC70] =	vst v15;
	v13 =	vsel vm0, $0xFFFFFFFF, v13;
	vm0 =	vge.f32 v17, v1;
	v15 =	vimm.s32 $0x0  }
0xda: {  	[tilespmem:$0x1FD30] =	vst v3;
	v15 =	vsel vm0, $0xFFFFFFFF, v15  }
0xdb: {  	v3 =	vld [tilespmem:s24+$0x10];
	vm0 =	vge.f32 v1, v2;
	[tilespmem:$0x1FC40] =	vst v15;
	v15 =	vimm.s32 $0x0  }
0xdc: {  	[tilespmem:$0x1FD80] =	vst v4;
	v4 =	vld [tilespmem:s24+$0x2010];
	v15 =	vsel vm0, $0xFFFFFFFF, v15  }
0xdd: {  	vm0 =	vgt.f32 v2, v1;
	[tilespmem:$0x1FE10] =	vst v15;
	v15 =	vimm.s32 $0x0  }
0xde: {  	[tilespmem:$0x1FDF0] =	vst v18;
	v18 =	vimm.s32 $0x0;
	v15 =	vsel vm0, $0xFFFFFFFF, v15;
	vm0 =	vgt.f32 v1, v8  }
0xdf: {  	v18 =	vsel vm0, $0xFFFFFFFF, v18;
	vm0 =	vgt.f32 v1, v17;
	v1 =	vimm.s32 $0x0  }
0xe0: {  	v1 =	vsel vm0, $0xFFFFFFFF, v1  }
0xe1: {  	vm0 =	vgt.f32 v4, v3;
	[tilespmem:$0x1FCB0] =	vst v1;
	v1 =	vimm.s32 $0x0  }
0xe2: {  	[tilespmem:$0x1FC10] =	vst v5;
	v5 =	vld [tilespmem:s24+$0x4010];
	v1 =	vsel vm0, $0xFFFFFFFF, v1  }
0xe3: {  	vm0 =	vgt.f32 v2, v8;
	[tilespmem:$0x1FDC0] =	vst v1;
	v1 =	vimm.s32 $0x0  }
0xe4: {  	[tilespmem:$0x1FC30] =	vst v7;
	v7 =	vld [tilespmem:s24+$0x6010];
	v1 =	vsel vm0, $0xFFFFFFFF, v1  }
0xe5: {  	vm0 =	vgt.f32 v2, v17;
	[tilespmem:$0x1FCC0] =	vst v1;
	v1 =	vimm.s32 $0x0  }
0xe6: {  	v1 =	vsel vm0, $0xFFFFFFFF, v1  }
0xe7: {  	vm0 =	vge.f32 v4, v5;
	[tilespmem:$0x1FCD0] =	vst v1;
	v1 =	vimm.s32 $0x0  }
0xe8: {  	v1 =	vsel vm0, $0xFFFFFFFF, v1  }
0xe9: {  	vm0 =	vge.f32 v5, v7;
	[tilespmem:$0x1FC90] =	vst v1;
	v1 =	vimm.s32 $0x0  }
0xea: {  	[tilespmem:$0x1FDD0] =	vst v14;
	v1 =	vsel vm0, $0xFFFFFFFF, v1  }
0xeb: {  	vm0 =	vgt.f32 v7, v5;
	[tilespmem:$0x1FE30] =	vst v1;
	v1 =	vimm.s32 $0x0  }
0xec: {  	v14 =	vld [tilespmem:s24+$0x0];
	[tilespmem:$0x1FC60] =	vst v16;
	v1 =	vsel vm0, $0xFFFFFFFF, v1  }
0xed: {  	v16 =	vld [tilespmem:s24+$0x2000];
	vm0 =	vgt.f32 v5, v3;
	[tilespmem:$0x1FE80] =	vst v1;
	v1 =	vimm.s32 $0x0  }
0xee: {  	v1 =	vsel vm0, $0xFFFFFFFF, v1;
	vm0 =	vgt.f32 v5, v4;
	v5 =	vld [tilespmem:$0x1FBE0];
	_ =	sdelay $0x1  }
0xef: {  	[tilespmem:$0x1FCE0] =	vst v1;
	v1 =	vimm.s32 $0x0  }
0xf0: {  	vm2 =	vge.f32 v55, v56;
	v1 =	vsel vm0, $0xFFFFFFFF, v1  }
0xf1: {  	vm3 =	vge.f32 v55, v57;
	vm0 =	vgt.f32 v16, v14;
	[tilespmem:$0x1FCF0] =	vst v1;
	v1 =	vimm.s32 $0x0  }
0xf2: {  	vm2 =	vmand vm2, vm3;
	v1 =	vsel vm0, $0xFFFFFFFF, v1;
	vm3 =	vnez.u8 v5;
	v5 =	vld [tilespmem:$0x1FBF0]  }
0xf3: {  	vm0 =	vgt.f32 v7, v3;
	[tilespmem:$0x1FD60] =	vst v1;
	v1 =	vimm.s32 $0x0  }
0xf4: {  	vm14 =	vge.f32 v4, v7;
	v1 =	vsel vm0, $0xFFFFFFFF, v1;
	vm0 =	vgt.f32 v7, v4;
	v7 =	vld [tilespmem:$0x1FC00]  }
0xf5: {  	vm4 =	vgt.f32 v56, v53  }
0xf6: {  	vm5 =	vgt.f32 v56, v55;
	vm7 =	vgt.f32 v57, v53;
	vm10 =	vgt.f32 v57, v55  }
0xf7: {  	vm4 =	vmand vm4, vm5;
	vm5 =	vmand vm7, vm10;
	vm7 =	vnez.u8 v5  }
0xf8: {  	v5 =	vimm.s32 $0x0;
	vm6 =	vmand vm7, vm6  }
0xf9: {  	v5 =	vsel vm6, $0xFFFFFFFF, v5;
	vm6 =	vnez.u8 v7;
	v7 =	vld [tilespmem:$0x1FC10];
	_ =	sdelay $0x4  }
0xfa: {  	vm7 =	vnez.u8 v7;
	v7 =	vld [tilespmem:$0x1FC20];
	_ =	sdelay $0x4  }
0xfb: {  	vm6 =	vmand vm6, vm7;
	vm7 =	vnez.u8 v7;
	v7 =	vld [tilespmem:$0x1FC30];
	_ =	sdelay $0x4  }
0xfc: {  	vm10 =	vnez.u8 v7;
	v7 =	vld [tilespmem:$0x1FC40];
	_ =	sdelay $0x4  }
0xfd: {  	vm8 =	vge.f32 v17, v2;
	vm7 =	vmand vm7, vm10;
	vm10 =	vnez.u8 v7  }
0xfe: {  	v7 =	vimm.s32 $0x0;
	vm8 =	vmand vm10, vm8  }
0xff: {  	v7 =	vsel vm8, $0xFFFFFFFF, v7  }
0x100: {  	[tilespmem:$0x1FE00] =	vst v7;
	v7 =	vld [tilespmem:$0x1FC50];
	_ =	sdelay $0x4  }
0x101: {  	vm8 =	vnez.u8 v7;
	v7 =	vld [tilespmem:$0x1FC60];
	_ =	sdelay $0x4  }
0x102: {  	vm10 =	vnez.u8 v7;
	v7 =	vld [tilespmem:$0x1FC70];
	_ =	sdelay $0x3  }
0x103: {  	[tilespmem:$0x1FC80] =	vst v13  }
0x104: {  	vm10 =	vmand vm8, vm10;
	vm8 =	vnez.u8 v7;
	v7 =	vld [tilespmem:$0x1FC80];
	_ =	sdelay $0x1  }
0x105: {  	v8 =	vld [tilespmem:$0x1FC90];
	_ =	sdelay $0x2  }
0x106: {  	vm3 =	vmand vm11, vm3;
	vm11 =	vnez.u8 v7  }
0x107: {  	[tilespmem:$0x1FCA0] =	vst v18;
	v7 =	vimm.s32 $0x0;
	vm8 =	vmand vm8, vm11  }
0x108: {  	v7 =	vsel vm8, $0xFFFFFFFF, v7;
	vm8 =	vnez.u8 v8;
	v8 =	vld [tilespmem:$0x1FCA0];
	_ =	sdelay $0x4  }
0x109: {  	vm11 =	vmand vm8, vm14;
	vm8 =	vnez.u8 v8;
	v8 =	vld [tilespmem:$0x1FCB0];
	_ =	sdelay $0x4  }
0x10a: {  	vm14 =	vnez.u8 v8  }
0x10b: {  	v8 =	vimm.s32 $0x0;
	vm8 =	vmand vm8, vm14  }
0x10c: {  	v8 =	vsel vm8, $0xFFFFFFFF, v8  }
0x10d: {  	[tilespmem:$0x1FE20] =	vst v8;
	v8 =	vld [tilespmem:$0x1FCC0];
	_ =	sdelay $0x4  }
0x10e: {  	vm8 =	vnez.u8 v8;
	v8 =	vld [tilespmem:$0x1FCD0];
	_ =	sdelay $0x4  }
0x10f: {  	vm14 =	vnez.u8 v8  }
0x110: {  	v8 =	vimm.s32 $0x0;
	vm8 =	vmand vm8, vm14  }
0x111: {  	v13 =	vld [tilespmem:s24+$0x4000];
	v8 =	vsel vm8, $0xFFFFFFFF, v8  }
0x112: {  	[tilespmem:$0x1FE50] =	vst v8;
	v8 =	vld [tilespmem:$0x1FCE0]  }
0x113: {  	[tilespmem:$0x1FE40] =	vst v15;
	v15 =	vld [tilespmem:s24+$0x6000];
	_ =	sdelay $0x2  }
0x114: {  	[tilespmem:$0x1FD00] =	vst v1;
	v1 =	vimm.s32 $0x0  }
0x115: {  	v1 =	vsel vm0, $0xFFFFFFFF, v1;
	vm8 =	vnez.u8 v8;
	v8 =	vld [tilespmem:$0x1FCF0]  }
0x116: {  	vm0 =	vge.f32 v13, v15;
	[tilespmem:$0x1FD10] =	vst v1;
	v1 =	vimm.s32 $0x0  }
0x117: {  	v1 =	vsel vm0, $0xFFFFFFFF, v1  }
0x118: {  	vm0 =	vgt.f32 v15, v13;
	[tilespmem:$0x1FE60] =	vst v1;
	v1 =	vimm.s32 $0x0  }
0x119: {  	vm13 =	vge.f32 v16, v13;
	v1 =	vsel vm0, $0xFFFFFFFF, v1;
	vm0 =	vge.f32 v16, v15  }
0x11a: {  	vm0 =	vmand vm13, vm0;
	vm13 =	vnez.u8 v8;
	v8 =	vld [tilespmem:$0x1FD00];
	_ =	sdelay $0x4  }
0x11b: {  	vm13 =	vmand vm8, vm13;
	vm8 =	vnez.u8 v8;
	v8 =	vld [tilespmem:$0x1FD10];
	_ =	sdelay $0x4  }
0x11c: {  	vm12 =	vgt.f32 v13, v14;
	vm14 =	vnez.u8 v8  }
0x11d: {  	vm15 =	vgt.f32 v13, v16;
	v8 =	vimm.s32 $0x0;
	vm8 =	vmand vm8, vm14  }
0x11e: {  	v13 =	vimm.s32 $0x0;
	v8 =	vsel vm8, $0xFFFFFFFF, v8;
	vm8 =	vmand vm12, vm15  }
0x11f: {  	vm9 =	vgt.f32 v15, v14;
	vm1 =	vgt.f32 v15, v16;
	v13 =	vsel vm8, $0xFFFFFFFF, v13  }
0x120: {  	vm1 =	vmand vm9, vm1;
	[tilespmem:$0x1FE70] =	vst v13;
	v13 =	vimm.s32 $0x0  }
0x121: {  	v13 =	vsel vm1, $0xFFFFFFFF, v13  }
0x122: {  	[tilespmem:$0x1FEB0] =	vst v13;
	v13 =	vld [tilespmem:$0x1FD20]  }
0x123: {  	v15 =	vld [tilespmem:$0x1FD30];
	_ =	sdelay $0x3  }
0x124: {  	[tilespmem:$0x1FD40] =	vst v24;
	vm1 =	vnez.u8 v13  }
0x125: {  	vm1 =	vmand vm2, vm1;
	vm2 =	vnez.u8 v15;
	v15 =	vld [tilespmem:$0x1FD40];
	_ =	sdelay $0x4  }
0x126: {  	vm15 =	vmand vm3, vm2;
	vm2 =	vnez.u8 v15  }
0x127: {  	v15 =	vimm.s32 $0x0;
	vm2 =	vmand vm4, vm2  }
0x128: {  	[tilespmem:$0x1FD50] =	vst v22;
	v15 =	vsel vm2, $0xFFFFFFFF, v15  }
0x129: {  	[tilespmem:$0x1FFA0] =	vst v15;
	v15 =	vld [tilespmem:$0x1FD50];
	_ =	sdelay $0x4  }
0x12a: {  	vm2 =	vnez.u8 v15;
	v15 =	vld [tilespmem:$0x1FD60]  }
0x12b: {  	v17 =	vld [tilespmem:$0x1FD70];
	_ =	sdelay $0x3  }
0x12c: {  	vm9 =	vmand vm2, vm5;
	vm2 =	vnez.u8 v15  }
0x12d: {  	vm3 =	vmand vm0, vm2;
	vm0 =	vnez.u8 v17;
	v17 =	vld [tilespmem:$0x1FD80]  }
0x12e: {  	v19 =	vld [tilespmem:$0x1FD90];
	_ =	sdelay $0x3  }
0x12f: {  	[tilespmem:$0x1FDA0] =	vst v5;
	vm5 =	vmand vm6, vm0;
	vm0 =	vnez.u8 v17  }
0x130: {  	vm8 =	vmand vm0, vm7;
	vm0 =	vnez.u8 v19;
	v19 =	vld [tilespmem:$0x1FDA0];
	_ =	sdelay $0x4  }
0x131: {  	vm2 =	vmmov vm1;
	vm1 =	vnez.u8 v19;
	v19 =	vld [tilespmem:$0x1FDB0]  }
0x132: {  	v14 =	vld [tilespmem:s24+$0x8000];
	_ =	sdelay $0x3  }
0x133: {  	vm0 =	vmand vm1, vm0;
	vm1 =	vnez.u8 v19  }
0x134: {  	v18 =	vnsel vm3, $0x0, v14;
	v19 =	vimm.s32 $0x0;
	vm1 =	vmand vm10, vm1  }
0x135: {  	v6 =	vadd.f32 v18, v6;
	v18 =	vld [tilespmem:$0x1FDC0];
	v19 =	vsel vm1, $0xFFFFFFFF, v19  }
0x136: {  	[tilespmem:$0x1FEC0] =	vst v19;
	v19 =	vld [tilespmem:$0x1FDD0];
	_ =	sdelay $0x3  }
0x137: {  	[tilespmem:$0x1FDE0] =	vst v7;
	vm1 =	vnez.u8 v18  }
0x138: {  	vm11 =	vmand vm11, vm1;
	vm1 =	vnez.u8 v19;
	v19 =	vld [tilespmem:$0x1FDE0];
	_ =	sdelay $0x3  }
0x139: {  	v15 =	vimm.s32 $0x0  }
0x13a: {  	v15 =	vsel vm3, $0xFFFFFFFF, v15;
	vm3 =	vnez.u8 v19;
	v19 =	vld [tilespmem:$0x1FDF0];
	_ =	sdelay $0x4  }
0x13b: {  	vm10 =	vmand vm1, vm3;
	vm1 =	vnez.u8 v19;
	v19 =	vld [tilespmem:$0x1FE00];
	_ =	sdelay $0x4  }
0x13c: {  	vm3 =	vnez.u8 v19;
	v19 =	vld [tilespmem:$0x1FE10]  }
0x13d: {  	v16 =	vld [tilespmem:s24+$0x8010];
	_ =	sdelay $0x3  }
0x13e: {  	vm12 =	vmand vm3, vm1;
	vm1 =	vnez.u8 v19;
	v19 =	vld [tilespmem:$0x1FE20]  }
0x13f: {  	v22 =	vld [tilespmem:$0x1FE30];
	v21 =	vnsel vm11, $0x0, v16  }
0x140: {  	v6 =	vadd.f32 v21, v6;
	v21 =	vld [tilespmem:$0x1FE40];
	_ =	sdelay $0x2  }
0x141: {  	vm3 =	vnez.u8 v19  }
0x142: {  	vm4 =	vmand vm3, vm1;
	vm1 =	vnez.u8 v22  }
0x143: {  	vm13 =	vmand vm13, vm1;
	vm1 =	vnez.u8 v21;
	v21 =	vld [tilespmem:$0x1FE50];
	_ =	sdelay $0x4  }
0x144: {  	vm3 =	vnez.u8 v21;
	v21 =	vld [tilespmem:$0x1FE60];
	_ =	sdelay $0x4  }
0x145: {  	vm14 =	vmand vm1, vm3;
	vm1 =	vnez.u8 v21;
	v21 =	vld [tilespmem:$0x1FE70]  }
0x146: {  	v20 =	vld [tilespmem:s24+$0xC020]  }
0x147: {  	v4 =	vld [tilespmem:s24+$0x8040]  }
0x148: {  	[tilespmem:$0x1FEA0] =	vst v1;
	v1 =	vld [tilespmem:s24+$0x8050]  }
0x149: {  	v5 =	vld [tilespmem:s24+$0xA040]  }
0x14a: {  	vm3 =	vnez.u8 v21;
	v21 =	vld [tilespmem:$0x1FE80]  }
0x14b: {  	v24 =	vld [tilespmem:$0x1FEA0]  }
0x14c: {  	v7 =	vld [tilespmem:s24+$0xC040]  }
0x14d: {  	[tilespmem:$0x1FE90] =	vst v8;
	v8 =	vld [tilespmem:s24+$0x8030]  }
0x14e: {  	[tilespmem:$0x1FED0] =	vst v15;
	v15 =	vld [tilespmem:s24+$0x8020]  }
0x14f: {  	vm7 =	vmand vm3, vm1;
	vm1 =	vnez.u8 v21;
	v21 =	vld [tilespmem:$0x1FE90]  }
0x150: {  	v13 =	vld [tilespmem:s24+$0xA030]  }
0x151: {  	v17 =	vld [tilespmem:s24+$0xC030]  }
0x152: {  	v18 =	vld [tilespmem:s24+$0xA020]  }
0x153: {  	v28 =	vadd.f32 v58, v28;
	v37 =	vnsel vm15, $0x0, v4;
	v31 =	vld [tilespmem:$0x1FEC0];
	v23 =	vnsel vm12, $0x0, v15  }
0x154: {  	v59 =	vnsel vm2, $0x0, v1;
	v6 =	vadd.f32 v23, v6;
	v19 =	vld [tilespmem:s24+$0xA010];
	vm3 =	vnez.u8 v21  }
0x155: {  	v30 =	vnsel vm0, $0x0, v8;
	vm6 =	vmand vm1, vm3;
	vm1 =	vnez.u8 v24;
	v24 =	vld [tilespmem:$0x1FEB0]  }
0x156: {  	v63 =	vsel vm11, $0x3F800000, v0;
	v23 =	vimm.s32 $0x0;
	v6 =	vadd.f32 v30, v6;
	v21 =	vld [tilespmem:s24+$0xA000]  }
0x157: {  	v2 =	vld [tilespmem:s24+$0xA050];
	v32 =	vnsel vm10, $0x0, v17;
	v23 =	vsel vm2, $0xFFFFFFFF, v23;
	v30 =	vimm.s32 $0x0  }
0x158: {  	[tilespmem:$0x1FF80] =	vst v23;
	v23 =	vld [tilespmem:s24+$0xC000];
	v30 =	vsel vm15, $0xFFFFFFFF, v30;
	vm15 =	vmmov vm5;
	v6 =	vadd.f32 v37, v6  }
0x159: {  	[tilespmem:$0x1FFD0] =	vst v30;
	v30 =	vnsel vm5, $0x0, v5;
	vm5 =	vnez.u8 v31;
	v31 =	vnsel vm8, $0x0, v7;
	v22 =	vld [tilespmem:s24+$0xC010]  }
0x15a: {  	v33 =	vnsel vm5, $0x0, v13;
	v6 =	vadd.f32 v59, v6;
	vm3 =	vnez.u8 v24;
	v24 =	vld [tilespmem:$0x1FFA0]  }
0x15b: {  	v41 =	vld [tilespmem:$0x1FED0];
	v34 =	vnsel vm4, $0x0, v18;
	v38 =	vnsel vm13, $0x0, v19;
	v60 =	vnsel vm7, $0x0, v21  }
0x15c: {  	v35 =	vnsel vm14, $0x0, v20;
	v61 =	vsel vm7, $0x3F800000, v0;
	v26 =	vadd.f32 v60, v26  }
0x15d: {  	v62 =	vadd.f32 v61, v29;
	vm2 =	vmmov vm6;
	vm3 =	vmand vm1, vm3  }
0x15e: {  	v3 =	vld [tilespmem:s24+$0xC050];
	v39 =	vnsel vm6, $0x0, v22;
	v40 =	vnsel vm3, $0x0, v23;
	v36 =	vadd.f32 v38, v26  }
0x15f: {  	p0 =	sne.s32 s23, $0x7E00;
	v27 =	vadd.f32 v40, v27;
	vm1 =	vnez.u8 v24;
	v24 =	vimm.s32 $0x0  }
.Ltmp0:
0x160: {  	v24 =	vsel vm0, $0xFFFFFFFF, v24;
	v25 =	vnsel vm1, $0x0, v2;
	vm1 =	vnez.u8 v41;
	(pc) =	sbr.rel @p0 .LBB2_2-.Ltmp0, $4  }
0x161: {  	v26 =	vsel vm13, $0x3F800000, v0;
	[tilespmem:$0x1FFC0] =	vst v24;
	v24 =	vimm.s32 $0x0;
	v41 =	vsel vm1, $0x3F800000, v0  }
0x162: {  	v29 =	vadd.f32 v39, v27;
	v24 =	vsel vm9, $0xFFFFFFFF, v24;
	v28 =	vadd.f32 v41, v28  }
0x163: {  	v27 =	vadd.f32 v26, v62;
	v26 =	vsel vm12, $0x3F800000, v0;
	[tilespmem:$0x1FFE0] =	vst v24;
	v24 =	vnsel vm9, $0x0, v3  }
0x164: {  	s23 =	sadd.s32 $0x200, s23;
	vm9 =	vmmov vm10;
	vm10 =	vmmov vm8;
	v28 =	vadd.f32 v63, v28  }
0x165: {  	_ =	swait.ge [sflag:s19], $0x2000  }
0x166: {  	[sflag:s19] =	ssyncset.done $0x0  }
0x167: {  	[sflag:s19] =	ssyncadd.s32 $0xFFFFE000  }
0x168: {  	_ =	swait.ge [sflag:s19], $0x2000  }
0x169: {  	[sflag:s19] =	ssyncset.done $0x0  }
0x16a: {  	[sflag:s19] =	ssyncadd.s32 $0xFFFFE000  }
0x16b: {  	_ =	swait.ge [sflag:s19], $0x2000  }
0x16c: {  	[sflag:s19] =	ssyncset.done $0x0  }
0x16d: {  	[sflag:s19] =	ssyncadd.s32 $0xFFFFE000  }
0x16e: {  	_ =	swait.ge [sflag:s19], $0x2000  }
0x16f: {  	[sflag:s19] =	ssyncset.done $0x0  }
0x170: {  	[sflag:s19] =	ssyncadd.s32 $0xFFFFE000  }
0x171: {  	_ =	swait.ge [sflag:s19], $0x2000  }
0x172: {  	[sflag:s19] =	ssyncset.done $0x0  }
0x173: {  	[sflag:s19] =	ssyncadd.s32 $0xFFFFE000  }
0x174: {  	_ =	swait.ge [sflag:s19], $0x2000  }
0x175: {  	[sflag:s19] =	ssyncset.done $0x0  }
0x176: {  	[sflag:s19] =	ssyncadd.s32 $0xFFFFE000  }
0x177: {  	_ =	swait.ge [sflag:s19], $0x2000  }
0x178: {  	[sflag:s19] =	ssyncset.done $0x0  }
0x179: {  	s23 =	simm.s32 $0x0;
	[sflag:s19] =	ssyncadd.s32 $0xFFFFE000  }
0x17a: {  	v38 =	vld [tilespmem:s23+$0x10050]  }
0x17b: {  	v39 =	vld [tilespmem:s23+$0x12050]  }
0x17c: {  	v40 =	vld [tilespmem:s23+$0x14050]  }
0x17d: {  	v42 =	vld [tilespmem:s23+$0x10040]  }
0x17e: {  	v43 =	vld [tilespmem:s23+$0x12040]  }
0x17f: {  	v44 =	vld [tilespmem:s23+$0x14040]  }
0x180: {  	v50 =	vimm.s32 $0x0;
	v46 =	vld [tilespmem:s23+$0x10030]  }
0x181: {  	v60 =	vimm.s32 $0x0;
	v50 =	vsel vm10, $0xFFFFFFFF, v50;
	v47 =	vld [tilespmem:s23+$0x12030]  }
0x182: {  	v52 =	vimm.s32 $0x0;
	[tilespmem:$0x1FFB0] =	vst v50;
	v50 =	vsel vm4, $0xFFFFFFFF, v60;
	v48 =	vld [tilespmem:s23+$0x14030]  }
0x183: {  	v52 =	vsel vm3, $0xFFFFFFFF, v52;
	[tilespmem:$0x1FFF0] =	vst v50;
	v50 =	vld [tilespmem:s23+$0x10020]  }
0x184: {  	[tilespmem:$0x1FB20] =	vst v52;
	v52 =	vld [tilespmem:s23+$0x14020]  }
0x185: {  	v51 =	vimm.s32 $0x0;
	v55 =	vimm.s32 $0x0;
	v61 =	vimm.s32 $0x0;
	v37 =	vld [tilespmem:s23+$0xE050]  }
0x186: {  	v58 =	vimm.s32 $0x0;
	v62 =	vimm.s32 $0x0;
	v63 =	vimm.s32 $0x0  }
0x187: {  	v51 =	vsel vm2, $0xFFFFFFFF, v51;
	v60 =	vimm.s32 $0x0;
	vm0 =	vge.f32 v38, v39  }
0x188: {  	v41 =	vld [tilespmem:s23+$0xE040];
	vm2 =	vge.f32 v38, v40;
	vm3 =	vge.f32 v42, v43;
	vm4 =	vge.f32 v42, v44  }
0x189: {  	vm5 =	vge.f32 v46, v47;
	vm6 =	vge.f32 v46, v48;
	vm12 =	vge.f32 v50, v52  }
0x18a: {  	[tilespmem:$0x1FB30] =	vst v51;
	v51 =	vld [tilespmem:s23+$0x12020];
	vm8 =	vmand vm0, vm2;
	vm11 =	vmand vm3, vm4;
	vm0 =	vgt.f32 v39, v37  }
0x18b: {  	v49 =	vld [tilespmem:s23+$0xE020];
	vm2 =	vgt.f32 v39, v38;
	vm3 =	vgt.f32 v40, v37;
	vm4 =	vgt.f32 v40, v38  }
0x18c: {  	v45 =	vld [tilespmem:s23+$0xE030];
	vm13 =	vmand vm0, vm2;
	vm0 =	vmand vm3, vm4;
	vm2 =	vgt.f32 v43, v42  }
0x18d: {  	vm3 =	vgt.f32 v44, v41;
	v55 =	vsel vm0, $0xFFFFFFFF, v55;
	vm0 =	vmand vm5, vm6  }
0x18e: {  	vm4 =	vgt.f32 v44, v42;
	[tilespmem:$0x1FAB0] =	vst v55;
	v55 =	vsel vm0, $0xFFFFFFFF, v61;
	vm0 =	vgt.f32 v43, v41  }
0x18f: {  	v53 =	vld [tilespmem:s23+$0x10010];
	vm6 =	vge.f32 v50, v51;
	v61 =	vimm.s32 $0x0;
	vm0 =	vmand vm0, vm2  }
0x190: {  	v54 =	vld [tilespmem:s23+$0x12010];
	vm5 =	vgt.f32 v52, v49;
	[tilespmem:$0x1FAE0] =	vst v55;
	v61 =	vsel vm9, $0xFFFFFFFF, v61;
	v58 =	vsel vm0, $0xFFFFFFFF, v58  }
0x191: {  	v56 =	vld [tilespmem:s23+$0x10000];
	vm0 =	vmand vm3, vm4;
	vm4 =	vgt.f32 v47, v45;
	vm3 =	vgt.f32 v47, v46;
	[tilespmem:$0x1FB40] =	vst v61  }
0x192: {  	v55 =	vld [tilespmem:s23+$0x14010];
	[tilespmem:$0x1FAC0] =	vst v58;
	v58 =	vsel vm0, $0xFFFFFFFF, v62;
	vm0 =	vmand vm6, vm12;
	vm1 =	vmand vm4, vm3  }
0x193: {  	v59 =	vld [tilespmem:s23+$0xE010];
	vm6 =	vgt.f32 v48, v45;
	vm12 =	vgt.f32 v48, v46;
	[tilespmem:$0x1FAD0] =	vst v58;
	v60 =	vsel vm1, $0xFFFFFFFF, v60  }
0x194: {  	v57 =	vld [tilespmem:s23+$0x12000];
	v58 =	vsel vm0, $0xFFFFFFFF, v63;
	vm1 =	vmand vm6, vm12;
	[tilespmem:$0x1FAF0] =	vst v60;
	v60 =	vimm.s32 $0x0  }
0x195: {  	v61 =	vimm.s32 $0x0;
	vm4 =	vgt.f32 v51, v50;
	[tilespmem:$0x1FB10] =	vst v58;
	v58 =	vld [tilespmem:s23+$0x14000];
	v60 =	vsel vm1, $0xFFFFFFFF, v60  }
0x196: {  	vm3 =	vgt.f32 v52, v50;
	vm0 =	vge.f32 v53, v54;
	vm6 =	vgt.f32 v51, v49;
	[tilespmem:$0x1FB00] =	vst v60;
	v60 =	vld [tilespmem:s23+$0xE000]  }
0x197: {  	vm10 =	vmand vm6, vm4;
	vm2 =	vge.f32 v53, v55;
	vm1 =	vmand vm5, vm3  }
0x198: {  	vm5 =	vgt.f32 v55, v59;
	vm6 =	vgt.f32 v55, v53;
	v61 =	vsel vm1, $0xFFFFFFFF, v61  }
0x199: {  	vm12 =	vmand vm0, vm2;
	vm1 =	vmand vm5, vm6;
	[tilespmem:$0x1FB50] =	vst v61;
	v61 =	vimm.s32 $0x0  }
0x19a: {  	vm2 =	vge.f32 v56, v57;
	v61 =	vsel vm1, $0xFFFFFFFF, v61;
	vm0 =	vge.f32 v56, v58  }
0x19b: {  	vm7 =	vmand vm2, vm0;
	vm0 =	vgt.f32 v57, v56;
	vm2 =	vgt.f32 v57, v60  }
0x19c: {  	[tilespmem:$0x1FB70] =	vst v61;
	v61 =	vimm.s32 $0x0;
	vm0 =	vmand vm2, vm0  }
0x19d: {  	v61 =	vsel vm0, $0xFFFFFFFF, v61  }
0x19e: {  	vm4 =	vgt.f32 v54, v59;
	vm3 =	vgt.f32 v54, v53;
	[tilespmem:$0x1FB60] =	vst v61;
	v61 =	vld [tilespmem:$0x1FAB0]  }
0x19f: {  	vm3 =	vmand vm4, vm3;
	vm0 =	vgt.f32 v38, v37  }
0x1a0: {  	vm4 =	vgt.f32 v58, v56;
	vm8 =	vmand vm8, vm0;
	vm0 =	vgt.f32 v42, v41  }
0x1a1: {  	vm2 =	vgt.f32 v58, v60;
	vm1 =	vmand vm11, vm0;
	vm0 =	vge.f32 v39, v40  }
0x1a2: {  	v63 =	vld [tilespmem:$0x1FAC0];
	vm6 =	vmand vm2, vm4;
	v42 =	vimm.s32 $0x0;
	vm0 =	vmand vm13, vm0  }
0x1a3: {  	vm2 =	vgt.f32 v40, v39;
	v40 =	vld [tilespmem:$0x1FAD0];
	v37 =	vsel vm0, $0xFFFFFFFF, v42;
	vm0 =	vnez.u8 v61  }
0x1a4: {  	v62 =	vimm.s32 $0x0;
	v41 =	vld [tilespmem:$0x1FAE0];
	vm0 =	vmand vm2, vm0  }
0x1a5: {  	[tilespmem:$0x1FBD0] =	vst v37;
	v37 =	vsel vm0, $0xFFFFFFFF, v62;
	vm0 =	vgt.f32 v56, v60  }
0x1a6: {  	vm2 =	vgt.f32 v44, v43;
	vm11 =	vmand vm7, vm0;
	vm0 =	vge.f32 v43, v44;
	v43 =	vld [tilespmem:$0x1FAF0]  }
0x1a7: {  	vm4 =	vnez.u8 v63;
	v44 =	vld [tilespmem:$0x1FB00]  }
0x1a8: {  	v42 =	vimm.s32 $0x0;
	vm9 =	vmand vm4, vm0;
	vm0 =	vnez.u8 v40  }
0x1a9: {  	vm13 =	vmand vm2, vm0;
	vm0 =	vgt.f32 v46, v45;
	vm2 =	vnez.u8 v41;
	v45 =	vld [tilespmem:$0x1FB10]  }
0x1aa: {  	vm4 =	vge.f32 v47, v48;
	vm0 =	vmand vm2, vm0;
	vm2 =	vgt.f32 v53, v59  }
0x1ab: {  	[tilespmem:$0x1FB90] =	vst v37;
	v37 =	vsel vm0, $0xFFFFFFFF, v42;
	vm5 =	vmand vm12, vm2;
	vm0 =	vnez.u8 v43  }
0x1ac: {  	vm2 =	vgt.f32 v48, v47;
	v48 =	vld [tilespmem:$0x1FFF0];
	vm7 =	vmand vm0, vm4;
	vm0 =	vnez.u8 v44  }
0x1ad: {  	vm12 =	vmand vm2, vm0;
	vm2 =	vgt.f32 v50, v49;
	v49 =	vld [tilespmem:$0x1FFC0]  }
0x1ae: {  	vm0 =	vnez.u8 v45;
	v50 =	vld [tilespmem:$0x1FEC0]  }
0x1af: {  	v46 =	vimm.s32 $0x0;
	v53 =	vld [tilespmem:$0x1FFD0];
	vm4 =	vge.f32 v51, v52;
	vm0 =	vmand vm0, vm2  }
0x1b0: {  	v59 =	vld [tilespmem:$0x1FF80];
	v47 =	vimm.s32 $0x0;
	[tilespmem:$0x1FB80] =	vst v37;
	v37 =	vsel vm0, $0xFFFFFFFF, v46;
	vm0 =	vmand vm10, vm4  }
0x1b1: {  	v60 =	vld [tilespmem:$0x1FFA0];
	[tilespmem:$0x1FBA0] =	vst v37;
	v37 =	vsel vm0, $0xFFFFFFFF, v47;
	vm0 =	vnez.u8 v48  }
0x1b2: {  	v34 =	vadd.f32 v34, v36;
	v61 =	vld [tilespmem:$0x1FB20];
	[tilespmem:$0x1FBB0] =	vst v37;
	v37 =	vsel vm0, $0x3F800000, v0;
	vm0 =	vnez.u8 v49  }
0x1b3: {  	v62 =	vld [tilespmem:$0x1FB30];
	v38 =	vsel vm0, $0x3F800000, v0;
	vm0 =	vnez.u8 v50  }
0x1b4: {  	v33 =	vadd.f32 v33, v34;
	v47 =	vld [tilespmem:$0x1FB40];
	v39 =	vsel vm0, $0x3F800000, v0;
	vm0 =	vnez.u8 v53  }
0x1b5: {  	v26 =	vadd.f32 v26, v28;
	v28 =	vld [tilespmem:$0x1FFB0];
	v40 =	vsel vm0, $0x3F800000, v0;
	vm0 =	vnez.u8 v59  }
0x1b6: {  	v30 =	vadd.f32 v30, v33;
	v48 =	vld [tilespmem:$0x1FFE0];
	v42 =	vsel vm0, $0x3F800000, v0;
	vm0 =	vnez.u8 v60  }
0x1b7: {  	v49 =	vld [tilespmem:$0x1FB50];
	v43 =	vsel vm0, $0x3F800000, v0;
	vm0 =	vnez.u8 v61  }
0x1b8: {  	v50 =	vadd.f32 v25, v30;
	v25 =	vld [tilespmem:$0x1FB60];
	v44 =	vsel vm0, $0x3F800000, v0;
	vm0 =	vnez.u8 v62  }
0x1b9: {  	v14 =	vadd.f32 v14, v9;
	v45 =	vsel vm0, $0x3F800000, v0;
	vm0 =	vnez.u8 v47  }
0x1ba: {  	v10 =	vadd.f32 v23, v10;
	v36 =	vsel vm0, $0x3F800000, v0;
	vm0 =	vnez.u8 v28  }
0x1bb: {  	vm4 =	vmmov vm1;
	v28 =	vsel vm0, $0x3F800000, v0;
	vm0 =	vnez.u8 v48  }
0x1bc: {  	vm1 =	vgt.f32 v52, v51;
	v34 =	vsel vm0, $0x3F800000, v0;
	vm0 =	vnez.u8 v49  }
0x1bd: {  	v56 =	vsel vm15, $0x3F800000, v0;
	vm15 =	vmand vm1, vm0;
	vm0 =	vnez.u8 v25;
	v25 =	vld [tilespmem:$0x1FB70]  }
0x1be: {  	v29 =	vadd.f32 v35, v29;
	v14 =	vadd.f32 v16, v14  }
0x1bf: {  	v10 =	vadd.f32 v22, v10  }
0x1c0: {  	v29 =	vadd.f32 v32, v29;
	v14 =	vadd.f32 v15, v14  }
0x1c1: {  	v15 =	vadd.f32 v20, v10;
	v20 =	vld [tilespmem:$0x1FB80];
	vm2 =	vge.f32 v54, v55;
	vm1 =	vge.f32 v57, v58  }
0x1c2: {  	vm10 =	vmand vm3, vm2;
	vm2 =	vmand vm0, vm1;
	vm0 =	vnez.u8 v25;
	v25 =	vld [tilespmem:s23+$0x18000]  }
0x1c3: {  	v29 =	vadd.f32 v31, v29;
	_ =	sdelay $0x1  }
0x1c4: {  	v51 =	vadd.f32 v24, v29;
	v24 =	vld [tilespmem:s23+$0x16000]  }
0x1c5: {  	v11 =	vadd.f32 v21, v11;
	vm3 =	vgt.f32 v58, v57;
	v26 =	vadd.f32 v38, v26  }
0x1c6: {  	v58 =	vsel vm2, $0x3F800000, v0;
	v57 =	vnsel vm2, $0x0, v25;
	vm2 =	vnez.u8 v20;
	v20 =	vld [tilespmem:$0x1FB90]  }
0x1c7: {  	v11 =	vadd.f32 v19, v11  }
0x1c8: {  	v26 =	vadd.f32 v40, v26  }
0x1c9: {  	v11 =	vadd.f32 v18, v11;
	v9 =	vld [tilespmem:s23+$0x18050];
	v63 =	vsel vm14, $0x3F800000, v0;
	v23 =	vnsel vm11, $0x0, v24  }
0x1ca: {  	v19 =	vld [tilespmem:s23+$0x16010];
	v52 =	vadd.f32 v42, v26;
	v26 =	vadd.f32 v44, v12;
	vm1 =	vgt.f32 v55, v54  }
0x1cb: {  	v16 =	vld [tilespmem:s23+$0x16020];
	vm14 =	vmand vm1, vm0;
	vm0 =	vnez.u8 v20;
	v20 =	vadd.f32 v8, v14  }
0x1cc: {  	v15 =	vadd.f32 v17, v15;
	v10 =	vld [tilespmem:s23+$0x1A050];
	v6 =	vadd.f32 v23, v6  }
0x1cd: {  	v17 =	vsel vm5, $0x3F800000, v0;
	v21 =	vadd.f32 v45, v26;
	v23 =	vadd.f32 v4, v20;
	v4 =	vld [tilespmem:$0x1FBA0]  }
0x1ce: {  	vm6 =	vmand vm3, vm6;
	v27 =	vadd.f32 v37, v27;
	v26 =	vadd.f32 v7, v15;
	v7 =	vld [tilespmem:s23+$0x1A040]  }
0x1cf: {  	vm3 =	vmmov vm7;
	vm7 =	vmmov vm13;
	v22 =	vadd.f32 v63, v21;
	v21 =	vld [tilespmem:s23+$0x18010]  }
0x1d0: {  	vm13 =	vmmov vm4;
	v27 =	vadd.f32 v39, v27;
	v60 =	vsel vm10, $0x3F800000, v0;
	v14 =	vld [tilespmem:s23+$0x16030]  }
0x1d1: {  	v18 =	vadd.f32 v36, v22;
	v22 =	vadd.f32 v13, v11;
	v13 =	vnsel vm5, $0x0, v19;
	v11 =	vld [tilespmem:s23+$0x18040]  }
0x1d2: {  	v27 =	vadd.f32 v56, v27;
	v6 =	vadd.f32 v13, v6;
	v13 =	vld [tilespmem:s23+$0x18030];
	vm1 =	vnez.u8 v4  }
0x1d3: {  	v18 =	vadd.f32 v28, v18;
	v22 =	vadd.f32 v5, v22;
	v8 =	vld [tilespmem:s23+$0x16040];
	v4 =	vnsel vm1, $0x0, v16  }
0x1d4: {  	v56 =	vsel vm11, $0x3F800000, v0;
	v5 =	vadd.f32 v1, v23;
	v23 =	vld [tilespmem:$0x1FBD0];
	v6 =	vadd.f32 v4, v6  }
0x1d5: {  	v53 =	vadd.f32 v43, v27;
	v20 =	vld [tilespmem:s23+$0x1A030];
	v4 =	vadd.f32 v34, v18;
	v18 =	vnsel vm2, $0x0, v14  }
0x1d6: {  	v62 =	vadd.f32 v56, v52;
	v31 =	vnsel vm7, $0x0, v7;
	v1 =	vadd.f32 v18, v6;
	v18 =	vld [tilespmem:$0x1FBB0]  }
0x1d7: {  	v27 =	vld [tilespmem:s23+$0x1A000];
	v63 =	vadd.f32 v58, v53;
	v59 =	vnsel vm10, $0x0, v21;
	v30 =	vnsel vm9, $0x0, v11  }
0x1d8: {  	v12 =	vld [tilespmem:s23+$0x16050];
	v32 =	vnsel vm3, $0x0, v13;
	v29 =	vnsel vm0, $0x0, v10;
	vm0 =	vmmov vm12  }
0x1d9: {  	vm5 =	vnez.u8 v23;
	v6 =	vadd.f32 v2, v22;
	v2 =	vadd.f32 v3, v26;
	v26 =	vld [tilespmem:s23+$0x1A010]  }
0x1da: {  	v33 =	vnsel vm12, $0x0, v20;
	v15 =	vsel vm1, $0x3F800000, v0;
	v23 =	vld [tilespmem:s23+$0x1A020];
	v28 =	vnsel vm5, $0x0, v9  }
0x1db: {  	v3 =	vnsel vm4, $0x0, v8;
	v22 =	vld [tilespmem:s23+$0x18020];
	vm4 =	vnez.u8 v18;
	v18 =	vimm.s32 $0x0  }
0x1dc: {  	v1 =	vadd.f32 v3, v1;
	v3 =	vnsel vm6, $0x0, v27;
	v18 =	vsel vm8, $0xFFFFFFFF, v18  }
0x1dd: {  	vm5 =	vmmov vm9;
	v3 =	vadd.f32 v3, v51;
	[tilespmem:$0x1FBC0] =	vst v18;
	v18 =	vnsel vm8, $0x0, v12  }
0x1de: {  	v61 =	vnsel vm14, $0x0, v26;
	v1 =	vadd.f32 v18, v1;
	v18 =	vadd.f32 v57, v50  }
0x1df: {  	v35 =	vnsel vm15, $0x0, v23;
	v36 =	vadd.f32 v61, v3;
	v3 =	vadd.f32 v17, v62  }
0x1e0: {  	s23 =	simm.s32 $0x200;
	v34 =	vnsel vm4, $0x0, v22;
	v17 =	vadd.f32 v60, v63;
	v18 =	vadd.f32 v59, v18  }
.LBB2_4:
0x1e1: {  	v51 =	vsel vm4, $0x3F800000, v0;
	v3 =	vadd.f32 v15, v3  }
0x1e2: {  	v5 =	vadd.f32 v24, v5;
	v15 =	vadd.f32 v51, v17;
	v17 =	vsel vm2, $0x3F800000, v0  }
0x1e3: {  	v2 =	vadd.f32 v27, v2;
	v3 =	vadd.f32 v17, v3  }
0x1e4: {  	v18 =	vadd.f32 v34, v18;
	v5 =	vadd.f32 v19, v5;
	v17 =	vsel vm13, $0x3F800000, v0  }
0x1e5: {  	v2 =	vadd.f32 v26, v2;
	v17 =	vadd.f32 v17, v3;
	v3 =	vld [tilespmem:$0x1FBC0]  }
0x1e6: {  	v18 =	vadd.f32 v32, v18  }
0x1e7: {  	v5 =	vadd.f32 v16, v5;
	v2 =	vadd.f32 v23, v2  }
0x1e8: {  	s24 =	sshra.s32 s23, $0x2;
	v6 =	vadd.f32 v25, v6;
	v18 =	vadd.f32 v30, v18  }
0x1e9: {  	v24 =	vld [tilespmem:s24+$0xE040];
	v5 =	vadd.f32 v14, v5;
	v2 =	vadd.f32 v20, v2  }
0x1ea: {  	v27 =	vld [tilespmem:s24+$0x10040];
	vm2 =	vnez.u8 v3;
	v3 =	vadd.f32 v28, v18;
	v28 =	vsel vm6, $0x3F800000, v0  }
0x1eb: {  	v2 =	vadd.f32 v7, v2;
	v7 =	vld [tilespmem:$0x1FB90];
	v4 =	vadd.f32 v28, v4  }
0x1ec: {  	v25 =	vsel vm14, $0x3F800000, v0;
	v19 =	vld [tilespmem:s24+$0x12040];
	v6 =	vadd.f32 v21, v6  }
0x1ed: {  	v5 =	vadd.f32 v8, v5;
	v4 =	vadd.f32 v25, v4;
	v25 =	vld [tilespmem:s24+$0x14040]  }
0x1ee: {  	v21 =	vsel vm15, $0x3F800000, v0;
	v6 =	vadd.f32 v22, v6  }
0x1ef: {  	v5 =	vadd.f32 v12, v5;
	v2 =	vadd.f32 v10, v2;
	v10 =	vimm.s32 $0x0  }
0x1f0: {  	v4 =	vadd.f32 v21, v4;
	v21 =	vsel vm0, $0x3F800000, v0;
	vm0 =	vnez.u8 v7  }
0x1f1: {  	v12 =	vimm.s32 $0x0;
	v7 =	vsel vm0, $0x3F800000, v0;
	vm0 =	vgt.f32 v27, v24  }
0x1f2: {  	v4 =	vadd.f32 v21, v4;
	v10 =	vsel vm0, $0xFFFFFFFF, v10;
	vm0 =	vge.f32 v19, v25  }
0x1f3: {  	v6 =	vadd.f32 v13, v6;
	v13 =	vsel vm7, $0x3F800000, v0;
	v12 =	vsel vm0, $0xFFFFFFFF, v12  }
0x1f4: {  	v16 =	vld [tilespmem:s24+$0xE030];
	v4 =	vadd.f32 v13, v4;
	vm0 =	vgt.f32 v25, v19;
	[tilespmem:$0x1F960] =	vst v12;
	v12 =	vimm.s32 $0x0  }
0x1f5: {  	v22 =	vld [tilespmem:s24+$0x10030];
	v13 =	vimm.s32 $0x0;
	v12 =	vsel vm0, $0xFFFFFFFF, v12;
	vm0 =	vge.f32 v27, v25  }
0x1f6: {  	v13 =	vsel vm0, $0xFFFFFFFF, v13  }
0x1f7: {  	vm0 =	vgt.f32 v19, v24;
	[tilespmem:$0x1F7D0] =	vst v13;
	v13 =	vimm.s32 $0x0  }
0x1f8: {  	v13 =	vsel vm0, $0xFFFFFFFF, v13  }
0x1f9: {  	vm11 =	vge.f32 v27, v19;
	vm0 =	vgt.f32 v19, v27;
	[tilespmem:$0x1F7F0] =	vst v13;
	v13 =	vimm.s32 $0x0  }
0x1fa: {  	v14 =	vld [tilespmem:s24+$0x12030];
	v19 =	vimm.s32 $0x0;
	v13 =	vsel vm0, $0xFFFFFFFF, v13;
	vm0 =	vgt.f32 v22, v16  }
0x1fb: {  	v19 =	vsel vm0, $0xFFFFFFFF, v19  }
0x1fc: {  	v20 =	vld [tilespmem:s24+$0x14030];
	vm0 =	vgt.f32 v25, v24;
	[tilespmem:$0x1F980] =	vst v19;
	v19 =	vimm.s32 $0x0  }
0x1fd: {  	v19 =	vsel vm0, $0xFFFFFFFF, v19  }
0x1fe: {  	vm0 =	vgt.f32 v25, v27;
	[tilespmem:$0x1F810] =	vst v19;
	v19 =	vimm.s32 $0x0  }
0x1ff: {  	v21 =	vimm.s32 $0x0;
	v19 =	vsel vm0, $0xFFFFFFFF, v19;
	vm0 =	vge.f32 v22, v14  }
0x200: {  	v8 =	vld [tilespmem:s24+$0xE020];
	v21 =	vsel vm0, $0xFFFFFFFF, v21  }
0x201: {  	v6 =	vadd.f32 v11, v6;
	v11 =	vld [tilespmem:s24+$0x10020];
	vm0 =	vge.f32 v14, v20;
	[tilespmem:$0x1F7E0] =	vst v21;
	v21 =	vimm.s32 $0x0  }
0x202: {  	v23 =	vimm.s32 $0x0;
	v21 =	vsel vm0, $0xFFFFFFFF, v21  }
0x203: {  	v6 =	vadd.f32 v9, v6;
	vm0 =	vgt.f32 v20, v14;
	[tilespmem:$0x1F9A0] =	vst v21;
	v21 =	vimm.s32 $0x0  }
0x204: {  	v4 =	vadd.f32 v7, v4;
	v21 =	vsel vm0, $0xFFFFFFFF, v21;
	vm0 =	vgt.f32 v14, v16  }
0x205: {  	v7 =	vld [tilespmem:s24+$0x12020];
	v23 =	vsel vm0, $0xFFFFFFFF, v23;
	vm0 =	vgt.f32 v14, v22;
	v14 =	vimm.s32 $0x0  }
0x206: {  	[tilespmem:$0x1F840] =	vst v23;
	v14 =	vsel vm0, $0xFFFFFFFF, v14;
	vm0 =	vgt.f32 v11, v8;
	v23 =	vimm.s32 $0x0  }
0x207: {  	v9 =	vld [tilespmem:s24+$0x14020];
	v23 =	vsel vm0, $0xFFFFFFFF, v23;
	vm0 =	vgt.f32 v20, v16;
	v16 =	vimm.s32 $0x0  }
0x208: {  	v16 =	vsel vm0, $0xFFFFFFFF, v16  }
0x209: {  	vm6 =	vge.f32 v22, v20;
	vm0 =	vgt.f32 v20, v22;
	[tilespmem:$0x1F860] =	vst v16;
	v16 =	vimm.s32 $0x0  }
0x20a: {  	v20 =	vimm.s32 $0x0;
	v16 =	vsel vm0, $0xFFFFFFFF, v16;
	vm0 =	vge.f32 v11, v7  }
0x20b: {  	[tilespmem:$0x1F920] =	vst v10;
	v20 =	vsel vm0, $0xFFFFFFFF, v20  }
0x20c: {  	v10 =	vld [tilespmem:s24+$0xE010];
	vm0 =	vge.f32 v7, v9;
	[tilespmem:$0x1F830] =	vst v20;
	v20 =	vimm.s32 $0x0  }
0x20d: {  	[tilespmem:$0x1F970] =	vst v12;
	v12 =	vld [tilespmem:s24+$0x10010];
	v20 =	vsel vm0, $0xFFFFFFFF, v20  }
0x20e: {  	vm0 =	vgt.f32 v9, v7;
	[tilespmem:$0x1FA00] =	vst v20;
	v20 =	vimm.s32 $0x0  }
0x20f: {  	v22 =	vimm.s32 $0x0;
	v20 =	vsel vm0, $0xFFFFFFFF, v20;
	vm0 =	vgt.f32 v7, v8  }
0x210: {  	v22 =	vsel vm0, $0xFFFFFFFF, v22;
	vm0 =	vgt.f32 v7, v11;
	v7 =	vimm.s32 $0x0  }
0x211: {  	v7 =	vsel vm0, $0xFFFFFFFF, v7  }
0x212: {  	vm0 =	vgt.f32 v12, v10;
	[tilespmem:$0x1F8A0] =	vst v7;
	v7 =	vimm.s32 $0x0  }
0x213: {  	[tilespmem:$0x1F800] =	vst v13;
	v13 =	vld [tilespmem:s24+$0x12010];
	v7 =	vsel vm0, $0xFFFFFFFF, v7  }
0x214: {  	vm0 =	vgt.f32 v9, v8;
	[tilespmem:$0x1F9B0] =	vst v7;
	v7 =	vimm.s32 $0x0  }
0x215: {  	[tilespmem:$0x1F820] =	vst v19;
	v19 =	vld [tilespmem:s24+$0x14010];
	v7 =	vsel vm0, $0xFFFFFFFF, v7  }
0x216: {  	vm0 =	vgt.f32 v9, v11;
	[tilespmem:$0x1F8B0] =	vst v7;
	v7 =	vimm.s32 $0x0  }
0x217: {  	v7 =	vsel vm0, $0xFFFFFFFF, v7  }
0x218: {  	vm0 =	vge.f32 v12, v13;
	[tilespmem:$0x1F8C0] =	vst v7;
	v7 =	vimm.s32 $0x0  }
0x219: {  	v7 =	vsel vm0, $0xFFFFFFFF, v7  }
0x21a: {  	vm0 =	vge.f32 v13, v19;
	[tilespmem:$0x1F880] =	vst v7;
	v7 =	vimm.s32 $0x0  }
0x21b: {  	[tilespmem:$0x1F9C0] =	vst v21;
	v7 =	vsel vm0, $0xFFFFFFFF, v7  }
0x21c: {  	v21 =	vld [tilespmem:s24+$0xE000];
	vm0 =	vgt.f32 v19, v13;
	[tilespmem:$0x1FA20] =	vst v7;
	v7 =	vimm.s32 $0x0  }
0x21d: {  	[tilespmem:$0x1F850] =	vst v14;
	v14 =	vld [tilespmem:s24+$0x10000];
	v7 =	vsel vm0, $0xFFFFFFFF, v7  }
0x21e: {  	vm0 =	vgt.f32 v13, v10;
	[tilespmem:$0x1FA60] =	vst v7;
	v7 =	vimm.s32 $0x0  }
0x21f: {  	v7 =	vsel vm0, $0xFFFFFFFF, v7  }
0x220: {  	vm0 =	vgt.f32 v13, v12;
	[tilespmem:$0x1F8D0] =	vst v7;
	v7 =	vimm.s32 $0x0  }
0x221: {  	[tilespmem:$0x1F870] =	vst v16;
	v7 =	vsel vm0, $0xFFFFFFFF, v7  }
0x222: {  	v16 =	vld [tilespmem:s24+$0x12000];
	vm0 =	vgt.f32 v14, v21;
	[tilespmem:$0x1F8E0] =	vst v7;
	v7 =	vimm.s32 $0x0  }
0x223: {  	[tilespmem:$0x1FA30] =	vst v20;
	v20 =	vld [tilespmem:s24+$0x14000];
	v7 =	vsel vm0, $0xFFFFFFFF, v7  }
0x224: {  	vm0 =	vgt.f32 v19, v10;
	[tilespmem:$0x1F950] =	vst v7;
	v7 =	vimm.s32 $0x0  }
0x225: {  	v7 =	vsel vm0, $0xFFFFFFFF, v7  }
0x226: {  	vm0 =	vgt.f32 v19, v12;
	[tilespmem:$0x1F8F0] =	vst v7;
	v7 =	vimm.s32 $0x0  }
0x227: {  	v7 =	vsel vm0, $0xFFFFFFFF, v7  }
0x228: {  	vm0 =	vge.f32 v16, v20;
	[tilespmem:$0x1F900] =	vst v7;
	v7 =	vimm.s32 $0x0  }
0x229: {  	v55 =	vld [tilespmem:s24+$0x10050];
	v7 =	vsel vm0, $0xFFFFFFFF, v7  }
0x22a: {  	v56 =	vld [tilespmem:s24+$0x12050];
	vm0 =	vgt.f32 v20, v16;
	[tilespmem:$0x1FA50] =	vst v7;
	v7 =	vimm.s32 $0x0  }
0x22b: {  	v57 =	vld [tilespmem:s24+$0x14050];
	v7 =	vsel vm0, $0xFFFFFFFF, v7  }
0x22c: {  	[tilespmem:$0x1FA70] =	vst v7;
	v7 =	vld [tilespmem:$0x1F7D0];
	_ =	sdelay $0x2  }
0x22d: {  	v50 =	vadd.f32 v35, v36;
	v54 =	vsel vm3, $0x3F800000, v0;
	v52 =	vld [tilespmem:s24+$0xE050]  }
0x22e: {  	vm3 =	vge.f32 v55, v57;
	v58 =	vsel vm2, $0x3F800000, v0;
	vm2 =	vge.f32 v55, v56  }
0x22f: {  	vm2 =	vmand vm2, vm3;
	vm3 =	vnez.u8 v7;
	v7 =	vld [tilespmem:$0x1F7E0]  }
0x230: {  	v53 =	vadd.f32 v33, v50;
	_ =	sdelay $0x1  }
0x231: {  	v30 =	vadd.f32 v31, v53;
	v31 =	vsel vm5, $0x3F800000, v0;
	vm4 =	vgt.f32 v56, v52  }
0x232: {  	vm5 =	vgt.f32 v56, v55;
	vm7 =	vgt.f32 v57, v52;
	vm8 =	vgt.f32 v57, v55  }
0x233: {  	vm4 =	vmand vm4, vm5;
	vm5 =	vmand vm7, vm8;
	vm7 =	vnez.u8 v7  }
0x234: {  	v7 =	vimm.s32 $0x0;
	vm6 =	vmand vm7, vm6  }
0x235: {  	v7 =	vsel vm6, $0xFFFFFFFF, v7  }
0x236: {  	[tilespmem:$0x1F990] =	vst v7;
	v7 =	vld [tilespmem:$0x1F7F0];
	_ =	sdelay $0x4  }
0x237: {  	vm6 =	vnez.u8 v7;
	v7 =	vld [tilespmem:$0x1F800];
	_ =	sdelay $0x4  }
0x238: {  	vm7 =	vnez.u8 v7;
	v7 =	vld [tilespmem:$0x1F810];
	_ =	sdelay $0x4  }
0x239: {  	vm6 =	vmand vm6, vm7;
	vm7 =	vnez.u8 v7;
	v7 =	vld [tilespmem:$0x1F820];
	_ =	sdelay $0x4  }
0x23a: {  	vm8 =	vnez.u8 v7;
	v7 =	vld [tilespmem:$0x1F830];
	_ =	sdelay $0x4  }
0x23b: {  	vm15 =	vge.f32 v11, v9;
	vm7 =	vmand vm7, vm8;
	vm8 =	vnez.u8 v7  }
0x23c: {  	v7 =	vimm.s32 $0x0;
	vm8 =	vmand vm8, vm15  }
0x23d: {  	v7 =	vsel vm8, $0xFFFFFFFF, v7  }
0x23e: {  	[tilespmem:$0x1F9F0] =	vst v7;
	v7 =	vld [tilespmem:$0x1F840];
	_ =	sdelay $0x4  }
0x23f: {  	vm8 =	vnez.u8 v7;
	v7 =	vld [tilespmem:$0x1F850];
	_ =	sdelay $0x4  }
0x240: {  	vm3 =	vmand vm11, vm3;
	vm11 =	vnez.u8 v7;
	v7 =	vld [tilespmem:$0x1F860];
	_ =	sdelay $0x4  }
0x241: {  	vm11 =	vmand vm8, vm11;
	vm8 =	vnez.u8 v7;
	v7 =	vld [tilespmem:$0x1F870];
	_ =	sdelay $0x1  }
0x242: {  	v13 =	vld [tilespmem:$0x1F880];
	_ =	sdelay $0x2  }
0x243: {  	vm15 =	vnez.u8 v7  }
0x244: {  	[tilespmem:$0x1F890] =	vst v22;
	v7 =	vimm.s32 $0x0;
	vm8 =	vmand vm8, vm15  }
0x245: {  	v7 =	vsel vm8, $0xFFFFFFFF, v7;
	vm8 =	vnez.u8 v13;
	v13 =	vld [tilespmem:$0x1F890];
	_ =	sdelay $0x3  }
0x246: {  	vm14 =	vge.f32 v12, v19  }
0x247: {  	vm8 =	vmand vm8, vm14;
	vm14 =	vnez.u8 v13;
	v13 =	vld [tilespmem:$0x1F8A0];
	_ =	sdelay $0x4  }
0x248: {  	vm15 =	vnez.u8 v13  }
0x249: {  	v13 =	vimm.s32 $0x0;
	vm14 =	vmand vm14, vm15  }
0x24a: {  	v13 =	vsel vm14, $0xFFFFFFFF, v13  }
0x24b: {  	[tilespmem:$0x1FA10] =	vst v13;
	v13 =	vld [tilespmem:$0x1F8B0];
	_ =	sdelay $0x4  }
0x24c: {  	vm15 =	vnez.u8 v13;
	v13 =	vld [tilespmem:$0x1F8C0];
	_ =	sdelay $0x4  }
0x24d: {  	vm14 =	vnez.u8 v13  }
0x24e: {  	v13 =	vimm.s32 $0x0;
	vm14 =	vmand vm15, vm14  }
0x24f: {  	v13 =	vsel vm14, $0xFFFFFFFF, v13  }
0x250: {  	[tilespmem:$0x1FA40] =	vst v13;
	v13 =	vld [tilespmem:$0x1F8D0];
	_ =	sdelay $0x3  }
0x251: {  	vm13 =	vge.f32 v14, v16;
	vm0 =	vge.f32 v14, v20  }
0x252: {  	vm0 =	vmand vm13, vm0;
	vm13 =	vnez.u8 v13;
	v13 =	vld [tilespmem:$0x1F8E0];
	_ =	sdelay $0x3  }
0x253: {  	v18 =	vld [tilespmem:$0x1FBD0]  }
0x254: {  	vm14 =	vnez.u8 v13;
	v13 =	vld [tilespmem:$0x1F8F0];
	_ =	sdelay $0x1  }
0x255: {  	v15 =	vadd.f32 v54, v15;
	_ =	sdelay $0x1  }
0x256: {  	v31 =	vadd.f32 v31, v15;
	v15 =	vadd.f32 v29, v30  }
0x257: {  	vm1 =	vnez.u8 v18;
	vm13 =	vmand vm13, vm14;
	vm14 =	vnez.u8 v13;
	v13 =	vld [tilespmem:$0x1F900]  }
0x258: {  	v29 =	vimm.s32 $0x0;
	v18 =	vsel vm1, $0x3F800000, v0;
	vm1 =	vgt.f32 v55, v52  }
0x259: {  	v28 =	vimm.s32 $0x0;
	v29 =	vsel vm1, $0xFFFFFFFF, v29;
	vm1 =	vge.f32 v56, v57  }
0x25a: {  	v26 =	vimm.s32 $0x0;
	v28 =	vsel vm1, $0xFFFFFFFF, v28;
	vm1 =	vgt.f32 v57, v56  }
0x25b: {  	v26 =	vsel vm1, $0xFFFFFFFF, v26;
	vm9 =	vgt.f32 v20, v21;
	vm1 =	vgt.f32 v20, v14  }
0x25c: {  	vm1 =	vmand vm9, vm1;
	vm15 =	vnez.u8 v13;
	v13 =	vimm.s32 $0x0  }
0x25d: {  	[tilespmem:$0x1F910] =	vst v29;
	v13 =	vsel vm1, $0xFFFFFFFF, v13  }
0x25e: {  	[tilespmem:$0x1FA80] =	vst v13;
	v13 =	vld [tilespmem:$0x1F910]  }
0x25f: {  	vm12 =	vgt.f32 v16, v21;
	vm10 =	vgt.f32 v16, v14;
	v16 =	vld [tilespmem:$0x1F920];
	_ =	sdelay $0x3  }
0x260: {  	[tilespmem:$0x1F930] =	vst v28;
	vm1 =	vnez.u8 v13  }
0x261: {  	vm1 =	vmand vm2, vm1;
	vm2 =	vnez.u8 v16;
	v16 =	vld [tilespmem:$0x1F930];
	_ =	sdelay $0x3  }
0x262: {  	[tilespmem:$0x1F940] =	vst v26  }
0x263: {  	vm3 =	vmand vm3, vm2;
	vm2 =	vnez.u8 v16;
	v16 =	vld [tilespmem:$0x1F940];
	_ =	sdelay $0x4  }
0x264: {  	vm4 =	vmand vm4, vm2;
	vm2 =	vnez.u8 v16;
	v16 =	vld [tilespmem:$0x1F950]  }
0x265: {  	v20 =	vld [tilespmem:$0x1F960];
	_ =	sdelay $0x3  }
0x266: {  	vm5 =	vmand vm2, vm5;
	vm2 =	vnez.u8 v16  }
0x267: {  	vm12 =	vmand vm12, vm10;
	vm10 =	vmand vm0, vm2;
	vm0 =	vnez.u8 v20;
	v20 =	vld [tilespmem:$0x1F970];
	_ =	sdelay $0x1  }
0x268: {  	v22 =	vld [tilespmem:$0x1F980];
	_ =	sdelay $0x2  }
0x269: {  	vm2 =	vnez.u8 v20  }
0x26a: {  	v24 =	vld [tilespmem:s24+$0x16000];
	v20 =	vimm.s32 $0x0;
	vm2 =	vmand vm2, vm7  }
0x26b: {  	v20 =	vsel vm2, $0xFFFFFFFF, v20;
	vm2 =	vnez.u8 v22;
	v22 =	vld [tilespmem:$0x1F990];
	_ =	sdelay $0x3  }
0x26c: {  	v13 =	vimm.s32 $0x0  }
0x26d: {  	v13 =	vsel vm1, $0xFFFFFFFF, v13;
	v21 =	vnsel vm10, $0x0, v24;
	vm1 =	vnez.u8 v22;
	v22 =	vld [tilespmem:$0x1F9A0]  }
0x26e: {  	v1 =	vadd.f32 v21, v1;
	v21 =	vld [tilespmem:$0x1F9B0];
	_ =	sdelay $0x3  }
0x26f: {  	vm7 =	vmand vm1, vm2;
	vm2 =	vnez.u8 v22  }
0x270: {  	vm1 =	vmand vm11, vm2;
	vm2 =	vnez.u8 v21;
	v21 =	vld [tilespmem:$0x1F9C0];
	_ =	sdelay $0x3  }
0x271: {  	[tilespmem:$0x1F9D0] =	vst v7  }
0x272: {  	vm9 =	vmand vm8, vm2;
	vm2 =	vnez.u8 v21;
	v21 =	vld [tilespmem:$0x1F9D0];
	_ =	sdelay $0x3  }
0x273: {  	[tilespmem:$0x1F9E0] =	vst v23;
	v22 =	vimm.s32 $0x0  }
0x274: {  	v22 =	vsel vm1, $0xFFFFFFFF, v22;
	vm1 =	vnez.u8 v21;
	v21 =	vld [tilespmem:$0x1F9E0];
	_ =	sdelay $0x3  }
0x275: {  	v19 =	vld [tilespmem:s24+$0x16010]  }
0x276: {  	vm14 =	vmand vm14, vm15;
	vm15 =	vmand vm2, vm1;
	vm2 =	vnez.u8 v21;
	v21 =	vld [tilespmem:$0x1F9F0];
	_ =	sdelay $0x3  }
0x277: {  	v26 =	vld [tilespmem:$0x1FA20]  }
0x278: {  	vm0 =	vmand vm6, vm0;
	v25 =	vnsel vm9, $0x0, v19;
	vm6 =	vnez.u8 v21;
	v21 =	vld [tilespmem:$0x1FA00]  }
0x279: {  	v1 =	vadd.f32 v25, v1;
	v25 =	vld [tilespmem:$0x1FA30];
	_ =	sdelay $0x3  }
0x27a: {  	vm11 =	vmand vm6, vm2;
	vm6 =	vnez.u8 v26;
	vm2 =	vnez.u8 v21;
	v21 =	vld [tilespmem:$0x1FA10]  }
0x27b: {  	vm8 =	vmand vm13, vm6;
	vm13 =	vmmov vm4;
	vm4 =	vnez.u8 v25;
	v25 =	vld [tilespmem:$0x1FA40];
	_ =	sdelay $0x3  }
0x27c: {  	vm1 =	vnez.u8 v21  }
0x27d: {  	vm2 =	vmand vm1, vm2;
	vm1 =	vnez.u8 v25;
	v25 =	vld [tilespmem:$0x1FA50];
	_ =	sdelay $0x2  }
0x27e: {  	v23 =	vld [tilespmem:s24+$0x1A020]  }
0x27f: {  	v8 =	vld [tilespmem:s24+$0x16040]  }
0x280: {  	vm6 =	vnez.u8 v25;
	v25 =	vld [tilespmem:$0x1FA60]  }
0x281: {  	v28 =	vld [tilespmem:$0x1FA70]  }
0x282: {  	v9 =	vld [tilespmem:s24+$0x18050]  }
0x283: {  	v10 =	vld [tilespmem:s24+$0x1A050]  }
0x284: {  	v16 =	vld [tilespmem:s24+$0x16020]  }
0x285: {  	v29 =	vimm.s32 $0x0;
	v14 =	vld [tilespmem:s24+$0x16030];
	vm12 =	vmand vm12, vm6;
	vm6 =	vnez.u8 v25  }
0x286: {  	v29 =	vsel vm5, $0xFFFFFFFF, v29;
	vm14 =	vmand vm6, vm14;
	vm6 =	vnez.u8 v28;
	v28 =	vld [tilespmem:$0x1FA80]  }
0x287: {  	v11 =	vld [tilespmem:s24+$0x18040];
	[tilespmem:$0x1FB90] =	vst v29  }
0x288: {  	v17 =	vadd.f32 v58, v17;
	v18 =	vadd.f32 v18, v31;
	[tilespmem:$0x1FAA0] =	vst v20;
	v20 =	vld [tilespmem:s24+$0x1A030]  }
0x289: {  	v37 =	vnsel vm3, $0x0, v8;
	v29 =	vnsel vm5, $0x0, v10;
	[tilespmem:$0x1FA90] =	vst v22;
	v22 =	vld [tilespmem:s24+$0x18020];
	v27 =	vnsel vm11, $0x0, v16  }
0x28a: {  	[tilespmem:$0x1FBC0] =	vst v13;
	v41 =	vsel vm10, $0x3F800000, v0;
	vm5 =	vmmov vm0;
	v1 =	vadd.f32 v27, v1;
	v25 =	vld [tilespmem:s24+$0x18000]  }
0x28b: {  	v30 =	vnsel vm7, $0x0, v14;
	vm4 =	vmand vm4, vm1;
	vm1 =	vnez.u8 v28;
	v28 =	vld [tilespmem:$0x1FBC0]  }
0x28c: {  	v17 =	vadd.f32 v41, v17;
	v63 =	vsel vm9, $0x3F800000, v0;
	v27 =	vld [tilespmem:s24+$0x1A000];
	v1 =	vadd.f32 v30, v1  }
0x28d: {  	v31 =	vld [tilespmem:$0x1FA90];
	v33 =	vnsel vm15, $0x0, v20;
	v30 =	vnsel vm0, $0x0, v11;
	vm0 =	vmmov vm15  }
0x28e: {  	v1 =	vadd.f32 v37, v1;
	v21 =	vld [tilespmem:s24+$0x18010];
	v34 =	vnsel vm2, $0x0, v22;
	vm15 =	vmmov vm4  }
0x28f: {  	v26 =	vld [tilespmem:s24+$0x1A010];
	vm4 =	vmmov vm2;
	v35 =	vnsel vm15, $0x0, v23;
	v60 =	vnsel vm12, $0x0, v25  }
0x290: {  	v12 =	vld [tilespmem:s24+$0x16050];
	vm6 =	vmand vm6, vm1;
	vm1 =	vnez.u8 v28;
	v28 =	vimm.s32 $0x0  }
0x291: {  	v7 =	vld [tilespmem:s24+$0x1A040];
	v3 =	vadd.f32 v60, v3;
	v40 =	vnsel vm6, $0x0, v27;
	v28 =	vsel vm13, $0xFFFFFFFF, v28  }
0x292: {  	[tilespmem:$0x1FBD0] =	vst v28;
	v28 =	vnsel vm13, $0x0, v9;
	vm13 =	vmmov vm3;
	vm3 =	vnez.u8 v31;
	v31 =	vld [tilespmem:$0x1FAA0]  }
0x293: {  	p0 =	sne.s32 s23, $0x7E00;
	v13 =	vld [tilespmem:s24+$0x18030];
	v38 =	vnsel vm8, $0x0, v21;
	v61 =	vsel vm12, $0x3F800000, v0;
	v15 =	vadd.f32 v40, v15  }
.Ltmp1:
0x294: {  	v62 =	vadd.f32 v61, v18;
	v39 =	vnsel vm14, $0x0, v26;
	v18 =	vadd.f32 v38, v3;
	(pc) =	sbr.rel @p0 .LBB2_4-.Ltmp1, $4  }
0x295: {  	v3 =	vadd.f32 v63, v17;
	v36 =	vadd.f32 v39, v15;
	v15 =	vsel vm8, $0x3F800000, v0  }
0x296: {  	v59 =	vnsel vm1, $0x0, v12;
	vm1 =	vmmov vm7;
	v17 =	vadd.f32 v15, v62  }
0x297: {  	v15 =	vsel vm11, $0x3F800000, v0;
	v1 =	vadd.f32 v59, v1;
	vm7 =	vnez.u8 v31  }
0x298: {  	s23 =	sadd.s32 $0x200, s23;
	vm2 =	vmmov vm1;
	v32 =	vnsel vm3, $0x0, v13;
	v31 =	vnsel vm7, $0x0, v7  }
0x299: {  	v18 =	vadd.f32 v34, v18;
	v46 =	vadd.f32 v35, v36  }
0x29a: {  	v47 =	vsel vm4, $0x3F800000, v0;
	v3 =	vadd.f32 v15, v3;
	v5 =	vadd.f32 v24, v5  }
0x29b: {  	v57 =	vsel vm6, $0x3F800000, v0;
	v6 =	vadd.f32 v25, v6;
	v2 =	vadd.f32 v27, v2  }
0x29c: {  	v48 =	vadd.f32 v47, v17;
	v4 =	vadd.f32 v57, v4  }
0x29d: {  	v49 =	vsel vm2, $0x3F800000, v0;
	v18 =	vadd.f32 v32, v18;
	v50 =	vadd.f32 v33, v46  }
0x29e: {  	v51 =	vsel vm3, $0x3F800000, v0;
	v3 =	vadd.f32 v49, v3;
	v5 =	vadd.f32 v19, v5  }
0x29f: {  	v55 =	vld [tilespmem:$0x1FBC0];
	v59 =	vsel vm14, $0x3F800000, v0;
	v6 =	vadd.f32 v21, v6;
	v2 =	vadd.f32 v26, v2  }
0x2a0: {  	v58 =	vld [tilespmem:$0x1FBD0];
	v15 =	vadd.f32 v51, v48;
	v4 =	vadd.f32 v59, v4  }
0x2a1: {  	v52 =	vsel vm13, $0x3F800000, v0;
	v18 =	vadd.f32 v30, v18;
	v53 =	vadd.f32 v31, v50  }
0x2a2: {  	v54 =	vsel vm5, $0x3F800000, v0;
	v3 =	vadd.f32 v52, v3;
	v5 =	vadd.f32 v16, v5  }
0x2a3: {  	v60 =	vsel vm15, $0x3F800000, v0;
	v6 =	vadd.f32 v22, v6;
	v2 =	vadd.f32 v23, v2  }
0x2a4: {  	v15 =	vadd.f32 v54, v15;
	vm13 =	vnez.u8 v55;
	v4 =	vadd.f32 v60, v4  }
0x2a5: {  	vm1 =	vnez.u8 v58;
	v18 =	vadd.f32 v28, v18;
	v56 =	vadd.f32 v29, v53  }
0x2a6: {  	[tilespmem:$0x1C000] =	vst v1;
	v63 =	vld [tilespmem:$0x1FB90];
	v17 =	vsel vm13, $0x3F800000, v0;
	v5 =	vadd.f32 v14, v5;
	v1 =	vadd.f32 v13, v6  }
0x2a7: {  	v30 =	vsel vm1, $0x3F800000, v0;
	v2 =	vadd.f32 v20, v2;
	v3 =	vadd.f32 v17, v3  }
0x2a8: {  	v61 =	vsel vm0, $0x3F800000, v0;
	v15 =	vadd.f32 v30, v15;
	[tilespmem:$0x1C080] =	vst v18;
	v5 =	vadd.f32 v8, v5  }
0x2a9: {  	v4 =	vadd.f32 v61, v4;
	[tilespmem:$0x1C100] =	vst v56;
	v1 =	vadd.f32 v11, v1  }
0x2aa: {  	v62 =	vsel vm7, $0x3F800000, v0;
	v2 =	vadd.f32 v7, v2;
	[tilespmem:$0x1C180] =	vst v3;
	v3 =	vadd.f32 v12, v5  }
0x2ab: {  	vm15 =	vnez.u8 v63;
	v4 =	vadd.f32 v62, v4;
	[tilespmem:$0x1C200] =	vst v15;
	v1 =	vadd.f32 v9, v1  }
0x2ac: {  	v6 =	vsel vm15, $0x3F800000, v0;
	v2 =	vadd.f32 v10, v2;
	[tilespmem:$0x1C300] =	vst v3  }
0x2ad: {  	s22 =	sadd.s32 $0x1, s22;
	v4 =	vadd.f32 v6, v4;
	[tilespmem:$0x1C380] =	vst v1  }
0x2ae: {  	p0 =	sne.s32 s22, s18;
	[tilespmem:$0x1C400] =	vst v2  }
.Ltmp2:
0x2af: {  	[tilespmem:$0x1C280] =	vst v4;
	(pc) =	sbr.rel @p0 .LBB2_1-.Ltmp2, $4  }
0x2b0: {  	[hbm4b:s17+s2] =	stream.linear.scatter [tilespmem:s20], [sflag:$0x3], $0x480, $0x38;
	[tilespmem:$0x1C800] =	vst v63  }
0x2b1: {  	_ =	swait.ge [sflag:s21], $0x480  }
0x2b2: {  	[sflag:s21] =	ssyncset.done $0x0  }
0x2b3: {  	[sflag:s21] =	ssyncadd.s32 $0xFFFFFB80  }
0x2b4: {  	_ =	sfence.sel $0x180000  }
0x2b5: {  	[bflag:$0x0] =	sbarrier.arrive $0xFFFF  }
0x2b6: {  	_ =	strace $0x90000047  }
0x2b7: {  	s0 =	stileid.u32;
	[bflag:$0x2] =	sbarrier.arrive $0xFFFF  }
0x2b8: {  	p0 =	sne.s32 s0, $0x0;
	s0 =	rddreg [dreg:$0x3]  }
0x2b9: {  	s0 =	sadd.s32 @!p0 $0x100000, s0  }
0x2ba: {  	[sflag:s0] =	ssyncadd.tile.s32 @!p0 $0x1;
	_ =	shalt  }
.Lfunc_end2:
_tile_overlayer_lowered:
.L_overlay_start_2:
0x2bb: {  	(tag) =	ssettag $0x2  }
0x2bc: {  	s0 =	rddreg [dreg:$0x0];
	s2 =	stileid.u32  }
0x2bd: {  	s1 =	rddreg [dreg:$0x1];
	p0 =	sne.s32 s2, $0x0  }
0x2be: {  	s3 =	rddreg [dreg:$0x2];
	[bflag:$0x3] =	sbarrier.arrive $0xFFFF;
	s2 =	simm.s32 @!p0 $0x1C03  }
0x2bf: {  	[timem:s3], [sflag:s2] =	dma.local @!p0 [hbm:s0], s1  }
0x2c0: {  	s0 =	simm.s32 @!p0 $0x3  }
0x2c1: {  	_ =	swait.ge @!p0 [sflag:s0], s1  }
0x2c2: {  	s1 =	ssub.s32 @!p0 $0x0, s1;
	[sflag:s0] =	ssyncset.done @!p0 $0x0  }
0x2c3: {  	[sflag:s0] =	ssyncadd.s32 @!p0 s1  }
0x2c4: {  	[bflag:$0x3] =	sbarrier.arrive $0xFFFF  }
0x2c5: {  	_ =	shalt  }

</sc_bundles>
